<compile_context>
chip_gen: v7x
topology: tpu7x:2x2x1
jax: 0.10.2.dev20260603
libtpu: 0.0.44.dev20260713+nightly
codegen_flags: <defaults>
</compile_context>

<pallas_src>
import functools

import jax
import jax.numpy as jnp
from jax import lax
from jax.experimental import pallas as pl
from jax.experimental.pallas import tpu as pltpu
from jax.experimental.pallas import tpu_sc as plsc

CHUNK = 128
NBUF = 7
KG = 5


@functools.cache
def _build(n_rows, d):
    info = plsc.get_sparse_core_info()
    nc, ns = info.num_cores, info.num_subcores
    nw = nc * ns
    rows_per_w = n_rows // nw
    n_ch = rows_per_w // CHUNK
    assert rows_per_w * nw == n_rows and n_ch * CHUNK == rows_per_w
    assert n_ch > 2 * NBUF

    mesh = plsc.VectorSubcoreMesh(core_axis_name="c", subcore_axis_name="s")

    @functools.partial(
        pl.kernel,
        out_type=jax.ShapeDtypeStruct((n_rows, d), jnp.float32),
        mesh=mesh,
        scratch_types=(
            [pltpu.VMEM((NBUF, CHUNK), jnp.int32),
             pltpu.VMEM((NBUF, CHUNK, d), jnp.float32)]
            + [pltpu.SemaphoreType.DMA] * (3 * NBUF)
        ),
    )
    def gather(idx_hbm, table_hbm, out_hbm, idx_v, rows_v, *sems):
        isem = sems[0:NBUF]
        gsem = sems[NBUF:2 * NBUF]
        wsem = sems[2 * NBUF:3 * NBUF]
        wid = lax.axis_index("s") * nc + lax.axis_index("c")
        wch = wid * n_ch

        def idx_copy(g, slot):
            return pltpu.make_async_copy(
                idx_hbm.at[pl.ds(wch + g, 1)], idx_v.at[pl.ds(slot, 1)],
                isem[slot])

        def gather_copy(g, slot):
            return pltpu.make_async_copy(
                table_hbm.at[idx_v.at[slot]], rows_v.at[slot], gsem[slot])

        def wb_copy(g, slot):
            return pltpu.make_async_copy(
                rows_v.at[slot],
                out_hbm.at[pl.ds((wch + g) * CHUNK, CHUNK)], wsem[slot])

        def visit(g, j, do_idx, do_gather, wait_wb):
            gather_copy(g, j).wait()
            wb_copy(g, j).start()
            if do_idx:
                idx_copy(g + NBUF, j).start()
            if do_gather:
                j2 = (j + KG) % NBUF
                if wait_wb:
                    wb_copy(g + KG - NBUF, j2).wait()
                idx_copy(g + KG, j2).wait()
                gather_copy(g + KG, j2).start()

        for f in range(NBUF):
            idx_copy(f, f).start()
        for f in range(KG):
            idx_copy(f, f).wait()
            gather_copy(f, f).start()
        for g in range(NBUF):
            visit(g, g, True, True, g + KG - NBUF >= 0)

        n_main = (n_ch - 2 * NBUF) // NBUF

        def body(r, carry):
            for j in range(NBUF):
                visit(r * NBUF + j, j, True, True, True)
            return carry

        lax.fori_loop(1, 1 + n_main, body, 0)

        for g in range((1 + n_main) * NBUF, n_ch):
            visit(g, g % NBUF, g + NBUF < n_ch, g + KG < n_ch, True)
        for g in range(n_ch - NBUF, n_ch):
            wb_copy(g, g % NBUF).wait()

    return gather


def kernel(x, table):
    b, h = x.shape
    _, d = table.shape
    n_rows = b * h
    idx = x.reshape(n_rows // CHUNK, CHUNK).astype(jnp.int32)
    out = _build(n_rows, d)(idx, table)
    return out.reshape(b, h, d)

# --- scband reference (transcript-rebuilt; emitter-appended) ---
"""Pipeline reference for scband-time2-vec-62354335203881 (READ-ONLY COPY).

The authoritative reference and input builder live on the scoring server;
editing this copy changes nothing except your own understanding.
"""

import jax, jax.numpy as jnp
import numpy as np

VOCAB = 100000
N_EMBD = 128
BATCH = 4096
HIST = 200

def setup_inputs(seed: int = 0) -> dict:
    key = jax.random.key(seed)
    k_idx, k_tab = jax.random.split(key)
    x = jax.random.randint(k_idx, (BATCH, HIST), 0, VOCAB, dtype=jnp.int64 if jax.config.jax_enable_x64 else jnp.int32)
    # nn.Embedding default init: N(0, 1)
    table = jax.random.normal(k_tab, (VOCAB, N_EMBD), dtype=jnp.float32)
    return {"x": x, "table": table}

def reference(x, table):
    # Time2Vec.forward: return self.time(x) -> embedding lookup
    return jnp.take(table, x, axis=0)

if __name__ == "__main__":
    import jax
    _d = setup_inputs()
    print(jax.jit(kernel)(*tuple(_d.values())))

</pallas_src>

<mosaic_0001>
#map = affine_map<(d0, d1) -> (0, 0)>
module attributes {stable_mosaic.version = 14 : i64} {
  func.func @gather(%arg0: i32, %arg1: i32, %arg2: memref<6400x128xi32, #tpu.memory_space<hbm>>, %arg3: memref<100000x128xf32, #tpu.memory_space<hbm>>, %arg4: memref<819200x128xf32, #tpu.memory_space<hbm>>, %arg5: memref<7x128xi32, #tpu.memory_space<vmem>>, %arg6: memref<7x128x128xf32, #tpu.memory_space<vmem>>, %arg7: memref<!tpu.dma_semaphore, #tpu.memory_space<semaphore_mem>>, %arg8: memref<!tpu.dma_semaphore, #tpu.memory_space<semaphore_mem>>, %arg9: memref<!tpu.dma_semaphore, #tpu.memory_space<semaphore_mem>>, %arg10: memref<!tpu.dma_semaphore, #tpu.memory_space<semaphore_mem>>, %arg11: memref<!tpu.dma_semaphore, #tpu.memory_space<semaphore_mem>>, %arg12: memref<!tpu.dma_semaphore, #tpu.memory_space<semaphore_mem>>, %arg13: memref<!tpu.dma_semaphore, #tpu.memory_space<semaphore_mem>>, %arg14: memref<!tpu.dma_semaphore, #tpu.memory_space<semaphore_mem>>, %arg15: memref<!tpu.dma_semaphore, #tpu.memory_space<semaphore_mem>>, %arg16: memref<!tpu.dma_semaphore, #tpu.memory_space<semaphore_mem>>, %arg17: memref<!tpu.dma_semaphore, #tpu.memory_space<semaphore_mem>>, %arg18: memref<!tpu.dma_semaphore, #tpu.memory_space<semaphore_mem>>, %arg19: memref<!tpu.dma_semaphore, #tpu.memory_space<semaphore_mem>>, %arg20: memref<!tpu.dma_semaphore, #tpu.memory_space<semaphore_mem>>, %arg21: memref<!tpu.dma_semaphore, #tpu.memory_space<semaphore_mem>>, %arg22: memref<!tpu.dma_semaphore, #tpu.memory_space<semaphore_mem>>, %arg23: memref<!tpu.dma_semaphore, #tpu.memory_space<semaphore_mem>>, %arg24: memref<!tpu.dma_semaphore, #tpu.memory_space<semaphore_mem>>, %arg25: memref<!tpu.dma_semaphore, #tpu.memory_space<semaphore_mem>>, %arg26: memref<!tpu.dma_semaphore, #tpu.memory_space<semaphore_mem>>, %arg27: memref<!tpu.dma_semaphore, #tpu.memory_space<semaphore_mem>>) attributes {dimension_semantics = [#tpu.dimension_semantics<core_parallel>, #tpu.dimension_semantics<subcore_parallel>], iteration_bounds = array<i64: 2, 16>, scalar_prefetch = 0 : i64, scratch_operands = 23 : i64, tpu.core_type = #tpu.core_type<sc_vector_subcore>, window_params = [{transform_indices = #map}, {transform_indices = #map}, {transform_indices = #map}]} {
    %mul3A = arith.constant 2 : i32
    %mul3A_0 = arith.muli %arg1, %mul3A : i32
    %add3A = arith.addi %mul3A_0, %arg0 : i32
    %mul3A_1 = arith.constant 200 : i32
    %mul3A_2 = arith.muli %add3A, %mul3A_1 : i32
    %add3A_3 = arith.constant 0 : i32
    %add3A_4 = arith.addi %mul3A_2, %add3A_3 : i32
    %dma_start3A = arith.constant 0 : i32
    %dma_start3A_5 = arith.constant 0 : i32
    %dma_start3A_6 = tpu.memref_slice %arg5[%dma_start3A, %dma_start3A_5] : memref<7x128xi32, #tpu.memory_space<vmem>> -> memref<1x128xi32, #tpu.memory_space<vmem>>
    %dma_start3A_7 = arith.constant 0 : i32
    %dma_start3A_8 = tpu.memref_slice %arg2[%add3A_4, %dma_start3A_7] : memref<6400x128xi32, #tpu.memory_space<hbm>> -> memref<1x128xi32, #tpu.memory_space<hbm>>
    %dma_start3A_9 = arith.constant 0 : i32
    %dma_start3A_10 = arith.constant 0 : i32
    %dma_start3A_11 = tpu.memref_slice %arg5[%dma_start3A_9, %dma_start3A_10] : memref<7x128xi32, #tpu.memory_space<vmem>> -> memref<1x128xi32, #tpu.memory_space<vmem>>
    %dma_start3A_12 = arith.constant 0 : i32
    %dma_start3A_13 = tpu.memref_slice %arg2[%add3A_4, %dma_start3A_12] : memref<6400x128xi32, #tpu.memory_space<hbm>> -> memref<1x128xi32, #tpu.memory_space<hbm>>
    tpu.enqueue_dma source(%dma_start3A_13 : memref<1x128xi32, #tpu.memory_space<hbm>>) target(%dma_start3A_11 : memref<1x128xi32, #tpu.memory_space<vmem>>) target_semaphore(%arg7 : memref<!tpu.dma_semaphore, #tpu.memory_space<semaphore_mem>>)
    %add3A_14 = arith.constant 1 : i32
    %add3A_15 = arith.addi %mul3A_2, %add3A_14 : i32
    %dma_start3A_16 = arith.constant 1 : i32
    %dma_start3A_17 = arith.constant 0 : i32
    %dma_start3A_18 = tpu.memref_slice %arg5[%dma_start3A_16, %dma_start3A_17] : memref<7x128xi32, #tpu.memory_space<vmem>> -> memref<1x128xi32, #tpu.memory_space<vmem>>
    %dma_start3A_19 = arith.constant 0 : i32
    %dma_start3A_20 = tpu.memref_slice %arg2[%add3A_15, %dma_start3A_19] : memref<6400x128xi32, #tpu.memory_space<hbm>> -> memref<1x128xi32, #tpu.memory_space<hbm>>
    %dma_start3A_21 = arith.constant 1 : i32
    %dma_start3A_22 = arith.constant 0 : i32
    %dma_start3A_23 = tpu.memref_slice %arg5[%dma_start3A_21, %dma_start3A_22] : memref<7x128xi32, #tpu.memory_space<vmem>> -> memref<1x128xi32, #tpu.memory_space<vmem>>
    %dma_start3A_24 = arith.constant 0 : i32
    %dma_start3A_25 = tpu.memref_slice %arg2[%add3A_15, %dma_start3A_24] : memref<6400x128xi32, #tpu.memory_space<hbm>> -> memref<1x128xi32, #tpu.memory_space<hbm>>
    tpu.enqueue_dma source(%dma_start3A_25 : memref<1x128xi32, #tpu.memory_space<hbm>>) target(%dma_start3A_23 : memref<1x128xi32, #tpu.memory_space<vmem>>) target_semaphore(%arg8 : memref<!tpu.dma_semaphore, #tpu.memory_space<semaphore_mem>>)
    %add3A_26 = arith.constant 2 : i32
    %add3A_27 = arith.addi %mul3A_2, %add3A_26 : i32
    %dma_start3A_28 = arith.constant 2 : i32
    %dma_start3A_29 = arith.constant 0 : i32
    %dma_start3A_30 = tpu.memref_slice %arg5[%dma_start3A_28, %dma_start3A_29] : memref<7x128xi32, #tpu.memory_space<vmem>> -> memref<1x128xi32, #tpu.memory_space<vmem>>
    %dma_start3A_31 = arith.constant 0 : i32
    %dma_start3A_32 = tpu.memref_slice %arg2[%add3A_27, %dma_start3A_31] : memref<6400x128xi32, #tpu.memory_space<hbm>> -> memref<1x128xi32, #tpu.memory_space<hbm>>
    %dma_start3A_33 = arith.constant 2 : i32
    %dma_start3A_34 = arith.constant 0 : i32
    %dma_start3A_35 = tpu.memref_slice %arg5[%dma_start3A_33, %dma_start3A_34] : memref<7x128xi32, #tpu.memory_space<vmem>> -> memref<1x128xi32, #tpu.memory_space<vmem>>
    %dma_start3A_36 = arith.constant 0 : i32
    %dma_start3A_37 = tpu.memref_slice %arg2[%add3A_27, %dma_start3A_36] : memref<6400x128xi32, #tpu.memory_space<hbm>> -> memref<1x128xi32, #tpu.memory_space<hbm>>
    tpu.enqueue_dma source(%dma_start3A_37 : memref<1x128xi32, #tpu.memory_space<hbm>>) target(%dma_start3A_35 : memref<1x128xi32, #tpu.memory_space<vmem>>) target_semaphore(%arg9 : memref<!tpu.dma_semaphore, #tpu.memory_space<semaphore_mem>>)
    %add3A_38 = arith.constant 3 : i32
    %add3A_39 = arith.addi %mul3A_2, %add3A_38 : i32
    %dma_start3A_40 = arith.constant 3 : i32
    %dma_start3A_41 = arith.constant 0 : i32
    %dma_start3A_42 = tpu.memref_slice %arg5[%dma_start3A_40, %dma_start3A_41] : memref<7x128xi32, #tpu.memory_space<vmem>> -> memref<1x128xi32, #tpu.memory_space<vmem>>
    %dma_start3A_43 = arith.constant 0 : i32
    %dma_start3A_44 = tpu.memref_slice %arg2[%add3A_39, %dma_start3A_43] : memref<6400x128xi32, #tpu.memory_space<hbm>> -> memref<1x128xi32, #tpu.memory_space<hbm>>
    %dma_start3A_45 = arith.constant 3 : i32
    %dma_start3A_46 = arith.constant 0 : i32
    %dma_start3A_47 = tpu.memref_slice %arg5[%dma_start3A_45, %dma_start3A_46] : memref<7x128xi32, #tpu.memory_space<vmem>> -> memref<1x128xi32, #tpu.memory_space<vmem>>
    %dma_start3A_48 = arith.constant 0 : i32
    %dma_start3A_49 = tpu.memref_slice %arg2[%add3A_39, %dma_start3A_48] : memref<6400x128xi32, #tpu.memory_space<hbm>> -> memref<1x128xi32, #tpu.memory_space<hbm>>
    tpu.enqueue_dma source(%dma_start3A_49 : memref<1x128xi32, #tpu.memory_space<hbm>>) target(%dma_start3A_47 : memref<1x128xi32, #tpu.memory_space<vmem>>) target_semaphore(%arg10 : memref<!tpu.dma_semaphore, #tpu.memory_space<semaphore_mem>>)
    %add3A_50 = arith.constant 4 : i32
    %add3A_51 = arith.addi %mul3A_2, %add3A_50 : i32
    %dma_start3A_52 = arith.constant 4 : i32
    %dma_start3A_53 = arith.constant 0 : i32
    %dma_start3A_54 = tpu.memref_slice %arg5[%dma_start3A_52, %dma_start3A_53] : memref<7x128xi32, #tpu.memory_space<vmem>> -> memref<1x128xi32, #tpu.memory_space<vmem>>
    %dma_start3A_55 = arith.constant 0 : i32
    %dma_start3A_56 = tpu.memref_slice %arg2[%add3A_51, %dma_start3A_55] : memref<6400x128xi32, #tpu.memory_space<hbm>> -> memref<1x128xi32, #tpu.memory_space<hbm>>
    %dma_start3A_57 = arith.constant 4 : i32
    %dma_start3A_58 = arith.constant 0 : i32
    %dma_start3A_59 = tpu.memref_slice %arg5[%dma_start3A_57, %dma_start3A_58] : memref<7x128xi32, #tpu.memory_space<vmem>> -> memref<1x128xi32, #tpu.memory_space<vmem>>
    %dma_start3A_60 = arith.constant 0 : i32
    %dma_start3A_61 = tpu.memref_slice %arg2[%add3A_51, %dma_start3A_60] : memref<6400x128xi32, #tpu.memory_space<hbm>> -> memref<1x128xi32, #tpu.memory_space<hbm>>
    tpu.enqueue_dma source(%dma_start3A_61 : memref<1x128xi32, #tpu.memory_space<hbm>>) target(%dma_start3A_59 : memref<1x128xi32, #tpu.memory_space<vmem>>) target_semaphore(%arg11 : memref<!tpu.dma_semaphore, #tpu.memory_space<semaphore_mem>>)
    %add3A_62 = arith.constant 5 : i32
    %add3A_63 = arith.addi %mul3A_2, %add3A_62 : i32
    %dma_start3A_64 = arith.constant 5 : i32
    %dma_start3A_65 = arith.constant 0 : i32
    %dma_start3A_66 = tpu.memref_slice %arg5[%dma_start3A_64, %dma_start3A_65] : memref<7x128xi32, #tpu.memory_space<vmem>> -> memref<1x128xi32, #tpu.memory_space<vmem>>
    %dma_start3A_67 = arith.constant 0 : i32
    %dma_start3A_68 = tpu.memref_slice %arg2[%add3A_63, %dma_start3A_67] : memref<6400x128xi32, #tpu.memory_space<hbm>> -> memref<1x128xi32, #tpu.memory_space<hbm>>
    %dma_start3A_69 = arith.constant 5 : i32
    %dma_start3A_70 = arith.constant 0 : i32
    %dma_start3A_71 = tpu.memref_slice %arg5[%dma_start3A_69, %dma_start3A_70] : memref<7x128xi32, #tpu.memory_space<vmem>> -> memref<1x128xi32, #tpu.memory_space<vmem>>
    %dma_start3A_72 = arith.constant 0 : i32
    %dma_start3A_73 = tpu.memref_slice %arg2[%add3A_63, %dma_start3A_72] : memref<6400x128xi32, #tpu.memory_space<hbm>> -> memref<1x128xi32, #tpu.memory_space<hbm>>
    tpu.enqueue_dma source(%dma_start3A_73 : memref<1x128xi32, #tpu.memory_space<hbm>>) target(%dma_start3A_71 : memref<1x128xi32, #tpu.memory_space<vmem>>) target_semaphore(%arg12 : memref<!tpu.dma_semaphore, #tpu.memory_space<semaphore_mem>>)
    %add3A_74 = arith.constant 6 : i32
    %add3A_75 = arith.addi %mul3A_2, %add3A_74 : i32
    %dma_start3A_76 = arith.constant 6 : i32
    %dma_start3A_77 = arith.constant 0 : i32
    %dma_start3A_78 = tpu.memref_slice %arg5[%dma_start3A_76, %dma_start3A_77] : memref<7x128xi32, #tpu.memory_space<vmem>> -> memref<1x128xi32, #tpu.memory_space<vmem>>
    %dma_start3A_79 = arith.constant 0 : i32
    %dma_start3A_80 = tpu.memref_slice %arg2[%add3A_75, %dma_start3A_79] : memref<6400x128xi32, #tpu.memory_space<hbm>> -> memref<1x128xi32, #tpu.memory_space<hbm>>
    %dma_start3A_81 = arith.constant 6 : i32
    %dma_start3A_82 = arith.constant 0 : i32
    %dma_start3A_83 = tpu.memref_slice %arg5[%dma_start3A_81, %dma_start3A_82] : memref<7x128xi32, #tpu.memory_space<vmem>> -> memref<1x128xi32, #tpu.memory_space<vmem>>
    %dma_start3A_84 = arith.constant 0 : i32
    %dma_start3A_85 = tpu.memref_slice %arg2[%add3A_75, %dma_start3A_84] : memref<6400x128xi32, #tpu.memory_space<hbm>> -> memref<1x128xi32, #tpu.memory_space<hbm>>
    tpu.enqueue_dma source(%dma_start3A_85 : memref<1x128xi32, #tpu.memory_space<hbm>>) target(%dma_start3A_83 : memref<1x128xi32, #tpu.memory_space<vmem>>) target_semaphore(%arg13 : memref<!tpu.dma_semaphore, #tpu.memory_space<semaphore_mem>>)
    %add3A_86 = arith.constant 0 : i32
    %add3A_87 = arith.addi %mul3A_2, %add3A_86 : i32
    %dma_wait3A = arith.constant 0 : i32
    %dma_wait3A_88 = arith.constant 0 : i32
    %dma_wait3A_89 = tpu.memref_slice %arg5[%dma_wait3A, %dma_wait3A_88] : memref<7x128xi32, #tpu.memory_space<vmem>> -> memref<1x128xi32, #tpu.memory_space<vmem>>
    %dma_wait3A_90 = arith.constant 0 : i32
    %dma_wait3A_91 = tpu.memref_slice %arg2[%add3A_87, %dma_wait3A_90] : memref<6400x128xi32, #tpu.memory_space<hbm>> -> memref<1x128xi32, #tpu.memory_space<hbm>>
    %dma_wait3A_92 = arith.constant 0 : i32
    %dma_wait3A_93 = arith.constant 0 : i32
    %dma_wait3A_94 = tpu.memref_slice %arg5[%dma_wait3A_92, %dma_wait3A_93] : memref<7x128xi32, #tpu.memory_space<vmem>> -> memref<1x128xi32, #tpu.memory_space<vmem>>
    %dma_wait3A_95 = arith.constant 0 : i32
    %dma_wait3A_96 = tpu.memref_slice %arg2[%add3A_87, %dma_wait3A_95] : memref<6400x128xi32, #tpu.memory_space<hbm>> -> memref<1x128xi32, #tpu.memory_space<hbm>>
    tpu.wait_dma2 semaphore(%arg7 : memref<!tpu.dma_semaphore, #tpu.memory_space<semaphore_mem>>) src(%dma_wait3A_96 : memref<1x128xi32, #tpu.memory_space<hbm>>) dst(%dma_wait3A_94 : memref<1x128xi32, #tpu.memory_space<vmem>>)
    %dma_start3A_97 = arith.constant 0 : i32
    %dma_start3A_98 = arith.constant 0 : i32
    %dma_start3A_99 = arith.constant 0 : i32
    %dma_start3A_100 = arith.constant 0 : i32
    %dma_start3A_101 = tpu.memref_slice %arg6[%dma_start3A_98, %dma_start3A_99, %dma_start3A_100] : memref<7x128x128xf32, #tpu.memory_space<vmem>> -> memref<1x128x128xf32, #tpu.memory_space<vmem>>
    %dma_start3A_102 = tpu.memref_squeeze %dma_start3A_101 : memref<1x128x128xf32, #tpu.memory_space<vmem>> -> memref<128x128xf32, #tpu.memory_space<vmem>>
    %dma_start3A_103 = arith.constant 0 : i32
    %dma_start3A_104 = tpu.memref_slice %arg5[%dma_start3A_97, %dma_start3A_103] : memref<7x128xi32, #tpu.memory_space<vmem>> -> memref<1x128xi32, #tpu.memory_space<vmem>>
    %dma_start3A_105 = tpu.memref_squeeze %dma_start3A_104 : memref<1x128xi32, #tpu.memory_space<vmem>> -> memref<128xi32, #tpu.memory_space<vmem>>
    %dma_start3A_106 = arith.constant 0 : i32
    %dma_start3A_107 = arith.constant 0 : i32
    %dma_start3A_108 = tpu.memref_slice %arg3[%dma_start3A_106, %dma_start3A_107] : memref<100000x128xf32, #tpu.memory_space<hbm>> -> memref<100000x128xf32, #tpu.memory_space<hbm>>
    tpu.enqueue_indirect_dma source(%dma_start3A_108 : memref<100000x128xf32, #tpu.memory_space<hbm>>) target(%dma_start3A_102 : memref<128x128xf32, #tpu.memory_space<vmem>>) offsets(%dma_start3A_105 : memref<128xi32, #tpu.memory_space<vmem>>) semaphore(%arg14 : memref<!tpu.dma_semaphore, #tpu.memory_space<semaphore_mem>>)
    %add3A_109 = arith.constant 1 : i32
    %add3A_110 = arith.addi %mul3A_2, %add3A_109 : i32
    %dma_wait3A_111 = arith.constant 1 : i32
    %dma_wait3A_112 = arith.constant 0 : i32
    %dma_wait3A_113 = tpu.memref_slice %arg5[%dma_wait3A_111, %dma_wait3A_112] : memref<7x128xi32, #tpu.memory_space<vmem>> -> memref<1x128xi32, #tpu.memory_space<vmem>>
    %dma_wait3A_114 = arith.constant 0 : i32
    %dma_wait3A_115 = tpu.memref_slice %arg2[%add3A_110, %dma_wait3A_114] : memref<6400x128xi32, #tpu.memory_space<hbm>> -> memref<1x128xi32, #tpu.memory_space<hbm>>
    %dma_wait3A_116 = arith.constant 1 : i32
    %dma_wait3A_117 = arith.constant 0 : i32
    %dma_wait3A_118 = tpu.memref_slice %arg5[%dma_wait3A_116, %dma_wait3A_117] : memref<7x128xi32, #tpu.memory_space<vmem>> -> memref<1x128xi32, #tpu.memory_space<vmem>>
    %dma_wait3A_119 = arith.constant 0 : i32
    %dma_wait3A_120 = tpu.memref_slice %arg2[%add3A_110, %dma_wait3A_119] : memref<6400x128xi32, #tpu.memory_space<hbm>> -> memref<1x128xi32, #tpu.memory_space<hbm>>
    tpu.wait_dma2 semaphore(%arg8 : memref<!tpu.dma_semaphore, #tpu.memory_space<semaphore_mem>>) src(%dma_wait3A_120 : memref<1x128xi32, #tpu.memory_space<hbm>>) dst(%dma_wait3A_118 : memref<1x128xi32, #tpu.memory_space<vmem>>)
    %dma_start3A_121 = arith.constant 1 : i32
    %dma_start3A_122 = arith.constant 1 : i32
    %dma_start3A_123 = arith.constant 0 : i32
    %dma_start3A_124 = arith.constant 0 : i32
    %dma_start3A_125 = tpu.memref_slice %arg6[%dma_start3A_122, %dma_start3A_123, %dma_start3A_124] : memref<7x128x128xf32, #tpu.memory_space<vmem>> -> memref<1x128x128xf32, #tpu.memory_space<vmem>>
    %dma_start3A_126 = tpu.memref_squeeze %dma_start3A_125 : memref<1x128x128xf32, #tpu.memory_space<vmem>> -> memref<128x128xf32, #tpu.memory_space<vmem>>
    %dma_start3A_127 = arith.constant 0 : i32
    %dma_start3A_128 = tpu.memref_slice %arg5[%dma_start3A_121, %dma_start3A_127] : memref<7x128xi32, #tpu.memory_space<vmem>> -> memref<1x128xi32, #tpu.memory_space<vmem>>
    %dma_start3A_129 = tpu.memref_squeeze %dma_start3A_128 : memref<1x128xi32, #tpu.memory_space<vmem>> -> memref<128xi32, #tpu.memory_space<vmem>>
    %dma_start3A_130 = arith.constant 0 : i32
    %dma_start3A_131 = arith.constant 0 : i32
    %dma_start3A_132 = tpu.memref_slice %arg3[%dma_start3A_130, %dma_start3A_131] : memref<100000x128xf32, #tpu.memory_space<hbm>> -> memref<100000x128xf32, #tpu.memory_space<hbm>>
    tpu.enqueue_indirect_dma source(%dma_start3A_132 : memref<100000x128xf32, #tpu.memory_space<hbm>>) target(%dma_start3A_126 : memref<128x128xf32, #tpu.memory_space<vmem>>) offsets(%dma_start3A_129 : memref<128xi32, #tpu.memory_space<vmem>>) semaphore(%arg15 : memref<!tpu.dma_semaphore, #tpu.memory_space<semaphore_mem>>)
    %add3A_133 = arith.constant 2 : i32
    %add3A_134 = arith.addi %mul3A_2, %add3A_133 : i32
    %dma_wait3A_135 = arith.constant 2 : i32
    %dma_wait3A_136 = arith.constant 0 : i32
    %dma_wait3A_137 = tpu.memref_slice %arg5[%dma_wait3A_135, %dma_wait3A_136] : memref<7x128xi32, #tpu.memory_space<vmem>> -> memref<1x128xi32, #tpu.memory_space<vmem>>
    %dma_wait3A_138 = arith.constant 0 : i32
    %dma_wait3A_139 = tpu.memref_slice %arg2[%add3A_134, %dma_wait3A_138] : memref<6400x128xi32, #tpu.memory_space<hbm>> -> memref<1x128xi32, #tpu.memory_space<hbm>>
    %dma_wait3A_140 = arith.constant 2 : i32
    %dma_wait3A_141 = arith.constant 0 : i32
    %dma_wait3A_142 = tpu.memref_slice %arg5[%dma_wait3A_140, %dma_wait3A_141] : memref<7x128xi32, #tpu.memory_space<vmem>> -> memref<1x128xi32, #tpu.memory_space<vmem>>
    %dma_wait3A_143 = arith.constant 0 : i32
    %dma_wait3A_144 = tpu.memref_slice %arg2[%add3A_134, %dma_wait3A_143] : memref<6400x128xi32, #tpu.memory_space<hbm>> -> memref<1x128xi32, #tpu.memory_space<hbm>>
    tpu.wait_dma2 semaphore(%arg9 : memref<!tpu.dma_semaphore, #tpu.memory_space<semaphore_mem>>) src(%dma_wait3A_144 : memref<1x128xi32, #tpu.memory_space<hbm>>) dst(%dma_wait3A_142 : memref<1x128xi32, #tpu.memory_space<vmem>>)
    %dma_start3A_145 = arith.constant 2 : i32
    %dma_start3A_146 = arith.constant 2 : i32
    %dma_start3A_147 = arith.constant 0 : i32
    %dma_start3A_148 = arith.constant 0 : i32
    %dma_start3A_149 = tpu.memref_slice %arg6[%dma_start3A_146, %dma_start3A_147, %dma_start3A_148] : memref<7x128x128xf32, #tpu.memory_space<vmem>> -> memref<1x128x128xf32, #tpu.memory_space<vmem>>
    %dma_start3A_150 = tpu.memref_squeeze %dma_start3A_149 : memref<1x128x128xf32, #tpu.memory_space<vmem>> -> memref<128x128xf32, #tpu.memory_space<vmem>>
    %dma_start3A_151 = arith.constant 0 : i32
    %dma_start3A_152 = tpu.memref_slice %arg5[%dma_start3A_145, %dma_start3A_151] : memref<7x128xi32, #tpu.memory_space<vmem>> -> memref<1x128xi32, #tpu.memory_space<vmem>>
    %dma_start3A_153 = tpu.memref_squeeze %dma_start3A_152 : memref<1x128xi32, #tpu.memory_space<vmem>> -> memref<128xi32, #tpu.memory_space<vmem>>
    %dma_start3A_154 = arith.constant 0 : i32
    %dma_start3A_155 = arith.constant 0 : i32
    %dma_start3A_156 = tpu.memref_slice %arg3[%dma_start3A_154, %dma_start3A_155] : memref<100000x128xf32, #tpu.memory_space<hbm>> -> memref<100000x128xf32, #tpu.memory_space<hbm>>
    tpu.enqueue_indirect_dma source(%dma_start3A_156 : memref<100000x128xf32, #tpu.memory_space<hbm>>) target(%dma_start3A_150 : memref<128x128xf32, #tpu.memory_space<vmem>>) offsets(%dma_start3A_153 : memref<128xi32, #tpu.memory_space<vmem>>) semaphore(%arg16 : memref<!tpu.dma_semaphore, #tpu.memory_space<semaphore_mem>>)
    %add3A_157 = arith.constant 3 : i32
    %add3A_158 = arith.addi %mul3A_2, %add3A_157 : i32
    %dma_wait3A_159 = arith.constant 3 : i32
    %dma_wait3A_160 = arith.constant 0 : i32
    %dma_wait3A_161 = tpu.memref_slice %arg5[%dma_wait3A_159, %dma_wait3A_160] : memref<7x128xi32, #tpu.memory_space<vmem>> -> memref<1x128xi32, #tpu.memory_space<vmem>>
    %dma_wait3A_162 = arith.constant 0 : i32
    %dma_wait3A_163 = tpu.memref_slice %arg2[%add3A_158, %dma_wait3A_162] : memref<6400x128xi32, #tpu.memory_space<hbm>> -> memref<1x128xi32, #tpu.memory_space<hbm>>
    %dma_wait3A_164 = arith.constant 3 : i32
    %dma_wait3A_165 = arith.constant 0 : i32
    %dma_wait3A_166 = tpu.memref_slice %arg5[%dma_wait3A_164, %dma_wait3A_165] : memref<7x128xi32, #tpu.memory_space<vmem>> -> memref<1x128xi32, #tpu.memory_space<vmem>>
    %dma_wait3A_167 = arith.constant 0 : i32
    %dma_wait3A_168 = tpu.memref_slice %arg2[%add3A_158, %dma_wait3A_167] : memref<6400x128xi32, #tpu.memory_space<hbm>> -> memref<1x128xi32, #tpu.memory_space<hbm>>
    tpu.wait_dma2 semaphore(%arg10 : memref<!tpu.dma_semaphore, #tpu.memory_space<semaphore_mem>>) src(%dma_wait3A_168 : memref<1x128xi32, #tpu.memory_space<hbm>>) dst(%dma_wait3A_166 : memref<1x128xi32, #tpu.memory_space<vmem>>)
    %dma_start3A_169 = arith.constant 3 : i32
    %dma_start3A_170 = arith.constant 3 : i32
    %dma_start3A_171 = arith.constant 0 : i32
    %dma_start3A_172 = arith.constant 0 : i32
    %dma_start3A_173 = tpu.memref_slice %arg6[%dma_start3A_170, %dma_start3A_171, %dma_start3A_172] : memref<7x128x128xf32, #tpu.memory_space<vmem>> -> memref<1x128x128xf32, #tpu.memory_space<vmem>>
    %dma_start3A_174 = tpu.memref_squeeze %dma_start3A_173 : memref<1x128x128xf32, #tpu.memory_space<vmem>> -> memref<128x128xf32, #tpu.memory_space<vmem>>
    %dma_start3A_175 = arith.constant 0 : i32
    %dma_start3A_176 = tpu.memref_slice %arg5[%dma_start3A_169, %dma_start3A_175] : memref<7x128xi32, #tpu.memory_space<vmem>> -> memref<1x128xi32, #tpu.memory_space<vmem>>
    %dma_start3A_177 = tpu.memref_squeeze %dma_start3A_176 : memref<1x128xi32, #tpu.memory_space<vmem>> -> memref<128xi32, #tpu.memory_space<vmem>>
    %dma_start3A_178 = arith.constant 0 : i32
    %dma_start3A_179 = arith.constant 0 : i32
    %dma_start3A_180 = tpu.memref_slice %arg3[%dma_start3A_178, %dma_start3A_179] : memref<100000x128xf32, #tpu.memory_space<hbm>> -> memref<100000x128xf32, #tpu.memory_space<hbm>>
    tpu.enqueue_indirect_dma source(%dma_start3A_180 : memref<100000x128xf32, #tpu.memory_space<hbm>>) target(%dma_start3A_174 : memref<128x128xf32, #tpu.memory_space<vmem>>) offsets(%dma_start3A_177 : memref<128xi32, #tpu.memory_space<vmem>>) semaphore(%arg17 : memref<!tpu.dma_semaphore, #tpu.memory_space<semaphore_mem>>)
    %add3A_181 = arith.constant 4 : i32
    %add3A_182 = arith.addi %mul3A_2, %add3A_181 : i32
    %dma_wait3A_183 = arith.constant 4 : i32
    %dma_wait3A_184 = arith.constant 0 : i32
    %dma_wait3A_185 = tpu.memref_slice %arg5[%dma_wait3A_183, %dma_wait3A_184] : memref<7x128xi32, #tpu.memory_space<vmem>> -> memref<1x128xi32, #tpu.memory_space<vmem>>
    %dma_wait3A_186 = arith.constant 0 : i32
    %dma_wait3A_187 = tpu.memref_slice %arg2[%add3A_182, %dma_wait3A_186] : memref<6400x128xi32, #tpu.memory_space<hbm>> -> memref<1x128xi32, #tpu.memory_space<hbm>>
    %dma_wait3A_188 = arith.constant 4 : i32
    %dma_wait3A_189 = arith.constant 0 : i32
    %dma_wait3A_190 = tpu.memref_slice %arg5[%dma_wait3A_188, %dma_wait3A_189] : memref<7x128xi32, #tpu.memory_space<vmem>> -> memref<1x128xi32, #tpu.memory_space<vmem>>
    %dma_wait3A_191 = arith.constant 0 : i32
    %dma_wait3A_192 = tpu.memref_slice %arg2[%add3A_182, %dma_wait3A_191] : memref<6400x128xi32, #tpu.memory_space<hbm>> -> memref<1x128xi32, #tpu.memory_space<hbm>>
    tpu.wait_dma2 semaphore(%arg11 : memref<!tpu.dma_semaphore, #tpu.memory_space<semaphore_mem>>) src(%dma_wait3A_192 : memref<1x128xi32, #tpu.memory_space<hbm>>) dst(%dma_wait3A_190 : memref<1x128xi32, #tpu.memory_space<vmem>>)
    %dma_start3A_193 = arith.constant 4 : i32
    %dma_start3A_194 = arith.constant 4 : i32
    %dma_start3A_195 = arith.constant 0 : i32
    %dma_start3A_196 = arith.constant 0 : i32
    %dma_start3A_197 = tpu.memref_slice %arg6[%dma_start3A_194, %dma_start3A_195, %dma_start3A_196] : memref<7x128x128xf32, #tpu.memory_space<vmem>> -> memref<1x128x128xf32, #tpu.memory_space<vmem>>
    %dma_start3A_198 = tpu.memref_squeeze %dma_start3A_197 : memref<1x128x128xf32, #tpu.memory_space<vmem>> -> memref<128x128xf32, #tpu.memory_space<vmem>>
    %dma_start3A_199 = arith.constant 0 : i32
    %dma_start3A_200 = tpu.memref_slice %arg5[%dma_start3A_193, %dma_start3A_199] : memref<7x128xi32, #tpu.memory_space<vmem>> -> memref<1x128xi32, #tpu.memory_space<vmem>>
    %dma_start3A_201 = tpu.memref_squeeze %dma_start3A_200 : memref<1x128xi32, #tpu.memory_space<vmem>> -> memref<128xi32, #tpu.memory_space<vmem>>
    %dma_start3A_202 = arith.constant 0 : i32
    %dma_start3A_203 = arith.constant 0 : i32
    %dma_start3A_204 = tpu.memref_slice %arg3[%dma_start3A_202, %dma_start3A_203] : memref<100000x128xf32, #tpu.memory_space<hbm>> -> memref<100000x128xf32, #tpu.memory_space<hbm>>
    tpu.enqueue_indirect_dma source(%dma_start3A_204 : memref<100000x128xf32, #tpu.memory_space<hbm>>) target(%dma_start3A_198 : memref<128x128xf32, #tpu.memory_space<vmem>>) offsets(%dma_start3A_201 : memref<128xi32, #tpu.memory_space<vmem>>) semaphore(%arg18 : memref<!tpu.dma_semaphore, #tpu.memory_space<semaphore_mem>>)
    %dma_wait3A_205 = arith.constant 0 : i32
    %dma_wait3A_206 = arith.constant 0 : i32
    %dma_wait3A_207 = arith.constant 0 : i32
    %dma_wait3A_208 = arith.constant 0 : i32
    %dma_wait3A_209 = tpu.memref_slice %arg6[%dma_wait3A_206, %dma_wait3A_207, %dma_wait3A_208] : memref<7x128x128xf32, #tpu.memory_space<vmem>> -> memref<1x128x128xf32, #tpu.memory_space<vmem>>
    %dma_wait3A_210 = tpu.memref_squeeze %dma_wait3A_209 : memref<1x128x128xf32, #tpu.memory_space<vmem>> -> memref<128x128xf32, #tpu.memory_space<vmem>>
    %dma_wait3A_211 = arith.constant 0 : i32
    %dma_wait3A_212 = tpu.memref_slice %arg5[%dma_wait3A_205, %dma_wait3A_211] : memref<7x128xi32, #tpu.memory_space<vmem>> -> memref<1x128xi32, #tpu.memory_space<vmem>>
    %dma_wait3A_213 = tpu.memref_squeeze %dma_wait3A_212 : memref<1x128xi32, #tpu.memory_space<vmem>> -> memref<128xi32, #tpu.memory_space<vmem>>
    %dma_wait3A_214 = arith.constant 0 : i32
    %dma_wait3A_215 = arith.constant 0 : i32
    %dma_wait3A_216 = tpu.memref_slice %arg3[%dma_wait3A_214, %dma_wait3A_215] : memref<100000x128xf32, #tpu.memory_space<hbm>> -> memref<100000x128xf32, #tpu.memory_space<hbm>>
    tpu.wait_indirect_dma semaphore(%arg14 : memref<!tpu.dma_semaphore, #tpu.memory_space<semaphore_mem>>) src(%dma_wait3A_216 : memref<100000x128xf32, #tpu.memory_space<hbm>>) dst(%dma_wait3A_210 : memref<128x128xf32, #tpu.memory_space<vmem>>)
    %add3A_217 = arith.constant 0 : i32
    %add3A_218 = arith.addi %mul3A_2, %add3A_217 : i32
    %mul3A_219 = arith.constant 128 : i32
    %mul3A_220 = arith.muli %add3A_218, %mul3A_219 : i32
    %dma_start3A_221 = arith.constant 0 : i32
    %dma_start3A_222 = arith.constant 0 : i32
    %dma_start3A_223 = arith.constant 0 : i32
    %dma_start3A_224 = tpu.memref_slice %arg6[%dma_start3A_221, %dma_start3A_222, %dma_start3A_223] : memref<7x128x128xf32, #tpu.memory_space<vmem>> -> memref<1x128x128xf32, #tpu.memory_space<vmem>>
    %dma_start3A_225 = tpu.memref_squeeze %dma_start3A_224 : memref<1x128x128xf32, #tpu.memory_space<vmem>> -> memref<128x128xf32, #tpu.memory_space<vmem>>
    %dma_start3A_226 = arith.constant 0 : i32
    %dma_start3A_227 = tpu.memref_slice %arg4[%mul3A_220, %dma_start3A_226] : memref<819200x128xf32, #tpu.memory_space<hbm>> -> memref<128x128xf32, #tpu.memory_space<hbm>>
    %dma_start3A_228 = arith.constant 0 : i32
    %dma_start3A_229 = tpu.memref_slice %arg4[%mul3A_220, %dma_start3A_228] : memref<819200x128xf32, #tpu.memory_space<hbm>> -> memref<128x128xf32, #tpu.memory_space<hbm>>
    %dma_start3A_230 = arith.constant 0 : i32
    %dma_start3A_231 = arith.constant 0 : i32
    %dma_start3A_232 = tpu.memref_slice %arg6[%dma_start3A_221, %dma_start3A_230, %dma_start3A_231] : memref<7x128x128xf32, #tpu.memory_space<vmem>> -> memref<1x128x128xf32, #tpu.memory_space<vmem>>
    %dma_start3A_233 = tpu.memref_squeeze %dma_start3A_232 : memref<1x128x128xf32, #tpu.memory_space<vmem>> -> memref<128x128xf32, #tpu.memory_space<vmem>>
    tpu.enqueue_dma source(%dma_start3A_233 : memref<128x128xf32, #tpu.memory_space<vmem>>) target(%dma_start3A_229 : memref<128x128xf32, #tpu.memory_space<hbm>>) target_semaphore(%arg21 : memref<!tpu.dma_semaphore, #tpu.memory_space<semaphore_mem>>)
    %add3A_234 = arith.constant 7 : i32
    %add3A_235 = arith.addi %mul3A_2, %add3A_234 : i32
    %dma_start3A_236 = arith.constant 0 : i32
    %dma_start3A_237 = arith.constant 0 : i32
    %dma_start3A_238 = tpu.memref_slice %arg5[%dma_start3A_236, %dma_start3A_237] : memref<7x128xi32, #tpu.memory_space<vmem>> -> memref<1x128xi32, #tpu.memory_space<vmem>>
    %dma_start3A_239 = arith.constant 0 : i32
    %dma_start3A_240 = tpu.memref_slice %arg2[%add3A_235, %dma_start3A_239] : memref<6400x128xi32, #tpu.memory_space<hbm>> -> memref<1x128xi32, #tpu.memory_space<hbm>>
    %dma_start3A_241 = arith.constant 0 : i32
    %dma_start3A_242 = arith.constant 0 : i32
    %dma_start3A_243 = tpu.memref_slice %arg5[%dma_start3A_241, %dma_start3A_242] : memref<7x128xi32, #tpu.memory_space<vmem>> -> memref<1x128xi32, #tpu.memory_space<vmem>>
    %dma_start3A_244 = arith.constant 0 : i32
    %dma_start3A_245 = tpu.memref_slice %arg2[%add3A_235, %dma_start3A_244] : memref<6400x128xi32, #tpu.memory_space<hbm>> -> memref<1x128xi32, #tpu.memory_space<hbm>>
    tpu.enqueue_dma source(%dma_start3A_245 : memref<1x128xi32, #tpu.memory_space<hbm>>) target(%dma_start3A_243 : memref<1x128xi32, #tpu.memory_space<vmem>>) target_semaphore(%arg7 : memref<!tpu.dma_semaphore, #tpu.memory_space<semaphore_mem>>)
    %add3A_246 = arith.constant 5 : i32
    %add3A_247 = arith.addi %mul3A_2, %add3A_246 : i32
    %dma_wait3A_248 = arith.constant 5 : i32
    %dma_wait3A_249 = arith.constant 0 : i32
    %dma_wait3A_250 = tpu.memref_slice %arg5[%dma_wait3A_248, %dma_wait3A_249] : memref<7x128xi32, #tpu.memory_space<vmem>> -> memref<1x128xi32, #tpu.memory_space<vmem>>
    %dma_wait3A_251 = arith.constant 0 : i32
    %dma_wait3A_252 = tpu.memref_slice %arg2[%add3A_247, %dma_wait3A_251] : memref<6400x128xi32, #tpu.memory_space<hbm>> -> memref<1x128xi32, #tpu.memory_space<hbm>>
    %dma_wait3A_253 = arith.constant 5 : i32
    %dma_wait3A_254 = arith.constant 0 : i32
    %dma_wait3A_255 = tpu.memref_slice %arg5[%dma_wait3A_253, %dma_wait3A_254] : memref<7x128xi32, #tpu.memory_space<vmem>> -> memref<1x128xi32, #tpu.memory_space<vmem>>
    %dma_wait3A_256 = arith.constant 0 : i32
    %dma_wait3A_257 = tpu.memref_slice %arg2[%add3A_247, %dma_wait3A_256] : memref<6400x128xi32, #tpu.memory_space<hbm>> -> memref<1x128xi32, #tpu.memory_space<hbm>>
    tpu.wait_dma2 semaphore(%arg12 : memref<!tpu.dma_semaphore, #tpu.memory_space<semaphore_mem>>) src(%dma_wait3A_257 : memref<1x128xi32, #tpu.memory_space<hbm>>) dst(%dma_wait3A_255 : memref<1x128xi32, #tpu.memory_space<vmem>>)
    %dma_start3A_258 = arith.constant 5 : i32
    %dma_start3A_259 = arith.constant 5 : i32
    %dma_start3A_260 = arith.constant 0 : i32
    %dma_start3A_261 = arith.constant 0 : i32
    %dma_start3A_262 = tpu.memref_slice %arg6[%dma_start3A_259, %dma_start3A_260, %dma_start3A_261] : memref<7x128x128xf32, #tpu.memory_space<vmem>> -> memref<1x128x128xf32, #tpu.memory_space<vmem>>
    %dma_start3A_263 = tpu.memref_squeeze %dma_start3A_262 : memref<1x128x128xf32, #tpu.memory_space<vmem>> -> memref<128x128xf32, #tpu.memory_space<vmem>>
    %dma_start3A_264 = arith.constant 0 : i32
    %dma_start3A_265 = tpu.memref_slice %arg5[%dma_start3A_258, %dma_start3A_264] : memref<7x128xi32, #tpu.memory_space<vmem>> -> memref<1x128xi32, #tpu.memory_space<vmem>>
    %dma_start3A_266 = tpu.memref_squeeze %dma_start3A_265 : memref<1x128xi32, #tpu.memory_space<vmem>> -> memref<128xi32, #tpu.memory_space<vmem>>
    %dma_start3A_267 = arith.constant 0 : i32
    %dma_start3A_268 = arith.constant 0 : i32
    %dma_start3A_269 = tpu.memref_slice %arg3[%dma_start3A_267, %dma_start3A_268] : memref<100000x128xf32, #tpu.memory_space<hbm>> -> memref<100000x128xf32, #tpu.memory_space<hbm>>
    tpu.enqueue_indirect_dma source(%dma_start3A_269 : memref<100000x128xf32, #tpu.memory_space<hbm>>) target(%dma_start3A_263 : memref<128x128xf32, #tpu.memory_space<vmem>>) offsets(%dma_start3A_266 : memref<128xi32, #tpu.memory_space<vmem>>) semaphore(%arg19 : memref<!tpu.dma_semaphore, #tpu.memory_space<semaphore_mem>>)
    %dma_wait3A_270 = arith.constant 1 : i32
    %dma_wait3A_271 = arith.constant 1 : i32
    %dma_wait3A_272 = arith.constant 0 : i32
    %dma_wait3A_273 = arith.constant 0 : i32
    %dma_wait3A_274 = tpu.memref_slice %arg6[%dma_wait3A_271, %dma_wait3A_272, %dma_wait3A_273] : memref<7x128x128xf32, #tpu.memory_space<vmem>> -> memref<1x128x128xf32, #tpu.memory_space<vmem>>
    %dma_wait3A_275 = tpu.memref_squeeze %dma_wait3A_274 : memref<1x128x128xf32, #tpu.memory_space<vmem>> -> memref<128x128xf32, #tpu.memory_space<vmem>>
    %dma_wait3A_276 = arith.constant 0 : i32
    %dma_wait3A_277 = tpu.memref_slice %arg5[%dma_wait3A_270, %dma_wait3A_276] : memref<7x128xi32, #tpu.memory_space<vmem>> -> memref<1x128xi32, #tpu.memory_space<vmem>>
    %dma_wait3A_278 = tpu.memref_squeeze %dma_wait3A_277 : memref<1x128xi32, #tpu.memory_space<vmem>> -> memref<128xi32, #tpu.memory_space<vmem>>
    %dma_wait3A_279 = arith.constant 0 : i32
    %dma_wait3A_280 = arith.constant 0 : i32
    %dma_wait3A_281 = tpu.memref_slice %arg3[%dma_wait3A_279, %dma_wait3A_280] : memref<100000x128xf32, #tpu.memory_space<hbm>> -> memref<100000x128xf32, #tpu.memory_space<hbm>>
    tpu.wait_indirect_dma semaphore(%arg15 : memref<!tpu.dma_semaphore, #tpu.memory_space<semaphore_mem>>) src(%dma_wait3A_281 : memref<100000x128xf32, #tpu.memory_space<hbm>>) dst(%dma_wait3A_275 : memref<128x128xf32, #tpu.memory_space<vmem>>)
    %add3A_282 = arith.constant 1 : i32
    %add3A_283 = arith.addi %mul3A_2, %add3A_282 : i32
    %mul3A_284 = arith.constant 128 : i32
    %mul3A_285 = arith.muli %add3A_283, %mul3A_284 : i32
    %dma_start3A_286 = arith.constant 1 : i32
    %dma_start3A_287 = arith.constant 0 : i32
    %dma_start3A_288 = arith.constant 0 : i32
    %dma_start3A_289 = tpu.memref_slice %arg6[%dma_start3A_286, %dma_start3A_287, %dma_start3A_288] : memref<7x128x128xf32, #tpu.memory_space<vmem>> -> memref<1x128x128xf32, #tpu.memory_space<vmem>>
    %dma_start3A_290 = tpu.memref_squeeze %dma_start3A_289 : memref<1x128x128xf32, #tpu.memory_space<vmem>> -> memref<128x128xf32, #tpu.memory_space<vmem>>
    %dma_start3A_291 = arith.constant 0 : i32
    %dma_start3A_292 = tpu.memref_slice %arg4[%mul3A_285, %dma_start3A_291] : memref<819200x128xf32, #tpu.memory_space<hbm>> -> memref<128x128xf32, #tpu.memory_space<hbm>>
    %dma_start3A_293 = arith.constant 0 : i32
    %dma_start3A_294 = tpu.memref_slice %arg4[%mul3A_285, %dma_start3A_293] : memref<819200x128xf32, #tpu.memory_space<hbm>> -> memref<128x128xf32, #tpu.memory_space<hbm>>
    %dma_start3A_295 = arith.constant 0 : i32
    %dma_start3A_296 = arith.constant 0 : i32
    %dma_start3A_297 = tpu.memref_slice %arg6[%dma_start3A_286, %dma_start3A_295, %dma_start3A_296] : memref<7x128x128xf32, #tpu.memory_space<vmem>> -> memref<1x128x128xf32, #tpu.memory_space<vmem>>
    %dma_start3A_298 = tpu.memref_squeeze %dma_start3A_297 : memref<1x128x128xf32, #tpu.memory_space<vmem>> -> memref<128x128xf32, #tpu.memory_space<vmem>>
    tpu.enqueue_dma source(%dma_start3A_298 : memref<128x128xf32, #tpu.memory_space<vmem>>) target(%dma_start3A_294 : memref<128x128xf32, #tpu.memory_space<hbm>>) target_semaphore(%arg22 : memref<!tpu.dma_semaphore, #tpu.memory_space<semaphore_mem>>)
    %add3A_299 = arith.constant 8 : i32
    %add3A_300 = arith.addi %mul3A_2, %add3A_299 : i32
    %dma_start3A_301 = arith.constant 1 : i32
    %dma_start3A_302 = arith.constant 0 : i32
    %dma_start3A_303 = tpu.memref_slice %arg5[%dma_start3A_301, %dma_start3A_302] : memref<7x128xi32, #tpu.memory_space<vmem>> -> memref<1x128xi32, #tpu.memory_space<vmem>>
    %dma_start3A_304 = arith.constant 0 : i32
    %dma_start3A_305 = tpu.memref_slice %arg2[%add3A_300, %dma_start3A_304] : memref<6400x128xi32, #tpu.memory_space<hbm>> -> memref<1x128xi32, #tpu.memory_space<hbm>>
    %dma_start3A_306 = arith.constant 1 : i32
    %dma_start3A_307 = arith.constant 0 : i32
    %dma_start3A_308 = tpu.memref_slice %arg5[%dma_start3A_306, %dma_start3A_307] : memref<7x128xi32, #tpu.memory_space<vmem>> -> memref<1x128xi32, #tpu.memory_space<vmem>>
    %dma_start3A_309 = arith.constant 0 : i32
    %dma_start3A_310 = tpu.memref_slice %arg2[%add3A_300, %dma_start3A_309] : memref<6400x128xi32, #tpu.memory_space<hbm>> -> memref<1x128xi32, #tpu.memory_space<hbm>>
    tpu.enqueue_dma source(%dma_start3A_310 : memref<1x128xi32, #tpu.memory_space<hbm>>) target(%dma_start3A_308 : memref<1x128xi32, #tpu.memory_space<vmem>>) target_semaphore(%arg8 : memref<!tpu.dma_semaphore, #tpu.memory_space<semaphore_mem>>)
    %add3A_311 = arith.constant 6 : i32
    %add3A_312 = arith.addi %mul3A_2, %add3A_311 : i32
    %dma_wait3A_313 = arith.constant 6 : i32
    %dma_wait3A_314 = arith.constant 0 : i32
    %dma_wait3A_315 = tpu.memref_slice %arg5[%dma_wait3A_313, %dma_wait3A_314] : memref<7x128xi32, #tpu.memory_space<vmem>> -> memref<1x128xi32, #tpu.memory_space<vmem>>
    %dma_wait3A_316 = arith.constant 0 : i32
    %dma_wait3A_317 = tpu.memref_slice %arg2[%add3A_312, %dma_wait3A_316] : memref<6400x128xi32, #tpu.memory_space<hbm>> -> memref<1x128xi32, #tpu.memory_space<hbm>>
    %dma_wait3A_318 = arith.constant 6 : i32
    %dma_wait3A_319 = arith.constant 0 : i32
    %dma_wait3A_320 = tpu.memref_slice %arg5[%dma_wait3A_318, %dma_wait3A_319] : memref<7x128xi32, #tpu.memory_space<vmem>> -> memref<1x128xi32, #tpu.memory_space<vmem>>
    %dma_wait3A_321 = arith.constant 0 : i32
    %dma_wait3A_322 = tpu.memref_slice %arg2[%add3A_312, %dma_wait3A_321] : memref<6400x128xi32, #tpu.memory_space<hbm>> -> memref<1x128xi32, #tpu.memory_space<hbm>>
    tpu.wait_dma2 semaphore(%arg13 : memref<!tpu.dma_semaphore, #tpu.memory_space<semaphore_mem>>) src(%dma_wait3A_322 : memref<1x128xi32, #tpu.memory_space<hbm>>) dst(%dma_wait3A_320 : memref<1x128xi32, #tpu.memory_space<vmem>>)
    %dma_start3A_323 = arith.constant 6 : i32
    %dma_start3A_324 = arith.constant 6 : i32
    %dma_start3A_325 = arith.constant 0 : i32
    %dma_start3A_326 = arith.constant 0 : i32
    %dma_start3A_327 = tpu.memref_slice %arg6[%dma_start3A_324, %dma_start3A_325, %dma_start3A_326] : memref<7x128x128xf32, #tpu.memory_space<vmem>> -> memref<1x128x128xf32, #tpu.memory_space<vmem>>
    %dma_start3A_328 = tpu.memref_squeeze %dma_start3A_327 : memref<1x128x128xf32, #tpu.memory_space<vmem>> -> memref<128x128xf32, #tpu.memory_space<vmem>>
    %dma_start3A_329 = arith.constant 0 : i32
    %dma_start3A_330 = tpu.memref_slice %arg5[%dma_start3A_323, %dma_start3A_329] : memref<7x128xi32, #tpu.memory_space<vmem>> -> memref<1x128xi32, #tpu.memory_space<vmem>>
    %dma_start3A_331 = tpu.memref_squeeze %dma_start3A_330 : memref<1x128xi32, #tpu.memory_space<vmem>> -> memref<128xi32, #tpu.memory_space<vmem>>
    %dma_start3A_332 = arith.constant 0 : i32
    %dma_start3A_333 = arith.constant 0 : i32
    %dma_start3A_334 = tpu.memref_slice %arg3[%dma_start3A_332, %dma_start3A_333] : memref<100000x128xf32, #tpu.memory_space<hbm>> -> memref<100000x128xf32, #tpu.memory_space<hbm>>
    tpu.enqueue_indirect_dma source(%dma_start3A_334 : memref<100000x128xf32, #tpu.memory_space<hbm>>) target(%dma_start3A_328 : memref<128x128xf32, #tpu.memory_space<vmem>>) offsets(%dma_start3A_331 : memref<128xi32, #tpu.memory_space<vmem>>) semaphore(%arg20 : memref<!tpu.dma_semaphore, #tpu.memory_space<semaphore_mem>>)
    %dma_wait3A_335 = arith.constant 2 : i32
    %dma_wait3A_336 = arith.constant 2 : i32
    %dma_wait3A_337 = arith.constant 0 : i32
    %dma_wait3A_338 = arith.constant 0 : i32
    %dma_wait3A_339 = tpu.memref_slice %arg6[%dma_wait3A_336, %dma_wait3A_337, %dma_wait3A_338] : memref<7x128x128xf32, #tpu.memory_space<vmem>> -> memref<1x128x128xf32, #tpu.memory_space<vmem>>
    %dma_wait3A_340 = tpu.memref_squeeze %dma_wait3A_339 : memref<1x128x128xf32, #tpu.memory_space<vmem>> -> memref<128x128xf32, #tpu.memory_space<vmem>>
    %dma_wait3A_341 = arith.constant 0 : i32
    %dma_wait3A_342 = tpu.memref_slice %arg5[%dma_wait3A_335, %dma_wait3A_341] : memref<7x128xi32, #tpu.memory_space<vmem>> -> memref<1x128xi32, #tpu.memory_space<vmem>>
    %dma_wait3A_343 = tpu.memref_squeeze %dma_wait3A_342 : memref<1x128xi32, #tpu.memory_space<vmem>> -> memref<128xi32, #tpu.memory_space<vmem>>
    %dma_wait3A_344 = arith.constant 0 : i32
    %dma_wait3A_345 = arith.constant 0 : i32
    %dma_wait3A_346 = tpu.memref_slice %arg3[%dma_wait3A_344, %dma_wait3A_345] : memref<100000x128xf32, #tpu.memory_space<hbm>> -> memref<100000x128xf32, #tpu.memory_space<hbm>>
    tpu.wait_indirect_dma semaphore(%arg16 : memref<!tpu.dma_semaphore, #tpu.memory_space<semaphore_mem>>) src(%dma_wait3A_346 : memref<100000x128xf32, #tpu.memory_space<hbm>>) dst(%dma_wait3A_340 : memref<128x128xf32, #tpu.memory_space<vmem>>)
    %add3A_347 = arith.constant 2 : i32
    %add3A_348 = arith.addi %mul3A_2, %add3A_347 : i32
    %mul3A_349 = arith.constant 128 : i32
    %mul3A_350 = arith.muli %add3A_348, %mul3A_349 : i32
    %dma_start3A_351 = arith.constant 2 : i32
    %dma_start3A_352 = arith.constant 0 : i32
    %dma_start3A_353 = arith.constant 0 : i32
    %dma_start3A_354 = tpu.memref_slice %arg6[%dma_start3A_351, %dma_start3A_352, %dma_start3A_353] : memref<7x128x128xf32, #tpu.memory_space<vmem>> -> memref<1x128x128xf32, #tpu.memory_space<vmem>>
    %dma_start3A_355 = tpu.memref_squeeze %dma_start3A_354 : memref<1x128x128xf32, #tpu.memory_space<vmem>> -> memref<128x128xf32, #tpu.memory_space<vmem>>
    %dma_start3A_356 = arith.constant 0 : i32
    %dma_start3A_357 = tpu.memref_slice %arg4[%mul3A_350, %dma_start3A_356] : memref<819200x128xf32, #tpu.memory_space<hbm>> -> memref<128x128xf32, #tpu.memory_space<hbm>>
    %dma_start3A_358 = arith.constant 0 : i32
    %dma_start3A_359 = tpu.memref_slice %arg4[%mul3A_350, %dma_start3A_358] : memref<819200x128xf32, #tpu.memory_space<hbm>> -> memref<128x128xf32, #tpu.memory_space<hbm>>
    %dma_start3A_360 = arith.constant 0 : i32
    %dma_start3A_361 = arith.constant 0 : i32
    %dma_start3A_362 = tpu.memref_slice %arg6[%dma_start3A_351, %dma_start3A_360, %dma_start3A_361] : memref<7x128x128xf32, #tpu.memory_space<vmem>> -> memref<1x128x128xf32, #tpu.memory_space<vmem>>
    %dma_start3A_363 = tpu.memref_squeeze %dma_start3A_362 : memref<1x128x128xf32, #tpu.memory_space<vmem>> -> memref<128x128xf32, #tpu.memory_space<vmem>>
    tpu.enqueue_dma source(%dma_start3A_363 : memref<128x128xf32, #tpu.memory_space<vmem>>) target(%dma_start3A_359 : memref<128x128xf32, #tpu.memory_space<hbm>>) target_semaphore(%arg23 : memref<!tpu.dma_semaphore, #tpu.memory_space<semaphore_mem>>)
    %add3A_364 = arith.constant 9 : i32
    %add3A_365 = arith.addi %mul3A_2, %add3A_364 : i32
    %dma_start3A_366 = arith.constant 2 : i32
    %dma_start3A_367 = arith.constant 0 : i32
    %dma_start3A_368 = tpu.memref_slice %arg5[%dma_start3A_366, %dma_start3A_367] : memref<7x128xi32, #tpu.memory_space<vmem>> -> memref<1x128xi32, #tpu.memory_space<vmem>>
    %dma_start3A_369 = arith.constant 0 : i32
    %dma_start3A_370 = tpu.memref_slice %arg2[%add3A_365, %dma_start3A_369] : memref<6400x128xi32, #tpu.memory_space<hbm>> -> memref<1x128xi32, #tpu.memory_space<hbm>>
    %dma_start3A_371 = arith.constant 2 : i32
    %dma_start3A_372 = arith.constant 0 : i32
    %dma_start3A_373 = tpu.memref_slice %arg5[%dma_start3A_371, %dma_start3A_372] : memref<7x128xi32, #tpu.memory_space<vmem>> -> memref<1x128xi32, #tpu.memory_space<vmem>>
    %dma_start3A_374 = arith.constant 0 : i32
    %dma_start3A_375 = tpu.memref_slice %arg2[%add3A_365, %dma_start3A_374] : memref<6400x128xi32, #tpu.memory_space<hbm>> -> memref<1x128xi32, #tpu.memory_space<hbm>>
    tpu.enqueue_dma source(%dma_start3A_375 : memref<1x128xi32, #tpu.memory_space<hbm>>) target(%dma_start3A_373 : memref<1x128xi32, #tpu.memory_space<vmem>>) target_semaphore(%arg9 : memref<!tpu.dma_semaphore, #tpu.memory_space<semaphore_mem>>)
    %add3A_376 = arith.constant 0 : i32
    %add3A_377 = arith.addi %mul3A_2, %add3A_376 : i32
    %mul3A_378 = arith.constant 128 : i32
    %mul3A_379 = arith.muli %add3A_377, %mul3A_378 : i32
    %dma_wait3A_380 = arith.constant 0 : i32
    %dma_wait3A_381 = arith.constant 0 : i32
    %dma_wait3A_382 = arith.constant 0 : i32
    %dma_wait3A_383 = tpu.memref_slice %arg6[%dma_wait3A_380, %dma_wait3A_381, %dma_wait3A_382] : memref<7x128x128xf32, #tpu.memory_space<vmem>> -> memref<1x128x128xf32, #tpu.memory_space<vmem>>
    %dma_wait3A_384 = tpu.memref_squeeze %dma_wait3A_383 : memref<1x128x128xf32, #tpu.memory_space<vmem>> -> memref<128x128xf32, #tpu.memory_space<vmem>>
    %dma_wait3A_385 = arith.constant 0 : i32
    %dma_wait3A_386 = tpu.memref_slice %arg4[%mul3A_379, %dma_wait3A_385] : memref<819200x128xf32, #tpu.memory_space<hbm>> -> memref<128x128xf32, #tpu.memory_space<hbm>>
    %dma_wait3A_387 = arith.constant 0 : i32
    %dma_wait3A_388 = tpu.memref_slice %arg4[%mul3A_379, %dma_wait3A_387] : memref<819200x128xf32, #tpu.memory_space<hbm>> -> memref<128x128xf32, #tpu.memory_space<hbm>>
    %dma_wait3A_389 = arith.constant 0 : i32
    %dma_wait3A_390 = arith.constant 0 : i32
    %dma_wait3A_391 = tpu.memref_slice %arg6[%dma_wait3A_380, %dma_wait3A_389, %dma_wait3A_390] : memref<7x128x128xf32, #tpu.memory_space<vmem>> -> memref<1x128x128xf32, #tpu.memory_space<vmem>>
    %dma_wait3A_392 = tpu.memref_squeeze %dma_wait3A_391 : memref<1x128x128xf32, #tpu.memory_space<vmem>> -> memref<128x128xf32, #tpu.memory_space<vmem>>
    tpu.wait_dma2 semaphore(%arg21 : memref<!tpu.dma_semaphore, #tpu.memory_space<semaphore_mem>>) src(%dma_wait3A_392 : memref<128x128xf32, #tpu.memory_space<vmem>>) dst(%dma_wait3A_388 : memref<128x128xf32, #tpu.memory_space<hbm>>)
    %add3A_393 = arith.constant 7 : i32
    %add3A_394 = arith.addi %mul3A_2, %add3A_393 : i32
    %dma_wait3A_395 = arith.constant 0 : i32
    %dma_wait3A_396 = arith.constant 0 : i32
    %dma_wait3A_397 = tpu.memref_slice %arg5[%dma_wait3A_395, %dma_wait3A_396] : memref<7x128xi32, #tpu.memory_space<vmem>> -> memref<1x128xi32, #tpu.memory_space<vmem>>
    %dma_wait3A_398 = arith.constant 0 : i32
    %dma_wait3A_399 = tpu.memref_slice %arg2[%add3A_394, %dma_wait3A_398] : memref<6400x128xi32, #tpu.memory_space<hbm>> -> memref<1x128xi32, #tpu.memory_space<hbm>>
    %dma_wait3A_400 = arith.constant 0 : i32
    %dma_wait3A_401 = arith.constant 0 : i32
    %dma_wait3A_402 = tpu.memref_slice %arg5[%dma_wait3A_400, %dma_wait3A_401] : memref<7x128xi32, #tpu.memory_space<vmem>> -> memref<1x128xi32, #tpu.memory_space<vmem>>
    %dma_wait3A_403 = arith.constant 0 : i32
    %dma_wait3A_404 = tpu.memref_slice %arg2[%add3A_394, %dma_wait3A_403] : memref<6400x128xi32, #tpu.memory_space<hbm>> -> memref<1x128xi32, #tpu.memory_space<hbm>>
    tpu.wait_dma2 semaphore(%arg7 : memref<!tpu.dma_semaphore, #tpu.memory_space<semaphore_mem>>) src(%dma_wait3A_404 : memref<1x128xi32, #tpu.memory_space<hbm>>) dst(%dma_wait3A_402 : memref<1x128xi32, #tpu.memory_space<vmem>>)
    %dma_start3A_405 = arith.constant 0 : i32
    %dma_start3A_406 = arith.constant 0 : i32
    %dma_start3A_407 = arith.constant 0 : i32
    %dma_start3A_408 = arith.constant 0 : i32
    %dma_start3A_409 = tpu.memref_slice %arg6[%dma_start3A_406, %dma_start3A_407, %dma_start3A_408] : memref<7x128x128xf32, #tpu.memory_space<vmem>> -> memref<1x128x128xf32, #tpu.memory_space<vmem>>
    %dma_start3A_410 = tpu.memref_squeeze %dma_start3A_409 : memref<1x128x128xf32, #tpu.memory_space<vmem>> -> memref<128x128xf32, #tpu.memory_space<vmem>>
    %dma_start3A_411 = arith.constant 0 : i32
    %dma_start3A_412 = tpu.memref_slice %arg5[%dma_start3A_405, %dma_start3A_411] : memref<7x128xi32, #tpu.memory_space<vmem>> -> memref<1x128xi32, #tpu.memory_space<vmem>>
    %dma_start3A_413 = tpu.memref_squeeze %dma_start3A_412 : memref<1x128xi32, #tpu.memory_space<vmem>> -> memref<128xi32, #tpu.memory_space<vmem>>
    %dma_start3A_414 = arith.constant 0 : i32
    %dma_start3A_415 = arith.constant 0 : i32
    %dma_start3A_416 = tpu.memref_slice %arg3[%dma_start3A_414, %dma_start3A_415] : memref<100000x128xf32, #tpu.memory_space<hbm>> -> memref<100000x128xf32, #tpu.memory_space<hbm>>
    tpu.enqueue_indirect_dma source(%dma_start3A_416 : memref<100000x128xf32, #tpu.memory_space<hbm>>) target(%dma_start3A_410 : memref<128x128xf32, #tpu.memory_space<vmem>>) offsets(%dma_start3A_413 : memref<128xi32, #tpu.memory_space<vmem>>) semaphore(%arg14 : memref<!tpu.dma_semaphore, #tpu.memory_space<semaphore_mem>>)
    %dma_wait3A_417 = arith.constant 3 : i32
    %dma_wait3A_418 = arith.constant 3 : i32
    %dma_wait3A_419 = arith.constant 0 : i32
    %dma_wait3A_420 = arith.constant 0 : i32
    %dma_wait3A_421 = tpu.memref_slice %arg6[%dma_wait3A_418, %dma_wait3A_419, %dma_wait3A_420] : memref<7x128x128xf32, #tpu.memory_space<vmem>> -> memref<1x128x128xf32, #tpu.memory_space<vmem>>
    %dma_wait3A_422 = tpu.memref_squeeze %dma_wait3A_421 : memref<1x128x128xf32, #tpu.memory_space<vmem>> -> memref<128x128xf32, #tpu.memory_space<vmem>>
    %dma_wait3A_423 = arith.constant 0 : i32
    %dma_wait3A_424 = tpu.memref_slice %arg5[%dma_wait3A_417, %dma_wait3A_423] : memref<7x128xi32, #tpu.memory_space<vmem>> -> memref<1x128xi32, #tpu.memory_space<vmem>>
    %dma_wait3A_425 = tpu.memref_squeeze %dma_wait3A_424 : memref<1x128xi32, #tpu.memory_space<vmem>> -> memref<128xi32, #tpu.memory_space<vmem>>
    %dma_wait3A_426 = arith.constant 0 : i32
    %dma_wait3A_427 = arith.constant 0 : i32
    %dma_wait3A_428 = tpu.memref_slice %arg3[%dma_wait3A_426, %dma_wait3A_427] : memref<100000x128xf32, #tpu.memory_space<hbm>> -> memref<100000x128xf32, #tpu.memory_space<hbm>>
    tpu.wait_indirect_dma semaphore(%arg17 : memref<!tpu.dma_semaphore, #tpu.memory_space<semaphore_mem>>) src(%dma_wait3A_428 : memref<100000x128xf32, #tpu.memory_space<hbm>>) dst(%dma_wait3A_422 : memref<128x128xf32, #tpu.memory_space<vmem>>)
    %add3A_429 = arith.constant 3 : i32
    %add3A_430 = arith.addi %mul3A_2, %add3A_429 : i32
    %mul3A_431 = arith.constant 128 : i32
    %mul3A_432 = arith.muli %add3A_430, %mul3A_431 : i32
    %dma_start3A_433 = arith.constant 3 : i32
    %dma_start3A_434 = arith.constant 0 : i32
    %dma_start3A_435 = arith.constant 0 : i32
    %dma_start3A_436 = tpu.memref_slice %arg6[%dma_start3A_433, %dma_start3A_434, %dma_start3A_435] : memref<7x128x128xf32, #tpu.memory_space<vmem>> -> memref<1x128x128xf32, #tpu.memory_space<vmem>>
    %dma_start3A_437 = tpu.memref_squeeze %dma_start3A_436 : memref<1x128x128xf32, #tpu.memory_space<vmem>> -> memref<128x128xf32, #tpu.memory_space<vmem>>
    %dma_start3A_438 = arith.constant 0 : i32
    %dma_start3A_439 = tpu.memref_slice %arg4[%mul3A_432, %dma_start3A_438] : memref<819200x128xf32, #tpu.memory_space<hbm>> -> memref<128x128xf32, #tpu.memory_space<hbm>>
    %dma_start3A_440 = arith.constant 0 : i32
    %dma_start3A_441 = tpu.memref_slice %arg4[%mul3A_432, %dma_start3A_440] : memref<819200x128xf32, #tpu.memory_space<hbm>> -> memref<128x128xf32, #tpu.memory_space<hbm>>
    %dma_start3A_442 = arith.constant 0 : i32
    %dma_start3A_443 = arith.constant 0 : i32
    %dma_start3A_444 = tpu.memref_slice %arg6[%dma_start3A_433, %dma_start3A_442, %dma_start3A_443] : memref<7x128x128xf32, #tpu.memory_space<vmem>> -> memref<1x128x128xf32, #tpu.memory_space<vmem>>
    %dma_start3A_445 = tpu.memref_squeeze %dma_start3A_444 : memref<1x128x128xf32, #tpu.memory_space<vmem>> -> memref<128x128xf32, #tpu.memory_space<vmem>>
    tpu.enqueue_dma source(%dma_start3A_445 : memref<128x128xf32, #tpu.memory_space<vmem>>) target(%dma_start3A_441 : memref<128x128xf32, #tpu.memory_space<hbm>>) target_semaphore(%arg24 : memref<!tpu.dma_semaphore, #tpu.memory_space<semaphore_mem>>)
    %add3A_446 = arith.constant 10 : i32
    %add3A_447 = arith.addi %mul3A_2, %add3A_446 : i32
    %dma_start3A_448 = arith.constant 3 : i32
    %dma_start3A_449 = arith.constant 0 : i32
    %dma_start3A_450 = tpu.memref_slice %arg5[%dma_start3A_448, %dma_start3A_449] : memref<7x128xi32, #tpu.memory_space<vmem>> -> memref<1x128xi32, #tpu.memory_space<vmem>>
    %dma_start3A_451 = arith.constant 0 : i32
    %dma_start3A_452 = tpu.memref_slice %arg2[%add3A_447, %dma_start3A_451] : memref<6400x128xi32, #tpu.memory_space<hbm>> -> memref<1x128xi32, #tpu.memory_space<hbm>>
    %dma_start3A_453 = arith.constant 3 : i32
    %dma_start3A_454 = arith.constant 0 : i32
    %dma_start3A_455 = tpu.memref_slice %arg5[%dma_start3A_453, %dma_start3A_454] : memref<7x128xi32, #tpu.memory_space<vmem>> -> memref<1x128xi32, #tpu.memory_space<vmem>>
    %dma_start3A_456 = arith.constant 0 : i32
    %dma_start3A_457 = tpu.memref_slice %arg2[%add3A_447, %dma_start3A_456] : memref<6400x128xi32, #tpu.memory_space<hbm>> -> memref<1x128xi32, #tpu.memory_space<hbm>>
    tpu.enqueue_dma source(%dma_start3A_457 : memref<1x128xi32, #tpu.memory_space<hbm>>) target(%dma_start3A_455 : memref<1x128xi32, #tpu.memory_space<vmem>>) target_semaphore(%arg10 : memref<!tpu.dma_semaphore, #tpu.memory_space<semaphore_mem>>)
    %add3A_458 = arith.constant 1 : i32
    %add3A_459 = arith.addi %mul3A_2, %add3A_458 : i32
    %mul3A_460 = arith.constant 128 : i32
    %mul3A_461 = arith.muli %add3A_459, %mul3A_460 : i32
    %dma_wait3A_462 = arith.constant 1 : i32
    %dma_wait3A_463 = arith.constant 0 : i32
    %dma_wait3A_464 = arith.constant 0 : i32
    %dma_wait3A_465 = tpu.memref_slice %arg6[%dma_wait3A_462, %dma_wait3A_463, %dma_wait3A_464] : memref<7x128x128xf32, #tpu.memory_space<vmem>> -> memref<1x128x128xf32, #tpu.memory_space<vmem>>
    %dma_wait3A_466 = tpu.memref_squeeze %dma_wait3A_465 : memref<1x128x128xf32, #tpu.memory_space<vmem>> -> memref<128x128xf32, #tpu.memory_space<vmem>>
    %dma_wait3A_467 = arith.constant 0 : i32
    %dma_wait3A_468 = tpu.memref_slice %arg4[%mul3A_461, %dma_wait3A_467] : memref<819200x128xf32, #tpu.memory_space<hbm>> -> memref<128x128xf32, #tpu.memory_space<hbm>>
    %dma_wait3A_469 = arith.constant 0 : i32
    %dma_wait3A_470 = tpu.memref_slice %arg4[%mul3A_461, %dma_wait3A_469] : memref<819200x128xf32, #tpu.memory_space<hbm>> -> memref<128x128xf32, #tpu.memory_space<hbm>>
    %dma_wait3A_471 = arith.constant 0 : i32
    %dma_wait3A_472 = arith.constant 0 : i32
    %dma_wait3A_473 = tpu.memref_slice %arg6[%dma_wait3A_462, %dma_wait3A_471, %dma_wait3A_472] : memref<7x128x128xf32, #tpu.memory_space<vmem>> -> memref<1x128x128xf32, #tpu.memory_space<vmem>>
    %dma_wait3A_474 = tpu.memref_squeeze %dma_wait3A_473 : memref<1x128x128xf32, #tpu.memory_space<vmem>> -> memref<128x128xf32, #tpu.memory_space<vmem>>
    tpu.wait_dma2 semaphore(%arg22 : memref<!tpu.dma_semaphore, #tpu.memory_space<semaphore_mem>>) src(%dma_wait3A_474 : memref<128x128xf32, #tpu.memory_space<vmem>>) dst(%dma_wait3A_470 : memref<128x128xf32, #tpu.memory_space<hbm>>)
    %add3A_475 = arith.constant 8 : i32
    %add3A_476 = arith.addi %mul3A_2, %add3A_475 : i32
    %dma_wait3A_477 = arith.constant 1 : i32
    %dma_wait3A_478 = arith.constant 0 : i32
    %dma_wait3A_479 = tpu.memref_slice %arg5[%dma_wait3A_477, %dma_wait3A_478] : memref<7x128xi32, #tpu.memory_space<vmem>> -> memref<1x128xi32, #tpu.memory_space<vmem>>
    %dma_wait3A_480 = arith.constant 0 : i32
    %dma_wait3A_481 = tpu.memref_slice %arg2[%add3A_476, %dma_wait3A_480] : memref<6400x128xi32, #tpu.memory_space<hbm>> -> memref<1x128xi32, #tpu.memory_space<hbm>>
    %dma_wait3A_482 = arith.constant 1 : i32
    %dma_wait3A_483 = arith.constant 0 : i32
    %dma_wait3A_484 = tpu.memref_slice %arg5[%dma_wait3A_482, %dma_wait3A_483] : memref<7x128xi32, #tpu.memory_space<vmem>> -> memref<1x128xi32, #tpu.memory_space<vmem>>
    %dma_wait3A_485 = arith.constant 0 : i32
    %dma_wait3A_486 = tpu.memref_slice %arg2[%add3A_476, %dma_wait3A_485] : memref<6400x128xi32, #tpu.memory_space<hbm>> -> memref<1x128xi32, #tpu.memory_space<hbm>>
    tpu.wait_dma2 semaphore(%arg8 : memref<!tpu.dma_semaphore, #tpu.memory_space<semaphore_mem>>) src(%dma_wait3A_486 : memref<1x128xi32, #tpu.memory_space<hbm>>) dst(%dma_wait3A_484 : memref<1x128xi32, #tpu.memory_space<vmem>>)
    %dma_start3A_487 = arith.constant 1 : i32
    %dma_start3A_488 = arith.constant 1 : i32
    %dma_start3A_489 = arith.constant 0 : i32
    %dma_start3A_490 = arith.constant 0 : i32
    %dma_start3A_491 = tpu.memref_slice %arg6[%dma_start3A_488, %dma_start3A_489, %dma_start3A_490] : memref<7x128x128xf32, #tpu.memory_space<vmem>> -> memref<1x128x128xf32, #tpu.memory_space<vmem>>
    %dma_start3A_492 = tpu.memref_squeeze %dma_start3A_491 : memref<1x128x128xf32, #tpu.memory_space<vmem>> -> memref<128x128xf32, #tpu.memory_space<vmem>>
    %dma_start3A_493 = arith.constant 0 : i32
    %dma_start3A_494 = tpu.memref_slice %arg5[%dma_start3A_487, %dma_start3A_493] : memref<7x128xi32, #tpu.memory_space<vmem>> -> memref<1x128xi32, #tpu.memory_space<vmem>>
    %dma_start3A_495 = tpu.memref_squeeze %dma_start3A_494 : memref<1x128xi32, #tpu.memory_space<vmem>> -> memref<128xi32, #tpu.memory_space<vmem>>
    %dma_start3A_496 = arith.constant 0 : i32
    %dma_start3A_497 = arith.constant 0 : i32
    %dma_start3A_498 = tpu.memref_slice %arg3[%dma_start3A_496, %dma_start3A_497] : memref<100000x128xf32, #tpu.memory_space<hbm>> -> memref<100000x128xf32, #tpu.memory_space<hbm>>
    tpu.enqueue_indirect_dma source(%dma_start3A_498 : memref<100000x128xf32, #tpu.memory_space<hbm>>) target(%dma_start3A_492 : memref<128x128xf32, #tpu.memory_space<vmem>>) offsets(%dma_start3A_495 : memref<128xi32, #tpu.memory_space<vmem>>) semaphore(%arg15 : memref<!tpu.dma_semaphore, #tpu.memory_space<semaphore_mem>>)
    %dma_wait3A_499 = arith.constant 4 : i32
    %dma_wait3A_500 = arith.constant 4 : i32
    %dma_wait3A_501 = arith.constant 0 : i32
    %dma_wait3A_502 = arith.constant 0 : i32
    %dma_wait3A_503 = tpu.memref_slice %arg6[%dma_wait3A_500, %dma_wait3A_501, %dma_wait3A_502] : memref<7x128x128xf32, #tpu.memory_space<vmem>> -> memref<1x128x128xf32, #tpu.memory_space<vmem>>
    %dma_wait3A_504 = tpu.memref_squeeze %dma_wait3A_503 : memref<1x128x128xf32, #tpu.memory_space<vmem>> -> memref<128x128xf32, #tpu.memory_space<vmem>>
    %dma_wait3A_505 = arith.constant 0 : i32
    %dma_wait3A_506 = tpu.memref_slice %arg5[%dma_wait3A_499, %dma_wait3A_505] : memref<7x128xi32, #tpu.memory_space<vmem>> -> memref<1x128xi32, #tpu.memory_space<vmem>>
    %dma_wait3A_507 = tpu.memref_squeeze %dma_wait3A_506 : memref<1x128xi32, #tpu.memory_space<vmem>> -> memref<128xi32, #tpu.memory_space<vmem>>
    %dma_wait3A_508 = arith.constant 0 : i32
    %dma_wait3A_509 = arith.constant 0 : i32
    %dma_wait3A_510 = tpu.memref_slice %arg3[%dma_wait3A_508, %dma_wait3A_509] : memref<100000x128xf32, #tpu.memory_space<hbm>> -> memref<100000x128xf32, #tpu.memory_space<hbm>>
    tpu.wait_indirect_dma semaphore(%arg18 : memref<!tpu.dma_semaphore, #tpu.memory_space<semaphore_mem>>) src(%dma_wait3A_510 : memref<100000x128xf32, #tpu.memory_space<hbm>>) dst(%dma_wait3A_504 : memref<128x128xf32, #tpu.memory_space<vmem>>)
    %add3A_511 = arith.constant 4 : i32
    %add3A_512 = arith.addi %mul3A_2, %add3A_511 : i32
    %mul3A_513 = arith.constant 128 : i32
    %mul3A_514 = arith.muli %add3A_512, %mul3A_513 : i32
    %dma_start3A_515 = arith.constant 4 : i32
    %dma_start3A_516 = arith.constant 0 : i32
    %dma_start3A_517 = arith.constant 0 : i32
    %dma_start3A_518 = tpu.memref_slice %arg6[%dma_start3A_515, %dma_start3A_516, %dma_start3A_517] : memref<7x128x128xf32, #tpu.memory_space<vmem>> -> memref<1x128x128xf32, #tpu.memory_space<vmem>>
    %dma_start3A_519 = tpu.memref_squeeze %dma_start3A_518 : memref<1x128x128xf32, #tpu.memory_space<vmem>> -> memref<128x128xf32, #tpu.memory_space<vmem>>
    %dma_start3A_520 = arith.constant 0 : i32
    %dma_start3A_521 = tpu.memref_slice %arg4[%mul3A_514, %dma_start3A_520] : memref<819200x128xf32, #tpu.memory_space<hbm>> -> memref<128x128xf32, #tpu.memory_space<hbm>>
    %dma_start3A_522 = arith.constant 0 : i32
    %dma_start3A_523 = tpu.memref_slice %arg4[%mul3A_514, %dma_start3A_522] : memref<819200x128xf32, #tpu.memory_space<hbm>> -> memref<128x128xf32, #tpu.memory_space<hbm>>
    %dma_start3A_524 = arith.constant 0 : i32
    %dma_start3A_525 = arith.constant 0 : i32
    %dma_start3A_526 = tpu.memref_slice %arg6[%dma_start3A_515, %dma_start3A_524, %dma_start3A_525] : memref<7x128x128xf32, #tpu.memory_space<vmem>> -> memref<1x128x128xf32, #tpu.memory_space<vmem>>
    %dma_start3A_527 = tpu.memref_squeeze %dma_start3A_526 : memref<1x128x128xf32, #tpu.memory_space<vmem>> -> memref<128x128xf32, #tpu.memory_space<vmem>>
    tpu.enqueue_dma source(%dma_start3A_527 : memref<128x128xf32, #tpu.memory_space<vmem>>) target(%dma_start3A_523 : memref<128x128xf32, #tpu.memory_space<hbm>>) target_semaphore(%arg25 : memref<!tpu.dma_semaphore, #tpu.memory_space<semaphore_mem>>)
    %add3A_528 = arith.constant 11 : i32
    %add3A_529 = arith.addi %mul3A_2, %add3A_528 : i32
    %dma_start3A_530 = arith.constant 4 : i32
    %dma_start3A_531 = arith.constant 0 : i32
    %dma_start3A_532 = tpu.memref_slice %arg5[%dma_start3A_530, %dma_start3A_531] : memref<7x128xi32, #tpu.memory_space<vmem>> -> memref<1x128xi32, #tpu.memory_space<vmem>>
    %dma_start3A_533 = arith.constant 0 : i32
    %dma_start3A_534 = tpu.memref_slice %arg2[%add3A_529, %dma_start3A_533] : memref<6400x128xi32, #tpu.memory_space<hbm>> -> memref<1x128xi32, #tpu.memory_space<hbm>>
    %dma_start3A_535 = arith.constant 4 : i32
    %dma_start3A_536 = arith.constant 0 : i32
    %dma_start3A_537 = tpu.memref_slice %arg5[%dma_start3A_535, %dma_start3A_536] : memref<7x128xi32, #tpu.memory_space<vmem>> -> memref<1x128xi32, #tpu.memory_space<vmem>>
    %dma_start3A_538 = arith.constant 0 : i32
    %dma_start3A_539 = tpu.memref_slice %arg2[%add3A_529, %dma_start3A_538] : memref<6400x128xi32, #tpu.memory_space<hbm>> -> memref<1x128xi32, #tpu.memory_space<hbm>>
    tpu.enqueue_dma source(%dma_start3A_539 : memref<1x128xi32, #tpu.memory_space<hbm>>) target(%dma_start3A_537 : memref<1x128xi32, #tpu.memory_space<vmem>>) target_semaphore(%arg11 : memref<!tpu.dma_semaphore, #tpu.memory_space<semaphore_mem>>)
    %add3A_540 = arith.constant 2 : i32
    %add3A_541 = arith.addi %mul3A_2, %add3A_540 : i32
    %mul3A_542 = arith.constant 128 : i32
    %mul3A_543 = arith.muli %add3A_541, %mul3A_542 : i32
    %dma_wait3A_544 = arith.constant 2 : i32
    %dma_wait3A_545 = arith.constant 0 : i32
    %dma_wait3A_546 = arith.constant 0 : i32
    %dma_wait3A_547 = tpu.memref_slice %arg6[%dma_wait3A_544, %dma_wait3A_545, %dma_wait3A_546] : memref<7x128x128xf32, #tpu.memory_space<vmem>> -> memref<1x128x128xf32, #tpu.memory_space<vmem>>
    %dma_wait3A_548 = tpu.memref_squeeze %dma_wait3A_547 : memref<1x128x128xf32, #tpu.memory_space<vmem>> -> memref<128x128xf32, #tpu.memory_space<vmem>>
    %dma_wait3A_549 = arith.constant 0 : i32
    %dma_wait3A_550 = tpu.memref_slice %arg4[%mul3A_543, %dma_wait3A_549] : memref<819200x128xf32, #tpu.memory_space<hbm>> -> memref<128x128xf32, #tpu.memory_space<hbm>>
    %dma_wait3A_551 = arith.constant 0 : i32
    %dma_wait3A_552 = tpu.memref_slice %arg4[%mul3A_543, %dma_wait3A_551] : memref<819200x128xf32, #tpu.memory_space<hbm>> -> memref<128x128xf32, #tpu.memory_space<hbm>>
    %dma_wait3A_553 = arith.constant 0 : i32
    %dma_wait3A_554 = arith.constant 0 : i32
    %dma_wait3A_555 = tpu.memref_slice %arg6[%dma_wait3A_544, %dma_wait3A_553, %dma_wait3A_554] : memref<7x128x128xf32, #tpu.memory_space<vmem>> -> memref<1x128x128xf32, #tpu.memory_space<vmem>>
    %dma_wait3A_556 = tpu.memref_squeeze %dma_wait3A_555 : memref<1x128x128xf32, #tpu.memory_space<vmem>> -> memref<128x128xf32, #tpu.memory_space<vmem>>
    tpu.wait_dma2 semaphore(%arg23 : memref<!tpu.dma_semaphore, #tpu.memory_space<semaphore_mem>>) src(%dma_wait3A_556 : memref<128x128xf32, #tpu.memory_space<vmem>>) dst(%dma_wait3A_552 : memref<128x128xf32, #tpu.memory_space<hbm>>)
    %add3A_557 = arith.constant 9 : i32
    %add3A_558 = arith.addi %mul3A_2, %add3A_557 : i32
    %dma_wait3A_559 = arith.constant 2 : i32
    %dma_wait3A_560 = arith.constant 0 : i32
    %dma_wait3A_561 = tpu.memref_slice %arg5[%dma_wait3A_559, %dma_wait3A_560] : memref<7x128xi32, #tpu.memory_space<vmem>> -> memref<1x128xi32, #tpu.memory_space<vmem>>
    %dma_wait3A_562 = arith.constant 0 : i32
    %dma_wait3A_563 = tpu.memref_slice %arg2[%add3A_558, %dma_wait3A_562] : memref<6400x128xi32, #tpu.memory_space<hbm>> -> memref<1x128xi32, #tpu.memory_space<hbm>>
    %dma_wait3A_564 = arith.constant 2 : i32
    %dma_wait3A_565 = arith.constant 0 : i32
    %dma_wait3A_566 = tpu.memref_slice %arg5[%dma_wait3A_564, %dma_wait3A_565] : memref<7x128xi32, #tpu.memory_space<vmem>> -> memref<1x128xi32, #tpu.memory_space<vmem>>
    %dma_wait3A_567 = arith.constant 0 : i32
    %dma_wait3A_568 = tpu.memref_slice %arg2[%add3A_558, %dma_wait3A_567] : memref<6400x128xi32, #tpu.memory_space<hbm>> -> memref<1x128xi32, #tpu.memory_space<hbm>>
    tpu.wait_dma2 semaphore(%arg9 : memref<!tpu.dma_semaphore, #tpu.memory_space<semaphore_mem>>) src(%dma_wait3A_568 : memref<1x128xi32, #tpu.memory_space<hbm>>) dst(%dma_wait3A_566 : memref<1x128xi32, #tpu.memory_space<vmem>>)
    %dma_start3A_569 = arith.constant 2 : i32
    %dma_start3A_570 = arith.constant 2 : i32
    %dma_start3A_571 = arith.constant 0 : i32
    %dma_start3A_572 = arith.constant 0 : i32
    %dma_start3A_573 = tpu.memref_slice %arg6[%dma_start3A_570, %dma_start3A_571, %dma_start3A_572] : memref<7x128x128xf32, #tpu.memory_space<vmem>> -> memref<1x128x128xf32, #tpu.memory_space<vmem>>
    %dma_start3A_574 = tpu.memref_squeeze %dma_start3A_573 : memref<1x128x128xf32, #tpu.memory_space<vmem>> -> memref<128x128xf32, #tpu.memory_space<vmem>>
    %dma_start3A_575 = arith.constant 0 : i32
    %dma_start3A_576 = tpu.memref_slice %arg5[%dma_start3A_569, %dma_start3A_575] : memref<7x128xi32, #tpu.memory_space<vmem>> -> memref<1x128xi32, #tpu.memory_space<vmem>>
    %dma_start3A_577 = tpu.memref_squeeze %dma_start3A_576 : memref<1x128xi32, #tpu.memory_space<vmem>> -> memref<128xi32, #tpu.memory_space<vmem>>
    %dma_start3A_578 = arith.constant 0 : i32
    %dma_start3A_579 = arith.constant 0 : i32
    %dma_start3A_580 = tpu.memref_slice %arg3[%dma_start3A_578, %dma_start3A_579] : memref<100000x128xf32, #tpu.memory_space<hbm>> -> memref<100000x128xf32, #tpu.memory_space<hbm>>
    tpu.enqueue_indirect_dma source(%dma_start3A_580 : memref<100000x128xf32, #tpu.memory_space<hbm>>) target(%dma_start3A_574 : memref<128x128xf32, #tpu.memory_space<vmem>>) offsets(%dma_start3A_577 : memref<128xi32, #tpu.memory_space<vmem>>) semaphore(%arg16 : memref<!tpu.dma_semaphore, #tpu.memory_space<semaphore_mem>>)
    %dma_wait3A_581 = arith.constant 5 : i32
    %dma_wait3A_582 = arith.constant 5 : i32
    %dma_wait3A_583 = arith.constant 0 : i32
    %dma_wait3A_584 = arith.constant 0 : i32
    %dma_wait3A_585 = tpu.memref_slice %arg6[%dma_wait3A_582, %dma_wait3A_583, %dma_wait3A_584] : memref<7x128x128xf32, #tpu.memory_space<vmem>> -> memref<1x128x128xf32, #tpu.memory_space<vmem>>
    %dma_wait3A_586 = tpu.memref_squeeze %dma_wait3A_585 : memref<1x128x128xf32, #tpu.memory_space<vmem>> -> memref<128x128xf32, #tpu.memory_space<vmem>>
    %dma_wait3A_587 = arith.constant 0 : i32
    %dma_wait3A_588 = tpu.memref_slice %arg5[%dma_wait3A_581, %dma_wait3A_587] : memref<7x128xi32, #tpu.memory_space<vmem>> -> memref<1x128xi32, #tpu.memory_space<vmem>>
    %dma_wait3A_589 = tpu.memref_squeeze %dma_wait3A_588 : memref<1x128xi32, #tpu.memory_space<vmem>> -> memref<128xi32, #tpu.memory_space<vmem>>
    %dma_wait3A_590 = arith.constant 0 : i32
    %dma_wait3A_591 = arith.constant 0 : i32
    %dma_wait3A_592 = tpu.memref_slice %arg3[%dma_wait3A_590, %dma_wait3A_591] : memref<100000x128xf32, #tpu.memory_space<hbm>> -> memref<100000x128xf32, #tpu.memory_space<hbm>>
    tpu.wait_indirect_dma semaphore(%arg19 : memref<!tpu.dma_semaphore, #tpu.memory_space<semaphore_mem>>) src(%dma_wait3A_592 : memref<100000x128xf32, #tpu.memory_space<hbm>>) dst(%dma_wait3A_586 : memref<128x128xf32, #tpu.memory_space<vmem>>)
    %add3A_593 = arith.constant 5 : i32
    %add3A_594 = arith.addi %mul3A_2, %add3A_593 : i32
    %mul3A_595 = arith.constant 128 : i32
    %mul3A_596 = arith.muli %add3A_594, %mul3A_595 : i32
    %dma_start3A_597 = arith.constant 5 : i32
    %dma_start3A_598 = arith.constant 0 : i32
    %dma_start3A_599 = arith.constant 0 : i32
    %dma_start3A_600 = tpu.memref_slice %arg6[%dma_start3A_597, %dma_start3A_598, %dma_start3A_599] : memref<7x128x128xf32, #tpu.memory_space<vmem>> -> memref<1x128x128xf32, #tpu.memory_space<vmem>>
    %dma_start3A_601 = tpu.memref_squeeze %dma_start3A_600 : memref<1x128x128xf32, #tpu.memory_space<vmem>> -> memref<128x128xf32, #tpu.memory_space<vmem>>
    %dma_start3A_602 = arith.constant 0 : i32
    %dma_start3A_603 = tpu.memref_slice %arg4[%mul3A_596, %dma_start3A_602] : memref<819200x128xf32, #tpu.memory_space<hbm>> -> memref<128x128xf32, #tpu.memory_space<hbm>>
    %dma_start3A_604 = arith.constant 0 : i32
    %dma_start3A_605 = tpu.memref_slice %arg4[%mul3A_596, %dma_start3A_604] : memref<819200x128xf32, #tpu.memory_space<hbm>> -> memref<128x128xf32, #tpu.memory_space<hbm>>
    %dma_start3A_606 = arith.constant 0 : i32
    %dma_start3A_607 = arith.constant 0 : i32
    %dma_start3A_608 = tpu.memref_slice %arg6[%dma_start3A_597, %dma_start3A_606, %dma_start3A_607] : memref<7x128x128xf32, #tpu.memory_space<vmem>> -> memref<1x128x128xf32, #tpu.memory_space<vmem>>
    %dma_start3A_609 = tpu.memref_squeeze %dma_start3A_608 : memref<1x128x128xf32, #tpu.memory_space<vmem>> -> memref<128x128xf32, #tpu.memory_space<vmem>>
    tpu.enqueue_dma source(%dma_start3A_609 : memref<128x128xf32, #tpu.memory_space<vmem>>) target(%dma_start3A_605 : memref<128x128xf32, #tpu.memory_space<hbm>>) target_semaphore(%arg26 : memref<!tpu.dma_semaphore, #tpu.memory_space<semaphore_mem>>)
    %add3A_610 = arith.constant 12 : i32
    %add3A_611 = arith.addi %mul3A_2, %add3A_610 : i32
    %dma_start3A_612 = arith.constant 5 : i32
    %dma_start3A_613 = arith.constant 0 : i32
    %dma_start3A_614 = tpu.memref_slice %arg5[%dma_start3A_612, %dma_start3A_613] : memref<7x128xi32, #tpu.memory_space<vmem>> -> memref<1x128xi32, #tpu.memory_space<vmem>>
    %dma_start3A_615 = arith.constant 0 : i32
    %dma_start3A_616 = tpu.memref_slice %arg2[%add3A_611, %dma_start3A_615] : memref<6400x128xi32, #tpu.memory_space<hbm>> -> memref<1x128xi32, #tpu.memory_space<hbm>>
    %dma_start3A_617 = arith.constant 5 : i32
    %dma_start3A_618 = arith.constant 0 : i32
    %dma_start3A_619 = tpu.memref_slice %arg5[%dma_start3A_617, %dma_start3A_618] : memref<7x128xi32, #tpu.memory_space<vmem>> -> memref<1x128xi32, #tpu.memory_space<vmem>>
    %dma_start3A_620 = arith.constant 0 : i32
    %dma_start3A_621 = tpu.memref_slice %arg2[%add3A_611, %dma_start3A_620] : memref<6400x128xi32, #tpu.memory_space<hbm>> -> memref<1x128xi32, #tpu.memory_space<hbm>>
    tpu.enqueue_dma source(%dma_start3A_621 : memref<1x128xi32, #tpu.memory_space<hbm>>) target(%dma_start3A_619 : memref<1x128xi32, #tpu.memory_space<vmem>>) target_semaphore(%arg12 : memref<!tpu.dma_semaphore, #tpu.memory_space<semaphore_mem>>)
    %add3A_622 = arith.constant 3 : i32
    %add3A_623 = arith.addi %mul3A_2, %add3A_622 : i32
    %mul3A_624 = arith.constant 128 : i32
    %mul3A_625 = arith.muli %add3A_623, %mul3A_624 : i32
    %dma_wait3A_626 = arith.constant 3 : i32
    %dma_wait3A_627 = arith.constant 0 : i32
    %dma_wait3A_628 = arith.constant 0 : i32
    %dma_wait3A_629 = tpu.memref_slice %arg6[%dma_wait3A_626, %dma_wait3A_627, %dma_wait3A_628] : memref<7x128x128xf32, #tpu.memory_space<vmem>> -> memref<1x128x128xf32, #tpu.memory_space<vmem>>
    %dma_wait3A_630 = tpu.memref_squeeze %dma_wait3A_629 : memref<1x128x128xf32, #tpu.memory_space<vmem>> -> memref<128x128xf32, #tpu.memory_space<vmem>>
    %dma_wait3A_631 = arith.constant 0 : i32
    %dma_wait3A_632 = tpu.memref_slice %arg4[%mul3A_625, %dma_wait3A_631] : memref<819200x128xf32, #tpu.memory_space<hbm>> -> memref<128x128xf32, #tpu.memory_space<hbm>>
    %dma_wait3A_633 = arith.constant 0 : i32
    %dma_wait3A_634 = tpu.memref_slice %arg4[%mul3A_625, %dma_wait3A_633] : memref<819200x128xf32, #tpu.memory_space<hbm>> -> memref<128x128xf32, #tpu.memory_space<hbm>>
    %dma_wait3A_635 = arith.constant 0 : i32
    %dma_wait3A_636 = arith.constant 0 : i32
    %dma_wait3A_637 = tpu.memref_slice %arg6[%dma_wait3A_626, %dma_wait3A_635, %dma_wait3A_636] : memref<7x128x128xf32, #tpu.memory_space<vmem>> -> memref<1x128x128xf32, #tpu.memory_space<vmem>>
    %dma_wait3A_638 = tpu.memref_squeeze %dma_wait3A_637 : memref<1x128x128xf32, #tpu.memory_space<vmem>> -> memref<128x128xf32, #tpu.memory_space<vmem>>
    tpu.wait_dma2 semaphore(%arg24 : memref<!tpu.dma_semaphore, #tpu.memory_space<semaphore_mem>>) src(%dma_wait3A_638 : memref<128x128xf32, #tpu.memory_space<vmem>>) dst(%dma_wait3A_634 : memref<128x128xf32, #tpu.memory_space<hbm>>)
    %add3A_639 = arith.constant 10 : i32
    %add3A_640 = arith.addi %mul3A_2, %add3A_639 : i32
    %dma_wait3A_641 = arith.constant 3 : i32
    %dma_wait3A_642 = arith.constant 0 : i32
    %dma_wait3A_643 = tpu.memref_slice %arg5[%dma_wait3A_641, %dma_wait3A_642] : memref<7x128xi32, #tpu.memory_space<vmem>> -> memref<1x128xi32, #tpu.memory_space<vmem>>
    %dma_wait3A_644 = arith.constant 0 : i32
    %dma_wait3A_645 = tpu.memref_slice %arg2[%add3A_640, %dma_wait3A_644] : memref<6400x128xi32, #tpu.memory_space<hbm>> -> memref<1x128xi32, #tpu.memory_space<hbm>>
    %dma_wait3A_646 = arith.constant 3 : i32
    %dma_wait3A_647 = arith.constant 0 : i32
    %dma_wait3A_648 = tpu.memref_slice %arg5[%dma_wait3A_646, %dma_wait3A_647] : memref<7x128xi32, #tpu.memory_space<vmem>> -> memref<1x128xi32, #tpu.memory_space<vmem>>
    %dma_wait3A_649 = arith.constant 0 : i32
    %dma_wait3A_650 = tpu.memref_slice %arg2[%add3A_640, %dma_wait3A_649] : memref<6400x128xi32, #tpu.memory_space<hbm>> -> memref<1x128xi32, #tpu.memory_space<hbm>>
    tpu.wait_dma2 semaphore(%arg10 : memref<!tpu.dma_semaphore, #tpu.memory_space<semaphore_mem>>) src(%dma_wait3A_650 : memref<1x128xi32, #tpu.memory_space<hbm>>) dst(%dma_wait3A_648 : memref<1x128xi32, #tpu.memory_space<vmem>>)
    %dma_start3A_651 = arith.constant 3 : i32
    %dma_start3A_652 = arith.constant 3 : i32
    %dma_start3A_653 = arith.constant 0 : i32
    %dma_start3A_654 = arith.constant 0 : i32
    %dma_start3A_655 = tpu.memref_slice %arg6[%dma_start3A_652, %dma_start3A_653, %dma_start3A_654] : memref<7x128x128xf32, #tpu.memory_space<vmem>> -> memref<1x128x128xf32, #tpu.memory_space<vmem>>
    %dma_start3A_656 = tpu.memref_squeeze %dma_start3A_655 : memref<1x128x128xf32, #tpu.memory_space<vmem>> -> memref<128x128xf32, #tpu.memory_space<vmem>>
    %dma_start3A_657 = arith.constant 0 : i32
    %dma_start3A_658 = tpu.memref_slice %arg5[%dma_start3A_651, %dma_start3A_657] : memref<7x128xi32, #tpu.memory_space<vmem>> -> memref<1x128xi32, #tpu.memory_space<vmem>>
    %dma_start3A_659 = tpu.memref_squeeze %dma_start3A_658 : memref<1x128xi32, #tpu.memory_space<vmem>> -> memref<128xi32, #tpu.memory_space<vmem>>
    %dma_start3A_660 = arith.constant 0 : i32
    %dma_start3A_661 = arith.constant 0 : i32
    %dma_start3A_662 = tpu.memref_slice %arg3[%dma_start3A_660, %dma_start3A_661] : memref<100000x128xf32, #tpu.memory_space<hbm>> -> memref<100000x128xf32, #tpu.memory_space<hbm>>
    tpu.enqueue_indirect_dma source(%dma_start3A_662 : memref<100000x128xf32, #tpu.memory_space<hbm>>) target(%dma_start3A_656 : memref<128x128xf32, #tpu.memory_space<vmem>>) offsets(%dma_start3A_659 : memref<128xi32, #tpu.memory_space<vmem>>) semaphore(%arg17 : memref<!tpu.dma_semaphore, #tpu.memory_space<semaphore_mem>>)
    %dma_wait3A_663 = arith.constant 6 : i32
    %dma_wait3A_664 = arith.constant 6 : i32
    %dma_wait3A_665 = arith.constant 0 : i32
    %dma_wait3A_666 = arith.constant 0 : i32
    %dma_wait3A_667 = tpu.memref_slice %arg6[%dma_wait3A_664, %dma_wait3A_665, %dma_wait3A_666] : memref<7x128x128xf32, #tpu.memory_space<vmem>> -> memref<1x128x128xf32, #tpu.memory_space<vmem>>
    %dma_wait3A_668 = tpu.memref_squeeze %dma_wait3A_667 : memref<1x128x128xf32, #tpu.memory_space<vmem>> -> memref<128x128xf32, #tpu.memory_space<vmem>>
    %dma_wait3A_669 = arith.constant 0 : i32
    %dma_wait3A_670 = tpu.memref_slice %arg5[%dma_wait3A_663, %dma_wait3A_669] : memref<7x128xi32, #tpu.memory_space<vmem>> -> memref<1x128xi32, #tpu.memory_space<vmem>>
    %dma_wait3A_671 = tpu.memref_squeeze %dma_wait3A_670 : memref<1x128xi32, #tpu.memory_space<vmem>> -> memref<128xi32, #tpu.memory_space<vmem>>
    %dma_wait3A_672 = arith.constant 0 : i32
    %dma_wait3A_673 = arith.constant 0 : i32
    %dma_wait3A_674 = tpu.memref_slice %arg3[%dma_wait3A_672, %dma_wait3A_673] : memref<100000x128xf32, #tpu.memory_space<hbm>> -> memref<100000x128xf32, #tpu.memory_space<hbm>>
    tpu.wait_indirect_dma semaphore(%arg20 : memref<!tpu.dma_semaphore, #tpu.memory_space<semaphore_mem>>) src(%dma_wait3A_674 : memref<100000x128xf32, #tpu.memory_space<hbm>>) dst(%dma_wait3A_668 : memref<128x128xf32, #tpu.memory_space<vmem>>)
    %add3A_675 = arith.constant 6 : i32
    %add3A_676 = arith.addi %mul3A_2, %add3A_675 : i32
    %mul3A_677 = arith.constant 128 : i32
    %mul3A_678 = arith.muli %add3A_676, %mul3A_677 : i32
    %dma_start3A_679 = arith.constant 6 : i32
    %dma_start3A_680 = arith.constant 0 : i32
    %dma_start3A_681 = arith.constant 0 : i32
    %dma_start3A_682 = tpu.memref_slice %arg6[%dma_start3A_679, %dma_start3A_680, %dma_start3A_681] : memref<7x128x128xf32, #tpu.memory_space<vmem>> -> memref<1x128x128xf32, #tpu.memory_space<vmem>>
    %dma_start3A_683 = tpu.memref_squeeze %dma_start3A_682 : memref<1x128x128xf32, #tpu.memory_space<vmem>> -> memref<128x128xf32, #tpu.memory_space<vmem>>
    %dma_start3A_684 = arith.constant 0 : i32
    %dma_start3A_685 = tpu.memref_slice %arg4[%mul3A_678, %dma_start3A_684] : memref<819200x128xf32, #tpu.memory_space<hbm>> -> memref<128x128xf32, #tpu.memory_space<hbm>>
    %dma_start3A_686 = arith.constant 0 : i32
    %dma_start3A_687 = tpu.memref_slice %arg4[%mul3A_678, %dma_start3A_686] : memref<819200x128xf32, #tpu.memory_space<hbm>> -> memref<128x128xf32, #tpu.memory_space<hbm>>
    %dma_start3A_688 = arith.constant 0 : i32
    %dma_start3A_689 = arith.constant 0 : i32
    %dma_start3A_690 = tpu.memref_slice %arg6[%dma_start3A_679, %dma_start3A_688, %dma_start3A_689] : memref<7x128x128xf32, #tpu.memory_space<vmem>> -> memref<1x128x128xf32, #tpu.memory_space<vmem>>
    %dma_start3A_691 = tpu.memref_squeeze %dma_start3A_690 : memref<1x128x128xf32, #tpu.memory_space<vmem>> -> memref<128x128xf32, #tpu.memory_space<vmem>>
    tpu.enqueue_dma source(%dma_start3A_691 : memref<128x128xf32, #tpu.memory_space<vmem>>) target(%dma_start3A_687 : memref<128x128xf32, #tpu.memory_space<hbm>>) target_semaphore(%arg27 : memref<!tpu.dma_semaphore, #tpu.memory_space<semaphore_mem>>)
    %add3A_692 = arith.constant 13 : i32
    %add3A_693 = arith.addi %mul3A_2, %add3A_692 : i32
    %dma_start3A_694 = arith.constant 6 : i32
    %dma_start3A_695 = arith.constant 0 : i32
    %dma_start3A_696 = tpu.memref_slice %arg5[%dma_start3A_694, %dma_start3A_695] : memref<7x128xi32, #tpu.memory_space<vmem>> -> memref<1x128xi32, #tpu.memory_space<vmem>>
    %dma_start3A_697 = arith.constant 0 : i32
    %dma_start3A_698 = tpu.memref_slice %arg2[%add3A_693, %dma_start3A_697] : memref<6400x128xi32, #tpu.memory_space<hbm>> -> memref<1x128xi32, #tpu.memory_space<hbm>>
    %dma_start3A_699 = arith.constant 6 : i32
    %dma_start3A_700 = arith.constant 0 : i32
    %dma_start3A_701 = tpu.memref_slice %arg5[%dma_start3A_699, %dma_start3A_700] : memref<7x128xi32, #tpu.memory_space<vmem>> -> memref<1x128xi32, #tpu.memory_space<vmem>>
    %dma_start3A_702 = arith.constant 0 : i32
    %dma_start3A_703 = tpu.memref_slice %arg2[%add3A_693, %dma_start3A_702] : memref<6400x128xi32, #tpu.memory_space<hbm>> -> memref<1x128xi32, #tpu.memory_space<hbm>>
    tpu.enqueue_dma source(%dma_start3A_703 : memref<1x128xi32, #tpu.memory_space<hbm>>) target(%dma_start3A_701 : memref<1x128xi32, #tpu.memory_space<vmem>>) target_semaphore(%arg13 : memref<!tpu.dma_semaphore, #tpu.memory_space<semaphore_mem>>)
    %add3A_704 = arith.constant 4 : i32
    %add3A_705 = arith.addi %mul3A_2, %add3A_704 : i32
    %mul3A_706 = arith.constant 128 : i32
    %mul3A_707 = arith.muli %add3A_705, %mul3A_706 : i32
    %dma_wait3A_708 = arith.constant 4 : i32
    %dma_wait3A_709 = arith.constant 0 : i32
    %dma_wait3A_710 = arith.constant 0 : i32
    %dma_wait3A_711 = tpu.memref_slice %arg6[%dma_wait3A_708, %dma_wait3A_709, %dma_wait3A_710] : memref<7x128x128xf32, #tpu.memory_space<vmem>> -> memref<1x128x128xf32, #tpu.memory_space<vmem>>
    %dma_wait3A_712 = tpu.memref_squeeze %dma_wait3A_711 : memref<1x128x128xf32, #tpu.memory_space<vmem>> -> memref<128x128xf32, #tpu.memory_space<vmem>>
    %dma_wait3A_713 = arith.constant 0 : i32
    %dma_wait3A_714 = tpu.memref_slice %arg4[%mul3A_707, %dma_wait3A_713] : memref<819200x128xf32, #tpu.memory_space<hbm>> -> memref<128x128xf32, #tpu.memory_space<hbm>>
    %dma_wait3A_715 = arith.constant 0 : i32
    %dma_wait3A_716 = tpu.memref_slice %arg4[%mul3A_707, %dma_wait3A_715] : memref<819200x128xf32, #tpu.memory_space<hbm>> -> memref<128x128xf32, #tpu.memory_space<hbm>>
    %dma_wait3A_717 = arith.constant 0 : i32
    %dma_wait3A_718 = arith.constant 0 : i32
    %dma_wait3A_719 = tpu.memref_slice %arg6[%dma_wait3A_708, %dma_wait3A_717, %dma_wait3A_718] : memref<7x128x128xf32, #tpu.memory_space<vmem>> -> memref<1x128x128xf32, #tpu.memory_space<vmem>>
    %dma_wait3A_720 = tpu.memref_squeeze %dma_wait3A_719 : memref<1x128x128xf32, #tpu.memory_space<vmem>> -> memref<128x128xf32, #tpu.memory_space<vmem>>
    tpu.wait_dma2 semaphore(%arg25 : memref<!tpu.dma_semaphore, #tpu.memory_space<semaphore_mem>>) src(%dma_wait3A_720 : memref<128x128xf32, #tpu.memory_space<vmem>>) dst(%dma_wait3A_716 : memref<128x128xf32, #tpu.memory_space<hbm>>)
    %add3A_721 = arith.constant 11 : i32
    %add3A_722 = arith.addi %mul3A_2, %add3A_721 : i32
    %dma_wait3A_723 = arith.constant 4 : i32
    %dma_wait3A_724 = arith.constant 0 : i32
    %dma_wait3A_725 = tpu.memref_slice %arg5[%dma_wait3A_723, %dma_wait3A_724] : memref<7x128xi32, #tpu.memory_space<vmem>> -> memref<1x128xi32, #tpu.memory_space<vmem>>
    %dma_wait3A_726 = arith.constant 0 : i32
    %dma_wait3A_727 = tpu.memref_slice %arg2[%add3A_722, %dma_wait3A_726] : memref<6400x128xi32, #tpu.memory_space<hbm>> -> memref<1x128xi32, #tpu.memory_space<hbm>>
    %dma_wait3A_728 = arith.constant 4 : i32
    %dma_wait3A_729 = arith.constant 0 : i32
    %dma_wait3A_730 = tpu.memref_slice %arg5[%dma_wait3A_728, %dma_wait3A_729] : memref<7x128xi32, #tpu.memory_space<vmem>> -> memref<1x128xi32, #tpu.memory_space<vmem>>
    %dma_wait3A_731 = arith.constant 0 : i32
    %dma_wait3A_732 = tpu.memref_slice %arg2[%add3A_722, %dma_wait3A_731] : memref<6400x128xi32, #tpu.memory_space<hbm>> -> memref<1x128xi32, #tpu.memory_space<hbm>>
    tpu.wait_dma2 semaphore(%arg11 : memref<!tpu.dma_semaphore, #tpu.memory_space<semaphore_mem>>) src(%dma_wait3A_732 : memref<1x128xi32, #tpu.memory_space<hbm>>) dst(%dma_wait3A_730 : memref<1x128xi32, #tpu.memory_space<vmem>>)
    %dma_start3A_733 = arith.constant 4 : i32
    %dma_start3A_734 = arith.constant 4 : i32
    %dma_start3A_735 = arith.constant 0 : i32
    %dma_start3A_736 = arith.constant 0 : i32
    %dma_start3A_737 = tpu.memref_slice %arg6[%dma_start3A_734, %dma_start3A_735, %dma_start3A_736] : memref<7x128x128xf32, #tpu.memory_space<vmem>> -> memref<1x128x128xf32, #tpu.memory_space<vmem>>
    %dma_start3A_738 = tpu.memref_squeeze %dma_start3A_737 : memref<1x128x128xf32, #tpu.memory_space<vmem>> -> memref<128x128xf32, #tpu.memory_space<vmem>>
    %dma_start3A_739 = arith.constant 0 : i32
    %dma_start3A_740 = tpu.memref_slice %arg5[%dma_start3A_733, %dma_start3A_739] : memref<7x128xi32, #tpu.memory_space<vmem>> -> memref<1x128xi32, #tpu.memory_space<vmem>>
    %dma_start3A_741 = tpu.memref_squeeze %dma_start3A_740 : memref<1x128xi32, #tpu.memory_space<vmem>> -> memref<128xi32, #tpu.memory_space<vmem>>
    %dma_start3A_742 = arith.constant 0 : i32
    %dma_start3A_743 = arith.constant 0 : i32
    %dma_start3A_744 = tpu.memref_slice %arg3[%dma_start3A_742, %dma_start3A_743] : memref<100000x128xf32, #tpu.memory_space<hbm>> -> memref<100000x128xf32, #tpu.memory_space<hbm>>
    tpu.enqueue_indirect_dma source(%dma_start3A_744 : memref<100000x128xf32, #tpu.memory_space<hbm>>) target(%dma_start3A_738 : memref<128x128xf32, #tpu.memory_space<vmem>>) offsets(%dma_start3A_741 : memref<128xi32, #tpu.memory_space<vmem>>) semaphore(%arg18 : memref<!tpu.dma_semaphore, #tpu.memory_space<semaphore_mem>>)
    %scan3A = arith.constant 0 : i32
    %scan3A_745 = arith.constant 1 : i32
    %scan3A_746 = arith.constant 26 : i32
    %scan3A_747 = arith.addi %scan3A_745, %scan3A_746 : i32
    %scan3A_748 = arith.constant 1 : i32
    scf.for %scan3A_1482 = %scan3A_745 to %scan3A_747 step %scan3A_748  : i32 {
      %mul3A_1483 = arith.constant 7 : i32
      %mul3A_1484 = arith.muli %scan3A_1482, %mul3A_1483 : i32
      %add3A_1485 = arith.constant 0 : i32
      %add3A_1486 = arith.addi %mul3A_1484, %add3A_1485 : i32
      %dma_wait3A_1487 = arith.constant 0 : i32
      %dma_wait3A_1488 = arith.constant 0 : i32
      %dma_wait3A_1489 = arith.constant 0 : i32
      %dma_wait3A_1490 = arith.constant 0 : i32
      %dma_wait3A_1491 = tpu.memref_slice %arg6[%dma_wait3A_1488, %dma_wait3A_1489, %dma_wait3A_1490] : memref<7x128x128xf32, #tpu.memory_space<vmem>> -> memref<1x128x128xf32, #tpu.memory_space<vmem>>
      %dma_wait3A_1492 = tpu.memref_squeeze %dma_wait3A_1491 : memref<1x128x128xf32, #tpu.memory_space<vmem>> -> memref<128x128xf32, #tpu.memory_space<vmem>>
      %dma_wait3A_1493 = arith.constant 0 : i32
      %dma_wait3A_1494 = tpu.memref_slice %arg5[%dma_wait3A_1487, %dma_wait3A_1493] : memref<7x128xi32, #tpu.memory_space<vmem>> -> memref<1x128xi32, #tpu.memory_space<vmem>>
      %dma_wait3A_1495 = tpu.memref_squeeze %dma_wait3A_1494 : memref<1x128xi32, #tpu.memory_space<vmem>> -> memref<128xi32, #tpu.memory_space<vmem>>
      %dma_wait3A_1496 = arith.constant 0 : i32
      %dma_wait3A_1497 = arith.constant 0 : i32
      %dma_wait3A_1498 = tpu.memref_slice %arg3[%dma_wait3A_1496, %dma_wait3A_1497] : memref<100000x128xf32, #tpu.memory_space<hbm>> -> memref<100000x128xf32, #tpu.memory_space<hbm>>
      tpu.wait_indirect_dma semaphore(%arg14 : memref<!tpu.dma_semaphore, #tpu.memory_space<semaphore_mem>>) src(%dma_wait3A_1498 : memref<100000x128xf32, #tpu.memory_space<hbm>>) dst(%dma_wait3A_1492 : memref<128x128xf32, #tpu.memory_space<vmem>>)
      %add3A_1499 = arith.addi %mul3A_2, %add3A_1486 : i32
      %mul3A_1500 = arith.constant 128 : i32
      %mul3A_1501 = arith.muli %add3A_1499, %mul3A_1500 : i32
      %dma_start3A_1502 = arith.constant 0 : i32
      %dma_start3A_1503 = arith.constant 0 : i32
      %dma_start3A_1504 = arith.constant 0 : i32
      %dma_start3A_1505 = tpu.memref_slice %arg6[%dma_start3A_1502, %dma_start3A_1503, %dma_start3A_1504] : memref<7x128x128xf32, #tpu.memory_space<vmem>> -> memref<1x128x128xf32, #tpu.memory_space<vmem>>
      %dma_start3A_1506 = tpu.memref_squeeze %dma_start3A_1505 : memref<1x128x128xf32, #tpu.memory_space<vmem>> -> memref<128x128xf32, #tpu.memory_space<vmem>>
      %dma_start3A_1507 = arith.constant 0 : i32
      %dma_start3A_1508 = tpu.memref_slice %arg4[%mul3A_1501, %dma_start3A_1507] : memref<819200x128xf32, #tpu.memory_space<hbm>> -> memref<128x128xf32, #tpu.memory_space<hbm>>
      %dma_start3A_1509 = arith.constant 0 : i32
      %dma_start3A_1510 = tpu.memref_slice %arg4[%mul3A_1501, %dma_start3A_1509] : memref<819200x128xf32, #tpu.memory_space<hbm>> -> memref<128x128xf32, #tpu.memory_space<hbm>>
      %dma_start3A_1511 = arith.constant 0 : i32
      %dma_start3A_1512 = arith.constant 0 : i32
      %dma_start3A_1513 = tpu.memref_slice %arg6[%dma_start3A_1502, %dma_start3A_1511, %dma_start3A_1512] : memref<7x128x128xf32, #tpu.memory_space<vmem>> -> memref<1x128x128xf32, #tpu.memory_space<vmem>>
      %dma_start3A_1514 = tpu.memref_squeeze %dma_start3A_1513 : memref<1x128x128xf32, #tpu.memory_space<vmem>> -> memref<128x128xf32, #tpu.memory_space<vmem>>
      tpu.enqueue_dma source(%dma_start3A_1514 : memref<128x128xf32, #tpu.memory_space<vmem>>) target(%dma_start3A_1510 : memref<128x128xf32, #tpu.memory_space<hbm>>) target_semaphore(%arg21 : memref<!tpu.dma_semaphore, #tpu.memory_space<semaphore_mem>>)
      %add3A_1515 = arith.constant 7 : i32
      %add3A_1516 = arith.addi %add3A_1486, %add3A_1515 : i32
      %add3A_1517 = arith.addi %mul3A_2, %add3A_1516 : i32
      %dma_start3A_1518 = arith.constant 0 : i32
      %dma_start3A_1519 = arith.constant 0 : i32
      %dma_start3A_1520 = tpu.memref_slice %arg5[%dma_start3A_1518, %dma_start3A_1519] : memref<7x128xi32, #tpu.memory_space<vmem>> -> memref<1x128xi32, #tpu.memory_space<vmem>>
      %dma_start3A_1521 = arith.constant 0 : i32
      %dma_start3A_1522 = tpu.memref_slice %arg2[%add3A_1517, %dma_start3A_1521] : memref<6400x128xi32, #tpu.memory_space<hbm>> -> memref<1x128xi32, #tpu.memory_space<hbm>>
      %dma_start3A_1523 = arith.constant 0 : i32
      %dma_start3A_1524 = arith.constant 0 : i32
      %dma_start3A_1525 = tpu.memref_slice %arg5[%dma_start3A_1523, %dma_start3A_1524] : memref<7x128xi32, #tpu.memory_space<vmem>> -> memref<1x128xi32, #tpu.memory_space<vmem>>
      %dma_start3A_1526 = arith.constant 0 : i32
      %dma_start3A_1527 = tpu.memref_slice %arg2[%add3A_1517, %dma_start3A_1526] : memref<6400x128xi32, #tpu.memory_space<hbm>> -> memref<1x128xi32, #tpu.memory_space<hbm>>
      tpu.enqueue_dma source(%dma_start3A_1527 : memref<1x128xi32, #tpu.memory_space<hbm>>) target(%dma_start3A_1525 : memref<1x128xi32, #tpu.memory_space<vmem>>) target_semaphore(%arg7 : memref<!tpu.dma_semaphore, #tpu.memory_space<semaphore_mem>>)
      %add3A_1528 = arith.constant 5 : i32
      %add3A_1529 = arith.addi %add3A_1486, %add3A_1528 : i32
      %sub3A = arith.constant 7 : i32
      %sub3A_1530 = arith.subi %add3A_1529, %sub3A : i32
      %add3A_1531 = arith.addi %mul3A_2, %sub3A_1530 : i32
      %mul3A_1532 = arith.constant 128 : i32
      %mul3A_1533 = arith.muli %add3A_1531, %mul3A_1532 : i32
      %dma_wait3A_1534 = arith.constant 5 : i32
      %dma_wait3A_1535 = arith.constant 0 : i32
      %dma_wait3A_1536 = arith.constant 0 : i32
      %dma_wait3A_1537 = tpu.memref_slice %arg6[%dma_wait3A_1534, %dma_wait3A_1535, %dma_wait3A_1536] : memref<7x128x128xf32, #tpu.memory_space<vmem>> -> memref<1x128x128xf32, #tpu.memory_space<vmem>>
      %dma_wait3A_1538 = tpu.memref_squeeze %dma_wait3A_1537 : memref<1x128x128xf32, #tpu.memory_space<vmem>> -> memref<128x128xf32, #tpu.memory_space<vmem>>
      %dma_wait3A_1539 = arith.constant 0 : i32
      %dma_wait3A_1540 = tpu.memref_slice %arg4[%mul3A_1533, %dma_wait3A_1539] : memref<819200x128xf32, #tpu.memory_space<hbm>> -> memref<128x128xf32, #tpu.memory_space<hbm>>
      %dma_wait3A_1541 = arith.constant 0 : i32
      %dma_wait3A_1542 = tpu.memref_slice %arg4[%mul3A_1533, %dma_wait3A_1541] : memref<819200x128xf32, #tpu.memory_space<hbm>> -> memref<128x128xf32, #tpu.memory_space<hbm>>
      %dma_wait3A_1543 = arith.constant 0 : i32
      %dma_wait3A_1544 = arith.constant 0 : i32
      %dma_wait3A_1545 = tpu.memref_slice %arg6[%dma_wait3A_1534, %dma_wait3A_1543, %dma_wait3A_1544] : memref<7x128x128xf32, #tpu.memory_space<vmem>> -> memref<1x128x128xf32, #tpu.memory_space<vmem>>
      %dma_wait3A_1546 = tpu.memref_squeeze %dma_wait3A_1545 : memref<1x128x128xf32, #tpu.memory_space<vmem>> -> memref<128x128xf32, #tpu.memory_space<vmem>>
      tpu.wait_dma2 semaphore(%arg26 : memref<!tpu.dma_semaphore, #tpu.memory_space<semaphore_mem>>) src(%dma_wait3A_1546 : memref<128x128xf32, #tpu.memory_space<vmem>>) dst(%dma_wait3A_1542 : memref<128x128xf32, #tpu.memory_space<hbm>>)
      %add3A_1547 = arith.constant 5 : i32
      %add3A_1548 = arith.addi %add3A_1486, %add3A_1547 : i32
      %add3A_1549 = arith.addi %mul3A_2, %add3A_1548 : i32
      %dma_wait3A_1550 = arith.constant 5 : i32
      %dma_wait3A_1551 = arith.constant 0 : i32
      %dma_wait3A_1552 = tpu.memref_slice %arg5[%dma_wait3A_1550, %dma_wait3A_1551] : memref<7x128xi32, #tpu.memory_space<vmem>> -> memref<1x128xi32, #tpu.memory_space<vmem>>
      %dma_wait3A_1553 = arith.constant 0 : i32
      %dma_wait3A_1554 = tpu.memref_slice %arg2[%add3A_1549, %dma_wait3A_1553] : memref<6400x128xi32, #tpu.memory_space<hbm>> -> memref<1x128xi32, #tpu.memory_space<hbm>>
      %dma_wait3A_1555 = arith.constant 5 : i32
      %dma_wait3A_1556 = arith.constant 0 : i32
      %dma_wait3A_1557 = tpu.memref_slice %arg5[%dma_wait3A_1555, %dma_wait3A_1556] : memref<7x128xi32, #tpu.memory_space<vmem>> -> memref<1x128xi32, #tpu.memory_space<vmem>>
      %dma_wait3A_1558 = arith.constant 0 : i32
      %dma_wait3A_1559 = tpu.memref_slice %arg2[%add3A_1549, %dma_wait3A_1558] : memref<6400x128xi32, #tpu.memory_space<hbm>> -> memref<1x128xi32, #tpu.memory_space<hbm>>
      tpu.wait_dma2 semaphore(%arg12 : memref<!tpu.dma_semaphore, #tpu.memory_space<semaphore_mem>>) src(%dma_wait3A_1559 : memref<1x128xi32, #tpu.memory_space<hbm>>) dst(%dma_wait3A_1557 : memref<1x128xi32, #tpu.memory_space<vmem>>)
      %add3A_1560 = arith.constant 5 : i32
      %add3A_1561 = arith.addi %add3A_1486, %add3A_1560 : i32
      %dma_start3A_1562 = arith.constant 5 : i32
      %dma_start3A_1563 = arith.constant 5 : i32
      %dma_start3A_1564 = arith.constant 0 : i32
      %dma_start3A_1565 = arith.constant 0 : i32
      %dma_start3A_1566 = tpu.memref_slice %arg6[%dma_start3A_1563, %dma_start3A_1564, %dma_start3A_1565] : memref<7x128x128xf32, #tpu.memory_space<vmem>> -> memref<1x128x128xf32, #tpu.memory_space<vmem>>
      %dma_start3A_1567 = tpu.memref_squeeze %dma_start3A_1566 : memref<1x128x128xf32, #tpu.memory_space<vmem>> -> memref<128x128xf32, #tpu.memory_space<vmem>>
      %dma_start3A_1568 = arith.constant 0 : i32
      %dma_start3A_1569 = tpu.memref_slice %arg5[%dma_start3A_1562, %dma_start3A_1568] : memref<7x128xi32, #tpu.memory_space<vmem>> -> memref<1x128xi32, #tpu.memory_space<vmem>>
      %dma_start3A_1570 = tpu.memref_squeeze %dma_start3A_1569 : memref<1x128xi32, #tpu.memory_space<vmem>> -> memref<128xi32, #tpu.memory_space<vmem>>
      %dma_start3A_1571 = arith.constant 0 : i32
      %dma_start3A_1572 = arith.constant 0 : i32
      %dma_start3A_1573 = tpu.memref_slice %arg3[%dma_start3A_1571, %dma_start3A_1572] : memref<100000x128xf32, #tpu.memory_space<hbm>> -> memref<100000x128xf32, #tpu.memory_space<hbm>>
      tpu.enqueue_indirect_dma source(%dma_start3A_1573 : memref<100000x128xf32, #tpu.memory_space<hbm>>) target(%dma_start3A_1567 : memref<128x128xf32, #tpu.memory_space<vmem>>) offsets(%dma_start3A_1570 : memref<128xi32, #tpu.memory_space<vmem>>) semaphore(%arg19 : memref<!tpu.dma_semaphore, #tpu.memory_space<semaphore_mem>>)
      %mul3A_1574 = arith.constant 7 : i32
      %mul3A_1575 = arith.muli %scan3A_1482, %mul3A_1574 : i32
      %add3A_1576 = arith.constant 1 : i32
      %add3A_1577 = arith.addi %mul3A_1575, %add3A_1576 : i32
      %dma_wait3A_1578 = arith.constant 1 : i32
      %dma_wait3A_1579 = arith.constant 1 : i32
      %dma_wait3A_1580 = arith.constant 0 : i32
      %dma_wait3A_1581 = arith.constant 0 : i32
      %dma_wait3A_1582 = tpu.memref_slice %arg6[%dma_wait3A_1579, %dma_wait3A_1580, %dma_wait3A_1581] : memref<7x128x128xf32, #tpu.memory_space<vmem>> -> memref<1x128x128xf32, #tpu.memory_space<vmem>>
      %dma_wait3A_1583 = tpu.memref_squeeze %dma_wait3A_1582 : memref<1x128x128xf32, #tpu.memory_space<vmem>> -> memref<128x128xf32, #tpu.memory_space<vmem>>
      %dma_wait3A_1584 = arith.constant 0 : i32
      %dma_wait3A_1585 = tpu.memref_slice %arg5[%dma_wait3A_1578, %dma_wait3A_1584] : memref<7x128xi32, #tpu.memory_space<vmem>> -> memref<1x128xi32, #tpu.memory_space<vmem>>
      %dma_wait3A_1586 = tpu.memref_squeeze %dma_wait3A_1585 : memref<1x128xi32, #tpu.memory_space<vmem>> -> memref<128xi32, #tpu.memory_space<vmem>>
      %dma_wait3A_1587 = arith.constant 0 : i32
      %dma_wait3A_1588 = arith.constant 0 : i32
      %dma_wait3A_1589 = tpu.memref_slice %arg3[%dma_wait3A_1587, %dma_wait3A_1588] : memref<100000x128xf32, #tpu.memory_space<hbm>> -> memref<100000x128xf32, #tpu.memory_space<hbm>>
      tpu.wait_indirect_dma semaphore(%arg15 : memref<!tpu.dma_semaphore, #tpu.memory_space<semaphore_mem>>) src(%dma_wait3A_1589 : memref<100000x128xf32, #tpu.memory_space<hbm>>) dst(%dma_wait3A_1583 : memref<128x128xf32, #tpu.memory_space<vmem>>)
      %add3A_1590 = arith.addi %mul3A_2, %add3A_1577 : i32
      %mul3A_1591 = arith.constant 128 : i32
      %mul3A_1592 = arith.muli %add3A_1590, %mul3A_1591 : i32
      %dma_start3A_1593 = arith.constant 1 : i32
      %dma_start3A_1594 = arith.constant 0 : i32
      %dma_start3A_1595 = arith.constant 0 : i32
      %dma_start3A_1596 = tpu.memref_slice %arg6[%dma_start3A_1593, %dma_start3A_1594, %dma_start3A_1595] : memref<7x128x128xf32, #tpu.memory_space<vmem>> -> memref<1x128x128xf32, #tpu.memory_space<vmem>>
      %dma_start3A_1597 = tpu.memref_squeeze %dma_start3A_1596 : memref<1x128x128xf32, #tpu.memory_space<vmem>> -> memref<128x128xf32, #tpu.memory_space<vmem>>
      %dma_start3A_1598 = arith.constant 0 : i32
      %dma_start3A_1599 = tpu.memref_slice %arg4[%mul3A_1592, %dma_start3A_1598] : memref<819200x128xf32, #tpu.memory_space<hbm>> -> memref<128x128xf32, #tpu.memory_space<hbm>>
      %dma_start3A_1600 = arith.constant 0 : i32
      %dma_start3A_1601 = tpu.memref_slice %arg4[%mul3A_1592, %dma_start3A_1600] : memref<819200x128xf32, #tpu.memory_space<hbm>> -> memref<128x128xf32, #tpu.memory_space<hbm>>
      %dma_start3A_1602 = arith.constant 0 : i32
      %dma_start3A_1603 = arith.constant 0 : i32
      %dma_start3A_1604 = tpu.memref_slice %arg6[%dma_start3A_1593, %dma_start3A_1602, %dma_start3A_1603] : memref<7x128x128xf32, #tpu.memory_space<vmem>> -> memref<1x128x128xf32, #tpu.memory_space<vmem>>
      %dma_start3A_1605 = tpu.memref_squeeze %dma_start3A_1604 : memref<1x128x128xf32, #tpu.memory_space<vmem>> -> memref<128x128xf32, #tpu.memory_space<vmem>>
      tpu.enqueue_dma source(%dma_start3A_1605 : memref<128x128xf32, #tpu.memory_space<vmem>>) target(%dma_start3A_1601 : memref<128x128xf32, #tpu.memory_space<hbm>>) target_semaphore(%arg22 : memref<!tpu.dma_semaphore, #tpu.memory_space<semaphore_mem>>)
      %add3A_1606 = arith.constant 7 : i32
      %add3A_1607 = arith.addi %add3A_1577, %add3A_1606 : i32
      %add3A_1608 = arith.addi %mul3A_2, %add3A_1607 : i32
      %dma_start3A_1609 = arith.constant 1 : i32
      %dma_start3A_1610 = arith.constant 0 : i32
      %dma_start3A_1611 = tpu.memref_slice %arg5[%dma_start3A_1609, %dma_start3A_1610] : memref<7x128xi32, #tpu.memory_space<vmem>> -> memref<1x128xi32, #tpu.memory_space<vmem>>
      %dma_start3A_1612 = arith.constant 0 : i32
      %dma_start3A_1613 = tpu.memref_slice %arg2[%add3A_1608, %dma_start3A_1612] : memref<6400x128xi32, #tpu.memory_space<hbm>> -> memref<1x128xi32, #tpu.memory_space<hbm>>
      %dma_start3A_1614 = arith.constant 1 : i32
      %dma_start3A_1615 = arith.constant 0 : i32
      %dma_start3A_1616 = tpu.memref_slice %arg5[%dma_start3A_1614, %dma_start3A_1615] : memref<7x128xi32, #tpu.memory_space<vmem>> -> memref<1x128xi32, #tpu.memory_space<vmem>>
      %dma_start3A_1617 = arith.constant 0 : i32
      %dma_start3A_1618 = tpu.memref_slice %arg2[%add3A_1608, %dma_start3A_1617] : memref<6400x128xi32, #tpu.memory_space<hbm>> -> memref<1x128xi32, #tpu.memory_space<hbm>>
      tpu.enqueue_dma source(%dma_start3A_1618 : memref<1x128xi32, #tpu.memory_space<hbm>>) target(%dma_start3A_1616 : memref<1x128xi32, #tpu.memory_space<vmem>>) target_semaphore(%arg8 : memref<!tpu.dma_semaphore, #tpu.memory_space<semaphore_mem>>)
      %add3A_1619 = arith.constant 5 : i32
      %add3A_1620 = arith.addi %add3A_1577, %add3A_1619 : i32
      %sub3A_1621 = arith.constant 7 : i32
      %sub3A_1622 = arith.subi %add3A_1620, %sub3A_1621 : i32
      %add3A_1623 = arith.addi %mul3A_2, %sub3A_1622 : i32
      %mul3A_1624 = arith.constant 128 : i32
      %mul3A_1625 = arith.muli %add3A_1623, %mul3A_1624 : i32
      %dma_wait3A_1626 = arith.constant 6 : i32
      %dma_wait3A_1627 = arith.constant 0 : i32
      %dma_wait3A_1628 = arith.constant 0 : i32
      %dma_wait3A_1629 = tpu.memref_slice %arg6[%dma_wait3A_1626, %dma_wait3A_1627, %dma_wait3A_1628] : memref<7x128x128xf32, #tpu.memory_space<vmem>> -> memref<1x128x128xf32, #tpu.memory_space<vmem>>
      %dma_wait3A_1630 = tpu.memref_squeeze %dma_wait3A_1629 : memref<1x128x128xf32, #tpu.memory_space<vmem>> -> memref<128x128xf32, #tpu.memory_space<vmem>>
      %dma_wait3A_1631 = arith.constant 0 : i32
      %dma_wait3A_1632 = tpu.memref_slice %arg4[%mul3A_1625, %dma_wait3A_1631] : memref<819200x128xf32, #tpu.memory_space<hbm>> -> memref<128x128xf32, #tpu.memory_space<hbm>>
      %dma_wait3A_1633 = arith.constant 0 : i32
      %dma_wait3A_1634 = tpu.memref_slice %arg4[%mul3A_1625, %dma_wait3A_1633] : memref<819200x128xf32, #tpu.memory_space<hbm>> -> memref<128x128xf32, #tpu.memory_space<hbm>>
      %dma_wait3A_1635 = arith.constant 0 : i32
      %dma_wait3A_1636 = arith.constant 0 : i32
      %dma_wait3A_1637 = tpu.memref_slice %arg6[%dma_wait3A_1626, %dma_wait3A_1635, %dma_wait3A_1636] : memref<7x128x128xf32, #tpu.memory_space<vmem>> -> memref<1x128x128xf32, #tpu.memory_space<vmem>>
      %dma_wait3A_1638 = tpu.memref_squeeze %dma_wait3A_1637 : memref<1x128x128xf32, #tpu.memory_space<vmem>> -> memref<128x128xf32, #tpu.memory_space<vmem>>
      tpu.wait_dma2 semaphore(%arg27 : memref<!tpu.dma_semaphore, #tpu.memory_space<semaphore_mem>>) src(%dma_wait3A_1638 : memref<128x128xf32, #tpu.memory_space<vmem>>) dst(%dma_wait3A_1634 : memref<128x128xf32, #tpu.memory_space<hbm>>)
      %add3A_1639 = arith.constant 5 : i32
      %add3A_1640 = arith.addi %add3A_1577, %add3A_1639 : i32
      %add3A_1641 = arith.addi %mul3A_2, %add3A_1640 : i32
      %dma_wait3A_1642 = arith.constant 6 : i32
      %dma_wait3A_1643 = arith.constant 0 : i32
      %dma_wait3A_1644 = tpu.memref_slice %arg5[%dma_wait3A_1642, %dma_wait3A_1643] : memref<7x128xi32, #tpu.memory_space<vmem>> -> memref<1x128xi32, #tpu.memory_space<vmem>>
      %dma_wait3A_1645 = arith.constant 0 : i32
      %dma_wait3A_1646 = tpu.memref_slice %arg2[%add3A_1641, %dma_wait3A_1645] : memref<6400x128xi32, #tpu.memory_space<hbm>> -> memref<1x128xi32, #tpu.memory_space<hbm>>
      %dma_wait3A_1647 = arith.constant 6 : i32
      %dma_wait3A_1648 = arith.constant 0 : i32
      %dma_wait3A_1649 = tpu.memref_slice %arg5[%dma_wait3A_1647, %dma_wait3A_1648] : memref<7x128xi32, #tpu.memory_space<vmem>> -> memref<1x128xi32, #tpu.memory_space<vmem>>
      %dma_wait3A_1650 = arith.constant 0 : i32
      %dma_wait3A_1651 = tpu.memref_slice %arg2[%add3A_1641, %dma_wait3A_1650] : memref<6400x128xi32, #tpu.memory_space<hbm>> -> memref<1x128xi32, #tpu.memory_space<hbm>>
      tpu.wait_dma2 semaphore(%arg13 : memref<!tpu.dma_semaphore, #tpu.memory_space<semaphore_mem>>) src(%dma_wait3A_1651 : memref<1x128xi32, #tpu.memory_space<hbm>>) dst(%dma_wait3A_1649 : memref<1x128xi32, #tpu.memory_space<vmem>>)
      %add3A_1652 = arith.constant 5 : i32
      %add3A_1653 = arith.addi %add3A_1577, %add3A_1652 : i32
      %dma_start3A_1654 = arith.constant 6 : i32
      %dma_start3A_1655 = arith.constant 6 : i32
      %dma_start3A_1656 = arith.constant 0 : i32
      %dma_start3A_1657 = arith.constant 0 : i32
      %dma_start3A_1658 = tpu.memref_slice %arg6[%dma_start3A_1655, %dma_start3A_1656, %dma_start3A_1657] : memref<7x128x128xf32, #tpu.memory_space<vmem>> -> memref<1x128x128xf32, #tpu.memory_space<vmem>>
      %dma_start3A_1659 = tpu.memref_squeeze %dma_start3A_1658 : memref<1x128x128xf32, #tpu.memory_space<vmem>> -> memref<128x128xf32, #tpu.memory_space<vmem>>
      %dma_start3A_1660 = arith.constant 0 : i32
      %dma_start3A_1661 = tpu.memref_slice %arg5[%dma_start3A_1654, %dma_start3A_1660] : memref<7x128xi32, #tpu.memory_space<vmem>> -> memref<1x128xi32, #tpu.memory_space<vmem>>
      %dma_start3A_1662 = tpu.memref_squeeze %dma_start3A_1661 : memref<1x128xi32, #tpu.memory_space<vmem>> -> memref<128xi32, #tpu.memory_space<vmem>>
      %dma_start3A_1663 = arith.constant 0 : i32
      %dma_start3A_1664 = arith.constant 0 : i32
      %dma_start3A_1665 = tpu.memref_slice %arg3[%dma_start3A_1663, %dma_start3A_1664] : memref<100000x128xf32, #tpu.memory_space<hbm>> -> memref<100000x128xf32, #tpu.memory_space<hbm>>
      tpu.enqueue_indirect_dma source(%dma_start3A_1665 : memref<100000x128xf32, #tpu.memory_space<hbm>>) target(%dma_start3A_1659 : memref<128x128xf32, #tpu.memory_space<vmem>>) offsets(%dma_start3A_1662 : memref<128xi32, #tpu.memory_space<vmem>>) semaphore(%arg20 : memref<!tpu.dma_semaphore, #tpu.memory_space<semaphore_mem>>)
      %mul3A_1666 = arith.constant 7 : i32
      %mul3A_1667 = arith.muli %scan3A_1482, %mul3A_1666 : i32
      %add3A_1668 = arith.constant 2 : i32
      %add3A_1669 = arith.addi %mul3A_1667, %add3A_1668 : i32
      %dma_wait3A_1670 = arith.constant 2 : i32
      %dma_wait3A_1671 = arith.constant 2 : i32
      %dma_wait3A_1672 = arith.constant 0 : i32
      %dma_wait3A_1673 = arith.constant 0 : i32
      %dma_wait3A_1674 = tpu.memref_slice %arg6[%dma_wait3A_1671, %dma_wait3A_1672, %dma_wait3A_1673] : memref<7x128x128xf32, #tpu.memory_space<vmem>> -> memref<1x128x128xf32, #tpu.memory_space<vmem>>
      %dma_wait3A_1675 = tpu.memref_squeeze %dma_wait3A_1674 : memref<1x128x128xf32, #tpu.memory_space<vmem>> -> memref<128x128xf32, #tpu.memory_space<vmem>>
      %dma_wait3A_1676 = arith.constant 0 : i32
      %dma_wait3A_1677 = tpu.memref_slice %arg5[%dma_wait3A_1670, %dma_wait3A_1676] : memref<7x128xi32, #tpu.memory_space<vmem>> -> memref<1x128xi32, #tpu.memory_space<vmem>>
      %dma_wait3A_1678 = tpu.memref_squeeze %dma_wait3A_1677 : memref<1x128xi32, #tpu.memory_space<vmem>> -> memref<128xi32, #tpu.memory_space<vmem>>
      %dma_wait3A_1679 = arith.constant 0 : i32
      %dma_wait3A_1680 = arith.constant 0 : i32
      %dma_wait3A_1681 = tpu.memref_slice %arg3[%dma_wait3A_1679, %dma_wait3A_1680] : memref<100000x128xf32, #tpu.memory_space<hbm>> -> memref<100000x128xf32, #tpu.memory_space<hbm>>
      tpu.wait_indirect_dma semaphore(%arg16 : memref<!tpu.dma_semaphore, #tpu.memory_space<semaphore_mem>>) src(%dma_wait3A_1681 : memref<100000x128xf32, #tpu.memory_space<hbm>>) dst(%dma_wait3A_1675 : memref<128x128xf32, #tpu.memory_space<vmem>>)
      %add3A_1682 = arith.addi %mul3A_2, %add3A_1669 : i32
      %mul3A_1683 = arith.constant 128 : i32
      %mul3A_1684 = arith.muli %add3A_1682, %mul3A_1683 : i32
      %dma_start3A_1685 = arith.constant 2 : i32
      %dma_start3A_1686 = arith.constant 0 : i32
      %dma_start3A_1687 = arith.constant 0 : i32
      %dma_start3A_1688 = tpu.memref_slice %arg6[%dma_start3A_1685, %dma_start3A_1686, %dma_start3A_1687] : memref<7x128x128xf32, #tpu.memory_space<vmem>> -> memref<1x128x128xf32, #tpu.memory_space<vmem>>
      %dma_start3A_1689 = tpu.memref_squeeze %dma_start3A_1688 : memref<1x128x128xf32, #tpu.memory_space<vmem>> -> memref<128x128xf32, #tpu.memory_space<vmem>>
      %dma_start3A_1690 = arith.constant 0 : i32
      %dma_start3A_1691 = tpu.memref_slice %arg4[%mul3A_1684, %dma_start3A_1690] : memref<819200x128xf32, #tpu.memory_space<hbm>> -> memref<128x128xf32, #tpu.memory_space<hbm>>
      %dma_start3A_1692 = arith.constant 0 : i32
      %dma_start3A_1693 = tpu.memref_slice %arg4[%mul3A_1684, %dma_start3A_1692] : memref<819200x128xf32, #tpu.memory_space<hbm>> -> memref<128x128xf32, #tpu.memory_space<hbm>>
      %dma_start3A_1694 = arith.constant 0 : i32
      %dma_start3A_1695 = arith.constant 0 : i32
      %dma_start3A_1696 = tpu.memref_slice %arg6[%dma_start3A_1685, %dma_start3A_1694, %dma_start3A_1695] : memref<7x128x128xf32, #tpu.memory_space<vmem>> -> memref<1x128x128xf32, #tpu.memory_space<vmem>>
      %dma_start3A_1697 = tpu.memref_squeeze %dma_start3A_1696 : memref<1x128x128xf32, #tpu.memory_space<vmem>> -> memref<128x128xf32, #tpu.memory_space<vmem>>
      tpu.enqueue_dma source(%dma_start3A_1697 : memref<128x128xf32, #tpu.memory_space<vmem>>) target(%dma_start3A_1693 : memref<128x128xf32, #tpu.memory_space<hbm>>) target_semaphore(%arg23 : memref<!tpu.dma_semaphore, #tpu.memory_space<semaphore_mem>>)
      %add3A_1698 = arith.constant 7 : i32
      %add3A_1699 = arith.addi %add3A_1669, %add3A_1698 : i32
      %add3A_1700 = arith.addi %mul3A_2, %add3A_1699 : i32
      %dma_start3A_1701 = arith.constant 2 : i32
      %dma_start3A_1702 = arith.constant 0 : i32
      %dma_start3A_1703 = tpu.memref_slice %arg5[%dma_start3A_1701, %dma_start3A_1702] : memref<7x128xi32, #tpu.memory_space<vmem>> -> memref<1x128xi32, #tpu.memory_space<vmem>>
      %dma_start3A_1704 = arith.constant 0 : i32
      %dma_start3A_1705 = tpu.memref_slice %arg2[%add3A_1700, %dma_start3A_1704] : memref<6400x128xi32, #tpu.memory_space<hbm>> -> memref<1x128xi32, #tpu.memory_space<hbm>>
      %dma_start3A_1706 = arith.constant 2 : i32
      %dma_start3A_1707 = arith.constant 0 : i32
      %dma_start3A_1708 = tpu.memref_slice %arg5[%dma_start3A_1706, %dma_start3A_1707] : memref<7x128xi32, #tpu.memory_space<vmem>> -> memref<1x128xi32, #tpu.memory_space<vmem>>
      %dma_start3A_1709 = arith.constant 0 : i32
      %dma_start3A_1710 = tpu.memref_slice %arg2[%add3A_1700, %dma_start3A_1709] : memref<6400x128xi32, #tpu.memory_space<hbm>> -> memref<1x128xi32, #tpu.memory_space<hbm>>
      tpu.enqueue_dma source(%dma_start3A_1710 : memref<1x128xi32, #tpu.memory_space<hbm>>) target(%dma_start3A_1708 : memref<1x128xi32, #tpu.memory_space<vmem>>) target_semaphore(%arg9 : memref<!tpu.dma_semaphore, #tpu.memory_space<semaphore_mem>>)
      %add3A_1711 = arith.constant 5 : i32
      %add3A_1712 = arith.addi %add3A_1669, %add3A_1711 : i32
      %sub3A_1713 = arith.constant 7 : i32
      %sub3A_1714 = arith.subi %add3A_1712, %sub3A_1713 : i32
      %add3A_1715 = arith.addi %mul3A_2, %sub3A_1714 : i32
      %mul3A_1716 = arith.constant 128 : i32
      %mul3A_1717 = arith.muli %add3A_1715, %mul3A_1716 : i32
      %dma_wait3A_1718 = arith.constant 0 : i32
      %dma_wait3A_1719 = arith.constant 0 : i32
      %dma_wait3A_1720 = arith.constant 0 : i32
      %dma_wait3A_1721 = tpu.memref_slice %arg6[%dma_wait3A_1718, %dma_wait3A_1719, %dma_wait3A_1720] : memref<7x128x128xf32, #tpu.memory_space<vmem>> -> memref<1x128x128xf32, #tpu.memory_space<vmem>>
      %dma_wait3A_1722 = tpu.memref_squeeze %dma_wait3A_1721 : memref<1x128x128xf32, #tpu.memory_space<vmem>> -> memref<128x128xf32, #tpu.memory_space<vmem>>
      %dma_wait3A_1723 = arith.constant 0 : i32
      %dma_wait3A_1724 = tpu.memref_slice %arg4[%mul3A_1717, %dma_wait3A_1723] : memref<819200x128xf32, #tpu.memory_space<hbm>> -> memref<128x128xf32, #tpu.memory_space<hbm>>
      %dma_wait3A_1725 = arith.constant 0 : i32
      %dma_wait3A_1726 = tpu.memref_slice %arg4[%mul3A_1717, %dma_wait3A_1725] : memref<819200x128xf32, #tpu.memory_space<hbm>> -> memref<128x128xf32, #tpu.memory_space<hbm>>
      %dma_wait3A_1727 = arith.constant 0 : i32
      %dma_wait3A_1728 = arith.constant 0 : i32
      %dma_wait3A_1729 = tpu.memref_slice %arg6[%dma_wait3A_1718, %dma_wait3A_1727, %dma_wait3A_1728] : memref<7x128x128xf32, #tpu.memory_space<vmem>> -> memref<1x128x128xf32, #tpu.memory_space<vmem>>
      %dma_wait3A_1730 = tpu.memref_squeeze %dma_wait3A_1729 : memref<1x128x128xf32, #tpu.memory_space<vmem>> -> memref<128x128xf32, #tpu.memory_space<vmem>>
      tpu.wait_dma2 semaphore(%arg21 : memref<!tpu.dma_semaphore, #tpu.memory_space<semaphore_mem>>) src(%dma_wait3A_1730 : memref<128x128xf32, #tpu.memory_space<vmem>>) dst(%dma_wait3A_1726 : memref<128x128xf32, #tpu.memory_space<hbm>>)
      %add3A_1731 = arith.constant 5 : i32
      %add3A_1732 = arith.addi %add3A_1669, %add3A_1731 : i32
      %add3A_1733 = arith.addi %mul3A_2, %add3A_1732 : i32
      %dma_wait3A_1734 = arith.constant 0 : i32
      %dma_wait3A_1735 = arith.constant 0 : i32
      %dma_wait3A_1736 = tpu.memref_slice %arg5[%dma_wait3A_1734, %dma_wait3A_1735] : memref<7x128xi32, #tpu.memory_space<vmem>> -> memref<1x128xi32, #tpu.memory_space<vmem>>
      %dma_wait3A_1737 = arith.constant 0 : i32
      %dma_wait3A_1738 = tpu.memref_slice %arg2[%add3A_1733, %dma_wait3A_1737] : memref<6400x128xi32, #tpu.memory_space<hbm>> -> memref<1x128xi32, #tpu.memory_space<hbm>>
      %dma_wait3A_1739 = arith.constant 0 : i32
      %dma_wait3A_1740 = arith.constant 0 : i32
      %dma_wait3A_1741 = tpu.memref_slice %arg5[%dma_wait3A_1739, %dma_wait3A_1740] : memref<7x128xi32, #tpu.memory_space<vmem>> -> memref<1x128xi32, #tpu.memory_space<vmem>>
      %dma_wait3A_1742 = arith.constant 0 : i32
      %dma_wait3A_1743 = tpu.memref_slice %arg2[%add3A_1733, %dma_wait3A_1742] : memref<6400x128xi32, #tpu.memory_space<hbm>> -> memref<1x128xi32, #tpu.memory_space<hbm>>
      tpu.wait_dma2 semaphore(%arg7 : memref<!tpu.dma_semaphore, #tpu.memory_space<semaphore_mem>>) src(%dma_wait3A_1743 : memref<1x128xi32, #tpu.memory_space<hbm>>) dst(%dma_wait3A_1741 : memref<1x128xi32, #tpu.memory_space<vmem>>)
      %add3A_1744 = arith.constant 5 : i32
      %add3A_1745 = arith.addi %add3A_1669, %add3A_1744 : i32
      %dma_start3A_1746 = arith.constant 0 : i32
      %dma_start3A_1747 = arith.constant 0 : i32
      %dma_start3A_1748 = arith.constant 0 : i32
      %dma_start3A_1749 = arith.constant 0 : i32
      %dma_start3A_1750 = tpu.memref_slice %arg6[%dma_start3A_1747, %dma_start3A_1748, %dma_start3A_1749] : memref<7x128x128xf32, #tpu.memory_space<vmem>> -> memref<1x128x128xf32, #tpu.memory_space<vmem>>
      %dma_start3A_1751 = tpu.memref_squeeze %dma_start3A_1750 : memref<1x128x128xf32, #tpu.memory_space<vmem>> -> memref<128x128xf32, #tpu.memory_space<vmem>>
      %dma_start3A_1752 = arith.constant 0 : i32
      %dma_start3A_1753 = tpu.memref_slice %arg5[%dma_start3A_1746, %dma_start3A_1752] : memref<7x128xi32, #tpu.memory_space<vmem>> -> memref<1x128xi32, #tpu.memory_space<vmem>>
      %dma_start3A_1754 = tpu.memref_squeeze %dma_start3A_1753 : memref<1x128xi32, #tpu.memory_space<vmem>> -> memref<128xi32, #tpu.memory_space<vmem>>
      %dma_start3A_1755 = arith.constant 0 : i32
      %dma_start3A_1756 = arith.constant 0 : i32
      %dma_start3A_1757 = tpu.memref_slice %arg3[%dma_start3A_1755, %dma_start3A_1756] : memref<100000x128xf32, #tpu.memory_space<hbm>> -> memref<100000x128xf32, #tpu.memory_space<hbm>>
      tpu.enqueue_indirect_dma source(%dma_start3A_1757 : memref<100000x128xf32, #tpu.memory_space<hbm>>) target(%dma_start3A_1751 : memref<128x128xf32, #tpu.memory_space<vmem>>) offsets(%dma_start3A_1754 : memref<128xi32, #tpu.memory_space<vmem>>) semaphore(%arg14 : memref<!tpu.dma_semaphore, #tpu.memory_space<semaphore_mem>>)
      %mul3A_1758 = arith.constant 7 : i32
      %mul3A_1759 = arith.muli %scan3A_1482, %mul3A_1758 : i32
      %add3A_1760 = arith.constant 3 : i32
      %add3A_1761 = arith.addi %mul3A_1759, %add3A_1760 : i32
      %dma_wait3A_1762 = arith.constant 3 : i32
      %dma_wait3A_1763 = arith.constant 3 : i32
      %dma_wait3A_1764 = arith.constant 0 : i32
      %dma_wait3A_1765 = arith.constant 0 : i32
      %dma_wait3A_1766 = tpu.memref_slice %arg6[%dma_wait3A_1763, %dma_wait3A_1764, %dma_wait3A_1765] : memref<7x128x128xf32, #tpu.memory_space<vmem>> -> memref<1x128x128xf32, #tpu.memory_space<vmem>>
      %dma_wait3A_1767 = tpu.memref_squeeze %dma_wait3A_1766 : memref<1x128x128xf32, #tpu.memory_space<vmem>> -> memref<128x128xf32, #tpu.memory_space<vmem>>
      %dma_wait3A_1768 = arith.constant 0 : i32
      %dma_wait3A_1769 = tpu.memref_slice %arg5[%dma_wait3A_1762, %dma_wait3A_1768] : memref<7x128xi32, #tpu.memory_space<vmem>> -> memref<1x128xi32, #tpu.memory_space<vmem>>
      %dma_wait3A_1770 = tpu.memref_squeeze %dma_wait3A_1769 : memref<1x128xi32, #tpu.memory_space<vmem>> -> memref<128xi32, #tpu.memory_space<vmem>>
      %dma_wait3A_1771 = arith.constant 0 : i32
      %dma_wait3A_1772 = arith.constant 0 : i32
      %dma_wait3A_1773 = tpu.memref_slice %arg3[%dma_wait3A_1771, %dma_wait3A_1772] : memref<100000x128xf32, #tpu.memory_space<hbm>> -> memref<100000x128xf32, #tpu.memory_space<hbm>>
      tpu.wait_indirect_dma semaphore(%arg17 : memref<!tpu.dma_semaphore, #tpu.memory_space<semaphore_mem>>) src(%dma_wait3A_1773 : memref<100000x128xf32, #tpu.memory_space<hbm>>) dst(%dma_wait3A_1767 : memref<128x128xf32, #tpu.memory_space<vmem>>)
      %add3A_1774 = arith.addi %mul3A_2, %add3A_1761 : i32
      %mul3A_1775 = arith.constant 128 : i32
      %mul3A_1776 = arith.muli %add3A_1774, %mul3A_1775 : i32
      %dma_start3A_1777 = arith.constant 3 : i32
      %dma_start3A_1778 = arith.constant 0 : i32
      %dma_start3A_1779 = arith.constant 0 : i32
      %dma_start3A_1780 = tpu.memref_slice %arg6[%dma_start3A_1777, %dma_start3A_1778, %dma_start3A_1779] : memref<7x128x128xf32, #tpu.memory_space<vmem>> -> memref<1x128x128xf32, #tpu.memory_space<vmem>>
      %dma_start3A_1781 = tpu.memref_squeeze %dma_start3A_1780 : memref<1x128x128xf32, #tpu.memory_space<vmem>> -> memref<128x128xf32, #tpu.memory_space<vmem>>
      %dma_start3A_1782 = arith.constant 0 : i32
      %dma_start3A_1783 = tpu.memref_slice %arg4[%mul3A_1776, %dma_start3A_1782] : memref<819200x128xf32, #tpu.memory_space<hbm>> -> memref<128x128xf32, #tpu.memory_space<hbm>>
      %dma_start3A_1784 = arith.constant 0 : i32
      %dma_start3A_1785 = tpu.memref_slice %arg4[%mul3A_1776, %dma_start3A_1784] : memref<819200x128xf32, #tpu.memory_space<hbm>> -> memref<128x128xf32, #tpu.memory_space<hbm>>
      %dma_start3A_1786 = arith.constant 0 : i32
      %dma_start3A_1787 = arith.constant 0 : i32
      %dma_start3A_1788 = tpu.memref_slice %arg6[%dma_start3A_1777, %dma_start3A_1786, %dma_start3A_1787] : memref<7x128x128xf32, #tpu.memory_space<vmem>> -> memref<1x128x128xf32, #tpu.memory_space<vmem>>
      %dma_start3A_1789 = tpu.memref_squeeze %dma_start3A_1788 : memref<1x128x128xf32, #tpu.memory_space<vmem>> -> memref<128x128xf32, #tpu.memory_space<vmem>>
      tpu.enqueue_dma source(%dma_start3A_1789 : memref<128x128xf32, #tpu.memory_space<vmem>>) target(%dma_start3A_1785 : memref<128x128xf32, #tpu.memory_space<hbm>>) target_semaphore(%arg24 : memref<!tpu.dma_semaphore, #tpu.memory_space<semaphore_mem>>)
      %add3A_1790 = arith.constant 7 : i32
      %add3A_1791 = arith.addi %add3A_1761, %add3A_1790 : i32
      %add3A_1792 = arith.addi %mul3A_2, %add3A_1791 : i32
      %dma_start3A_1793 = arith.constant 3 : i32
      %dma_start3A_1794 = arith.constant 0 : i32
      %dma_start3A_1795 = tpu.memref_slice %arg5[%dma_start3A_1793, %dma_start3A_1794] : memref<7x128xi32, #tpu.memory_space<vmem>> -> memref<1x128xi32, #tpu.memory_space<vmem>>
      %dma_start3A_1796 = arith.constant 0 : i32
      %dma_start3A_1797 = tpu.memref_slice %arg2[%add3A_1792, %dma_start3A_1796] : memref<6400x128xi32, #tpu.memory_space<hbm>> -> memref<1x128xi32, #tpu.memory_space<hbm>>
      %dma_start3A_1798 = arith.constant 3 : i32
      %dma_start3A_1799 = arith.constant 0 : i32
      %dma_start3A_1800 = tpu.memref_slice %arg5[%dma_start3A_1798, %dma_start3A_1799] : memref<7x128xi32, #tpu.memory_space<vmem>> -> memref<1x128xi32, #tpu.memory_space<vmem>>
      %dma_start3A_1801 = arith.constant 0 : i32
      %dma_start3A_1802 = tpu.memref_slice %arg2[%add3A_1792, %dma_start3A_1801] : memref<6400x128xi32, #tpu.memory_space<hbm>> -> memref<1x128xi32, #tpu.memory_space<hbm>>
      tpu.enqueue_dma source(%dma_start3A_1802 : memref<1x128xi32, #tpu.memory_space<hbm>>) target(%dma_start3A_1800 : memref<1x128xi32, #tpu.memory_space<vmem>>) target_semaphore(%arg10 : memref<!tpu.dma_semaphore, #tpu.memory_space<semaphore_mem>>)
      %add3A_1803 = arith.constant 5 : i32
      %add3A_1804 = arith.addi %add3A_1761, %add3A_1803 : i32
      %sub3A_1805 = arith.constant 7 : i32
      %sub3A_1806 = arith.subi %add3A_1804, %sub3A_1805 : i32
      %add3A_1807 = arith.addi %mul3A_2, %sub3A_1806 : i32
      %mul3A_1808 = arith.constant 128 : i32
      %mul3A_1809 = arith.muli %add3A_1807, %mul3A_1808 : i32
      %dma_wait3A_1810 = arith.constant 1 : i32
      %dma_wait3A_1811 = arith.constant 0 : i32
      %dma_wait3A_1812 = arith.constant 0 : i32
      %dma_wait3A_1813 = tpu.memref_slice %arg6[%dma_wait3A_1810, %dma_wait3A_1811, %dma_wait3A_1812] : memref<7x128x128xf32, #tpu.memory_space<vmem>> -> memref<1x128x128xf32, #tpu.memory_space<vmem>>
      %dma_wait3A_1814 = tpu.memref_squeeze %dma_wait3A_1813 : memref<1x128x128xf32, #tpu.memory_space<vmem>> -> memref<128x128xf32, #tpu.memory_space<vmem>>
      %dma_wait3A_1815 = arith.constant 0 : i32
      %dma_wait3A_1816 = tpu.memref_slice %arg4[%mul3A_1809, %dma_wait3A_1815] : memref<819200x128xf32, #tpu.memory_space<hbm>> -> memref<128x128xf32, #tpu.memory_space<hbm>>
      %dma_wait3A_1817 = arith.constant 0 : i32
      %dma_wait3A_1818 = tpu.memref_slice %arg4[%mul3A_1809, %dma_wait3A_1817] : memref<819200x128xf32, #tpu.memory_space<hbm>> -> memref<128x128xf32, #tpu.memory_space<hbm>>
      %dma_wait3A_1819 = arith.constant 0 : i32
      %dma_wait3A_1820 = arith.constant 0 : i32
      %dma_wait3A_1821 = tpu.memref_slice %arg6[%dma_wait3A_1810, %dma_wait3A_1819, %dma_wait3A_1820] : memref<7x128x128xf32, #tpu.memory_space<vmem>> -> memref<1x128x128xf32, #tpu.memory_space<vmem>>
      %dma_wait3A_1822 = tpu.memref_squeeze %dma_wait3A_1821 : memref<1x128x128xf32, #tpu.memory_space<vmem>> -> memref<128x128xf32, #tpu.memory_space<vmem>>
      tpu.wait_dma2 semaphore(%arg22 : memref<!tpu.dma_semaphore, #tpu.memory_space<semaphore_mem>>) src(%dma_wait3A_1822 : memref<128x128xf32, #tpu.memory_space<vmem>>) dst(%dma_wait3A_1818 : memref<128x128xf32, #tpu.memory_space<hbm>>)
      %add3A_1823 = arith.constant 5 : i32
      %add3A_1824 = arith.addi %add3A_1761, %add3A_1823 : i32
      %add3A_1825 = arith.addi %mul3A_2, %add3A_1824 : i32
      %dma_wait3A_1826 = arith.constant 1 : i32
      %dma_wait3A_1827 = arith.constant 0 : i32
      %dma_wait3A_1828 = tpu.memref_slice %arg5[%dma_wait3A_1826, %dma_wait3A_1827] : memref<7x128xi32, #tpu.memory_space<vmem>> -> memref<1x128xi32, #tpu.memory_space<vmem>>
      %dma_wait3A_1829 = arith.constant 0 : i32
      %dma_wait3A_1830 = tpu.memref_slice %arg2[%add3A_1825, %dma_wait3A_1829] : memref<6400x128xi32, #tpu.memory_space<hbm>> -> memref<1x128xi32, #tpu.memory_space<hbm>>
      %dma_wait3A_1831 = arith.constant 1 : i32
      %dma_wait3A_1832 = arith.constant 0 : i32
      %dma_wait3A_1833 = tpu.memref_slice %arg5[%dma_wait3A_1831, %dma_wait3A_1832] : memref<7x128xi32, #tpu.memory_space<vmem>> -> memref<1x128xi32, #tpu.memory_space<vmem>>
      %dma_wait3A_1834 = arith.constant 0 : i32
      %dma_wait3A_1835 = tpu.memref_slice %arg2[%add3A_1825, %dma_wait3A_1834] : memref<6400x128xi32, #tpu.memory_space<hbm>> -> memref<1x128xi32, #tpu.memory_space<hbm>>
      tpu.wait_dma2 semaphore(%arg8 : memref<!tpu.dma_semaphore, #tpu.memory_space<semaphore_mem>>) src(%dma_wait3A_1835 : memref<1x128xi32, #tpu.memory_space<hbm>>) dst(%dma_wait3A_1833 : memref<1x128xi32, #tpu.memory_space<vmem>>)
      %add3A_1836 = arith.constant 5 : i32
      %add3A_1837 = arith.addi %add3A_1761, %add3A_1836 : i32
      %dma_start3A_1838 = arith.constant 1 : i32
      %dma_start3A_1839 = arith.constant 1 : i32
      %dma_start3A_1840 = arith.constant 0 : i32
      %dma_start3A_1841 = arith.constant 0 : i32
      %dma_start3A_1842 = tpu.memref_slice %arg6[%dma_start3A_1839, %dma_start3A_1840, %dma_start3A_1841] : memref<7x128x128xf32, #tpu.memory_space<vmem>> -> memref<1x128x128xf32, #tpu.memory_space<vmem>>
      %dma_start3A_1843 = tpu.memref_squeeze %dma_start3A_1842 : memref<1x128x128xf32, #tpu.memory_space<vmem>> -> memref<128x128xf32, #tpu.memory_space<vmem>>
      %dma_start3A_1844 = arith.constant 0 : i32
      %dma_start3A_1845 = tpu.memref_slice %arg5[%dma_start3A_1838, %dma_start3A_1844] : memref<7x128xi32, #tpu.memory_space<vmem>> -> memref<1x128xi32, #tpu.memory_space<vmem>>
      %dma_start3A_1846 = tpu.memref_squeeze %dma_start3A_1845 : memref<1x128xi32, #tpu.memory_space<vmem>> -> memref<128xi32, #tpu.memory_space<vmem>>
      %dma_start3A_1847 = arith.constant 0 : i32
      %dma_start3A_1848 = arith.constant 0 : i32
      %dma_start3A_1849 = tpu.memref_slice %arg3[%dma_start3A_1847, %dma_start3A_1848] : memref<100000x128xf32, #tpu.memory_space<hbm>> -> memref<100000x128xf32, #tpu.memory_space<hbm>>
      tpu.enqueue_indirect_dma source(%dma_start3A_1849 : memref<100000x128xf32, #tpu.memory_space<hbm>>) target(%dma_start3A_1843 : memref<128x128xf32, #tpu.memory_space<vmem>>) offsets(%dma_start3A_1846 : memref<128xi32, #tpu.memory_space<vmem>>) semaphore(%arg15 : memref<!tpu.dma_semaphore, #tpu.memory_space<semaphore_mem>>)
      %mul3A_1850 = arith.constant 7 : i32
      %mul3A_1851 = arith.muli %scan3A_1482, %mul3A_1850 : i32
      %add3A_1852 = arith.constant 4 : i32
      %add3A_1853 = arith.addi %mul3A_1851, %add3A_1852 : i32
      %dma_wait3A_1854 = arith.constant 4 : i32
      %dma_wait3A_1855 = arith.constant 4 : i32
      %dma_wait3A_1856 = arith.constant 0 : i32
      %dma_wait3A_1857 = arith.constant 0 : i32
      %dma_wait3A_1858 = tpu.memref_slice %arg6[%dma_wait3A_1855, %dma_wait3A_1856, %dma_wait3A_1857] : memref<7x128x128xf32, #tpu.memory_space<vmem>> -> memref<1x128x128xf32, #tpu.memory_space<vmem>>
      %dma_wait3A_1859 = tpu.memref_squeeze %dma_wait3A_1858 : memref<1x128x128xf32, #tpu.memory_space<vmem>> -> memref<128x128xf32, #tpu.memory_space<vmem>>
      %dma_wait3A_1860 = arith.constant 0 : i32
      %dma_wait3A_1861 = tpu.memref_slice %arg5[%dma_wait3A_1854, %dma_wait3A_1860] : memref<7x128xi32, #tpu.memory_space<vmem>> -> memref<1x128xi32, #tpu.memory_space<vmem>>
      %dma_wait3A_1862 = tpu.memref_squeeze %dma_wait3A_1861 : memref<1x128xi32, #tpu.memory_space<vmem>> -> memref<128xi32, #tpu.memory_space<vmem>>
      %dma_wait3A_1863 = arith.constant 0 : i32
      %dma_wait3A_1864 = arith.constant 0 : i32
      %dma_wait3A_1865 = tpu.memref_slice %arg3[%dma_wait3A_1863, %dma_wait3A_1864] : memref<100000x128xf32, #tpu.memory_space<hbm>> -> memref<100000x128xf32, #tpu.memory_space<hbm>>
      tpu.wait_indirect_dma semaphore(%arg18 : memref<!tpu.dma_semaphore, #tpu.memory_space<semaphore_mem>>) src(%dma_wait3A_1865 : memref<100000x128xf32, #tpu.memory_space<hbm>>) dst(%dma_wait3A_1859 : memref<128x128xf32, #tpu.memory_space<vmem>>)
      %add3A_1866 = arith.addi %mul3A_2, %add3A_1853 : i32
      %mul3A_1867 = arith.constant 128 : i32
      %mul3A_1868 = arith.muli %add3A_1866, %mul3A_1867 : i32
      %dma_start3A_1869 = arith.constant 4 : i32
      %dma_start3A_1870 = arith.constant 0 : i32
      %dma_start3A_1871 = arith.constant 0 : i32
      %dma_start3A_1872 = tpu.memref_slice %arg6[%dma_start3A_1869, %dma_start3A_1870, %dma_start3A_1871] : memref<7x128x128xf32, #tpu.memory_space<vmem>> -> memref<1x128x128xf32, #tpu.memory_space<vmem>>
      %dma_start3A_1873 = tpu.memref_squeeze %dma_start3A_1872 : memref<1x128x128xf32, #tpu.memory_space<vmem>> -> memref<128x128xf32, #tpu.memory_space<vmem>>
      %dma_start3A_1874 = arith.constant 0 : i32
      %dma_start3A_1875 = tpu.memref_slice %arg4[%mul3A_1868, %dma_start3A_1874] : memref<819200x128xf32, #tpu.memory_space<hbm>> -> memref<128x128xf32, #tpu.memory_space<hbm>>
      %dma_start3A_1876 = arith.constant 0 : i32
      %dma_start3A_1877 = tpu.memref_slice %arg4[%mul3A_1868, %dma_start3A_1876] : memref<819200x128xf32, #tpu.memory_space<hbm>> -> memref<128x128xf32, #tpu.memory_space<hbm>>
      %dma_start3A_1878 = arith.constant 0 : i32
      %dma_start3A_1879 = arith.constant 0 : i32
      %dma_start3A_1880 = tpu.memref_slice %arg6[%dma_start3A_1869, %dma_start3A_1878, %dma_start3A_1879] : memref<7x128x128xf32, #tpu.memory_space<vmem>> -> memref<1x128x128xf32, #tpu.memory_space<vmem>>
      %dma_start3A_1881 = tpu.memref_squeeze %dma_start3A_1880 : memref<1x128x128xf32, #tpu.memory_space<vmem>> -> memref<128x128xf32, #tpu.memory_space<vmem>>
      tpu.enqueue_dma source(%dma_start3A_1881 : memref<128x128xf32, #tpu.memory_space<vmem>>) target(%dma_start3A_1877 : memref<128x128xf32, #tpu.memory_space<hbm>>) target_semaphore(%arg25 : memref<!tpu.dma_semaphore, #tpu.memory_space<semaphore_mem>>)
      %add3A_1882 = arith.constant 7 : i32
      %add3A_1883 = arith.addi %add3A_1853, %add3A_1882 : i32
      %add3A_1884 = arith.addi %mul3A_2, %add3A_1883 : i32
      %dma_start3A_1885 = arith.constant 4 : i32
      %dma_start3A_1886 = arith.constant 0 : i32
      %dma_start3A_1887 = tpu.memref_slice %arg5[%dma_start3A_1885, %dma_start3A_1886] : memref<7x128xi32, #tpu.memory_space<vmem>> -> memref<1x128xi32, #tpu.memory_space<vmem>>
      %dma_start3A_1888 = arith.constant 0 : i32
      %dma_start3A_1889 = tpu.memref_slice %arg2[%add3A_1884, %dma_start3A_1888] : memref<6400x128xi32, #tpu.memory_space<hbm>> -> memref<1x128xi32, #tpu.memory_space<hbm>>
      %dma_start3A_1890 = arith.constant 4 : i32
      %dma_start3A_1891 = arith.constant 0 : i32
      %dma_start3A_1892 = tpu.memref_slice %arg5[%dma_start3A_1890, %dma_start3A_1891] : memref<7x128xi32, #tpu.memory_space<vmem>> -> memref<1x128xi32, #tpu.memory_space<vmem>>
      %dma_start3A_1893 = arith.constant 0 : i32
      %dma_start3A_1894 = tpu.memref_slice %arg2[%add3A_1884, %dma_start3A_1893] : memref<6400x128xi32, #tpu.memory_space<hbm>> -> memref<1x128xi32, #tpu.memory_space<hbm>>
      tpu.enqueue_dma source(%dma_start3A_1894 : memref<1x128xi32, #tpu.memory_space<hbm>>) target(%dma_start3A_1892 : memref<1x128xi32, #tpu.memory_space<vmem>>) target_semaphore(%arg11 : memref<!tpu.dma_semaphore, #tpu.memory_space<semaphore_mem>>)
      %add3A_1895 = arith.constant 5 : i32
      %add3A_1896 = arith.addi %add3A_1853, %add3A_1895 : i32
      %sub3A_1897 = arith.constant 7 : i32
      %sub3A_1898 = arith.subi %add3A_1896, %sub3A_1897 : i32
      %add3A_1899 = arith.addi %mul3A_2, %sub3A_1898 : i32
      %mul3A_1900 = arith.constant 128 : i32
      %mul3A_1901 = arith.muli %add3A_1899, %mul3A_1900 : i32
      %dma_wait3A_1902 = arith.constant 2 : i32
      %dma_wait3A_1903 = arith.constant 0 : i32
      %dma_wait3A_1904 = arith.constant 0 : i32
      %dma_wait3A_1905 = tpu.memref_slice %arg6[%dma_wait3A_1902, %dma_wait3A_1903, %dma_wait3A_1904] : memref<7x128x128xf32, #tpu.memory_space<vmem>> -> memref<1x128x128xf32, #tpu.memory_space<vmem>>
      %dma_wait3A_1906 = tpu.memref_squeeze %dma_wait3A_1905 : memref<1x128x128xf32, #tpu.memory_space<vmem>> -> memref<128x128xf32, #tpu.memory_space<vmem>>
      %dma_wait3A_1907 = arith.constant 0 : i32
      %dma_wait3A_1908 = tpu.memref_slice %arg4[%mul3A_1901, %dma_wait3A_1907] : memref<819200x128xf32, #tpu.memory_space<hbm>> -> memref<128x128xf32, #tpu.memory_space<hbm>>
      %dma_wait3A_1909 = arith.constant 0 : i32
      %dma_wait3A_1910 = tpu.memref_slice %arg4[%mul3A_1901, %dma_wait3A_1909] : memref<819200x128xf32, #tpu.memory_space<hbm>> -> memref<128x128xf32, #tpu.memory_space<hbm>>
      %dma_wait3A_1911 = arith.constant 0 : i32
      %dma_wait3A_1912 = arith.constant 0 : i32
      %dma_wait3A_1913 = tpu.memref_slice %arg6[%dma_wait3A_1902, %dma_wait3A_1911, %dma_wait3A_1912] : memref<7x128x128xf32, #tpu.memory_space<vmem>> -> memref<1x128x128xf32, #tpu.memory_space<vmem>>
      %dma_wait3A_1914 = tpu.memref_squeeze %dma_wait3A_1913 : memref<1x128x128xf32, #tpu.memory_space<vmem>> -> memref<128x128xf32, #tpu.memory_space<vmem>>
      tpu.wait_dma2 semaphore(%arg23 : memref<!tpu.dma_semaphore, #tpu.memory_space<semaphore_mem>>) src(%dma_wait3A_1914 : memref<128x128xf32, #tpu.memory_space<vmem>>) dst(%dma_wait3A_1910 : memref<128x128xf32, #tpu.memory_space<hbm>>)
      %add3A_1915 = arith.constant 5 : i32
      %add3A_1916 = arith.addi %add3A_1853, %add3A_1915 : i32
      %add3A_1917 = arith.addi %mul3A_2, %add3A_1916 : i32
      %dma_wait3A_1918 = arith.constant 2 : i32
      %dma_wait3A_1919 = arith.constant 0 : i32
      %dma_wait3A_1920 = tpu.memref_slice %arg5[%dma_wait3A_1918, %dma_wait3A_1919] : memref<7x128xi32, #tpu.memory_space<vmem>> -> memref<1x128xi32, #tpu.memory_space<vmem>>
      %dma_wait3A_1921 = arith.constant 0 : i32
      %dma_wait3A_1922 = tpu.memref_slice %arg2[%add3A_1917, %dma_wait3A_1921] : memref<6400x128xi32, #tpu.memory_space<hbm>> -> memref<1x128xi32, #tpu.memory_space<hbm>>
      %dma_wait3A_1923 = arith.constant 2 : i32
      %dma_wait3A_1924 = arith.constant 0 : i32
      %dma_wait3A_1925 = tpu.memref_slice %arg5[%dma_wait3A_1923, %dma_wait3A_1924] : memref<7x128xi32, #tpu.memory_space<vmem>> -> memref<1x128xi32, #tpu.memory_space<vmem>>
      %dma_wait3A_1926 = arith.constant 0 : i32
      %dma_wait3A_1927 = tpu.memref_slice %arg2[%add3A_1917, %dma_wait3A_1926] : memref<6400x128xi32, #tpu.memory_space<hbm>> -> memref<1x128xi32, #tpu.memory_space<hbm>>
      tpu.wait_dma2 semaphore(%arg9 : memref<!tpu.dma_semaphore, #tpu.memory_space<semaphore_mem>>) src(%dma_wait3A_1927 : memref<1x128xi32, #tpu.memory_space<hbm>>) dst(%dma_wait3A_1925 : memref<1x128xi32, #tpu.memory_space<vmem>>)
      %add3A_1928 = arith.constant 5 : i32
      %add3A_1929 = arith.addi %add3A_1853, %add3A_1928 : i32
      %dma_start3A_1930 = arith.constant 2 : i32
      %dma_start3A_1931 = arith.constant 2 : i32
      %dma_start3A_1932 = arith.constant 0 : i32
      %dma_start3A_1933 = arith.constant 0 : i32
      %dma_start3A_1934 = tpu.memref_slice %arg6[%dma_start3A_1931, %dma_start3A_1932, %dma_start3A_1933] : memref<7x128x128xf32, #tpu.memory_space<vmem>> -> memref<1x128x128xf32, #tpu.memory_space<vmem>>
      %dma_start3A_1935 = tpu.memref_squeeze %dma_start3A_1934 : memref<1x128x128xf32, #tpu.memory_space<vmem>> -> memref<128x128xf32, #tpu.memory_space<vmem>>
      %dma_start3A_1936 = arith.constant 0 : i32
      %dma_start3A_1937 = tpu.memref_slice %arg5[%dma_start3A_1930, %dma_start3A_1936] : memref<7x128xi32, #tpu.memory_space<vmem>> -> memref<1x128xi32, #tpu.memory_space<vmem>>
      %dma_start3A_1938 = tpu.memref_squeeze %dma_start3A_1937 : memref<1x128xi32, #tpu.memory_space<vmem>> -> memref<128xi32, #tpu.memory_space<vmem>>
      %dma_start3A_1939 = arith.constant 0 : i32
      %dma_start3A_1940 = arith.constant 0 : i32
      %dma_start3A_1941 = tpu.memref_slice %arg3[%dma_start3A_1939, %dma_start3A_1940] : memref<100000x128xf32, #tpu.memory_space<hbm>> -> memref<100000x128xf32, #tpu.memory_space<hbm>>
      tpu.enqueue_indirect_dma source(%dma_start3A_1941 : memref<100000x128xf32, #tpu.memory_space<hbm>>) target(%dma_start3A_1935 : memref<128x128xf32, #tpu.memory_space<vmem>>) offsets(%dma_start3A_1938 : memref<128xi32, #tpu.memory_space<vmem>>) semaphore(%arg16 : memref<!tpu.dma_semaphore, #tpu.memory_space<semaphore_mem>>)
      %mul3A_1942 = arith.constant 7 : i32
      %mul3A_1943 = arith.muli %scan3A_1482, %mul3A_1942 : i32
      %add3A_1944 = arith.constant 5 : i32
      %add3A_1945 = arith.addi %mul3A_1943, %add3A_1944 : i32
      %dma_wait3A_1946 = arith.constant 5 : i32
      %dma_wait3A_1947 = arith.constant 5 : i32
      %dma_wait3A_1948 = arith.constant 0 : i32
      %dma_wait3A_1949 = arith.constant 0 : i32
      %dma_wait3A_1950 = tpu.memref_slice %arg6[%dma_wait3A_1947, %dma_wait3A_1948, %dma_wait3A_1949] : memref<7x128x128xf32, #tpu.memory_space<vmem>> -> memref<1x128x128xf32, #tpu.memory_space<vmem>>
      %dma_wait3A_1951 = tpu.memref_squeeze %dma_wait3A_1950 : memref<1x128x128xf32, #tpu.memory_space<vmem>> -> memref<128x128xf32, #tpu.memory_space<vmem>>
      %dma_wait3A_1952 = arith.constant 0 : i32
      %dma_wait3A_1953 = tpu.memref_slice %arg5[%dma_wait3A_1946, %dma_wait3A_1952] : memref<7x128xi32, #tpu.memory_space<vmem>> -> memref<1x128xi32, #tpu.memory_space<vmem>>
      %dma_wait3A_1954 = tpu.memref_squeeze %dma_wait3A_1953 : memref<1x128xi32, #tpu.memory_space<vmem>> -> memref<128xi32, #tpu.memory_space<vmem>>
      %dma_wait3A_1955 = arith.constant 0 : i32
      %dma_wait3A_1956 = arith.constant 0 : i32
      %dma_wait3A_1957 = tpu.memref_slice %arg3[%dma_wait3A_1955, %dma_wait3A_1956] : memref<100000x128xf32, #tpu.memory_space<hbm>> -> memref<100000x128xf32, #tpu.memory_space<hbm>>
      tpu.wait_indirect_dma semaphore(%arg19 : memref<!tpu.dma_semaphore, #tpu.memory_space<semaphore_mem>>) src(%dma_wait3A_1957 : memref<100000x128xf32, #tpu.memory_space<hbm>>) dst(%dma_wait3A_1951 : memref<128x128xf32, #tpu.memory_space<vmem>>)
      %add3A_1958 = arith.addi %mul3A_2, %add3A_1945 : i32
      %mul3A_1959 = arith.constant 128 : i32
      %mul3A_1960 = arith.muli %add3A_1958, %mul3A_1959 : i32
      %dma_start3A_1961 = arith.constant 5 : i32
      %dma_start3A_1962 = arith.constant 0 : i32
      %dma_start3A_1963 = arith.constant 0 : i32
      %dma_start3A_1964 = tpu.memref_slice %arg6[%dma_start3A_1961, %dma_start3A_1962, %dma_start3A_1963] : memref<7x128x128xf32, #tpu.memory_space<vmem>> -> memref<1x128x128xf32, #tpu.memory_space<vmem>>
      %dma_start3A_1965 = tpu.memref_squeeze %dma_start3A_1964 : memref<1x128x128xf32, #tpu.memory_space<vmem>> -> memref<128x128xf32, #tpu.memory_space<vmem>>
      %dma_start3A_1966 = arith.constant 0 : i32
      %dma_start3A_1967 = tpu.memref_slice %arg4[%mul3A_1960, %dma_start3A_1966] : memref<819200x128xf32, #tpu.memory_space<hbm>> -> memref<128x128xf32, #tpu.memory_space<hbm>>
      %dma_start3A_1968 = arith.constant 0 : i32
      %dma_start3A_1969 = tpu.memref_slice %arg4[%mul3A_1960, %dma_start3A_1968] : memref<819200x128xf32, #tpu.memory_space<hbm>> -> memref<128x128xf32, #tpu.memory_space<hbm>>
      %dma_start3A_1970 = arith.constant 0 : i32
      %dma_start3A_1971 = arith.constant 0 : i32
      %dma_start3A_1972 = tpu.memref_slice %arg6[%dma_start3A_1961, %dma_start3A_1970, %dma_start3A_1971] : memref<7x128x128xf32, #tpu.memory_space<vmem>> -> memref<1x128x128xf32, #tpu.memory_space<vmem>>
      %dma_start3A_1973 = tpu.memref_squeeze %dma_start3A_1972 : memref<1x128x128xf32, #tpu.memory_space<vmem>> -> memref<128x128xf32, #tpu.memory_space<vmem>>
      tpu.enqueue_dma source(%dma_start3A_1973 : memref<128x128xf32, #tpu.memory_space<vmem>>) target(%dma_start3A_1969 : memref<128x128xf32, #tpu.memory_space<hbm>>) target_semaphore(%arg26 : memref<!tpu.dma_semaphore, #tpu.memory_space<semaphore_mem>>)
      %add3A_1974 = arith.constant 7 : i32
      %add3A_1975 = arith.addi %add3A_1945, %add3A_1974 : i32
      %add3A_1976 = arith.addi %mul3A_2, %add3A_1975 : i32
      %dma_start3A_1977 = arith.constant 5 : i32
      %dma_start3A_1978 = arith.constant 0 : i32
      %dma_start3A_1979 = tpu.memref_slice %arg5[%dma_start3A_1977, %dma_start3A_1978] : memref<7x128xi32, #tpu.memory_space<vmem>> -> memref<1x128xi32, #tpu.memory_space<vmem>>
      %dma_start3A_1980 = arith.constant 0 : i32
      %dma_start3A_1981 = tpu.memref_slice %arg2[%add3A_1976, %dma_start3A_1980] : memref<6400x128xi32, #tpu.memory_space<hbm>> -> memref<1x128xi32, #tpu.memory_space<hbm>>
      %dma_start3A_1982 = arith.constant 5 : i32
      %dma_start3A_1983 = arith.constant 0 : i32
      %dma_start3A_1984 = tpu.memref_slice %arg5[%dma_start3A_1982, %dma_start3A_1983] : memref<7x128xi32, #tpu.memory_space<vmem>> -> memref<1x128xi32, #tpu.memory_space<vmem>>
      %dma_start3A_1985 = arith.constant 0 : i32
      %dma_start3A_1986 = tpu.memref_slice %arg2[%add3A_1976, %dma_start3A_1985] : memref<6400x128xi32, #tpu.memory_space<hbm>> -> memref<1x128xi32, #tpu.memory_space<hbm>>
      tpu.enqueue_dma source(%dma_start3A_1986 : memref<1x128xi32, #tpu.memory_space<hbm>>) target(%dma_start3A_1984 : memref<1x128xi32, #tpu.memory_space<vmem>>) target_semaphore(%arg12 : memref<!tpu.dma_semaphore, #tpu.memory_space<semaphore_mem>>)
      %add3A_1987 = arith.constant 5 : i32
      %add3A_1988 = arith.addi %add3A_1945, %add3A_1987 : i32
      %sub3A_1989 = arith.constant 7 : i32
      %sub3A_1990 = arith.subi %add3A_1988, %sub3A_1989 : i32
      %add3A_1991 = arith.addi %mul3A_2, %sub3A_1990 : i32
      %mul3A_1992 = arith.constant 128 : i32
      %mul3A_1993 = arith.muli %add3A_1991, %mul3A_1992 : i32
      %dma_wait3A_1994 = arith.constant 3 : i32
      %dma_wait3A_1995 = arith.constant 0 : i32
      %dma_wait3A_1996 = arith.constant 0 : i32
      %dma_wait3A_1997 = tpu.memref_slice %arg6[%dma_wait3A_1994, %dma_wait3A_1995, %dma_wait3A_1996] : memref<7x128x128xf32, #tpu.memory_space<vmem>> -> memref<1x128x128xf32, #tpu.memory_space<vmem>>
      %dma_wait3A_1998 = tpu.memref_squeeze %dma_wait3A_1997 : memref<1x128x128xf32, #tpu.memory_space<vmem>> -> memref<128x128xf32, #tpu.memory_space<vmem>>
      %dma_wait3A_1999 = arith.constant 0 : i32
      %dma_wait3A_2000 = tpu.memref_slice %arg4[%mul3A_1993, %dma_wait3A_1999] : memref<819200x128xf32, #tpu.memory_space<hbm>> -> memref<128x128xf32, #tpu.memory_space<hbm>>
      %dma_wait3A_2001 = arith.constant 0 : i32
      %dma_wait3A_2002 = tpu.memref_slice %arg4[%mul3A_1993, %dma_wait3A_2001] : memref<819200x128xf32, #tpu.memory_space<hbm>> -> memref<128x128xf32, #tpu.memory_space<hbm>>
      %dma_wait3A_2003 = arith.constant 0 : i32
      %dma_wait3A_2004 = arith.constant 0 : i32
      %dma_wait3A_2005 = tpu.memref_slice %arg6[%dma_wait3A_1994, %dma_wait3A_2003, %dma_wait3A_2004] : memref<7x128x128xf32, #tpu.memory_space<vmem>> -> memref<1x128x128xf32, #tpu.memory_space<vmem>>
      %dma_wait3A_2006 = tpu.memref_squeeze %dma_wait3A_2005 : memref<1x128x128xf32, #tpu.memory_space<vmem>> -> memref<128x128xf32, #tpu.memory_space<vmem>>
      tpu.wait_dma2 semaphore(%arg24 : memref<!tpu.dma_semaphore, #tpu.memory_space<semaphore_mem>>) src(%dma_wait3A_2006 : memref<128x128xf32, #tpu.memory_space<vmem>>) dst(%dma_wait3A_2002 : memref<128x128xf32, #tpu.memory_space<hbm>>)
      %add3A_2007 = arith.constant 5 : i32
      %add3A_2008 = arith.addi %add3A_1945, %add3A_2007 : i32
      %add3A_2009 = arith.addi %mul3A_2, %add3A_2008 : i32
      %dma_wait3A_2010 = arith.constant 3 : i32
      %dma_wait3A_2011 = arith.constant 0 : i32
      %dma_wait3A_2012 = tpu.memref_slice %arg5[%dma_wait3A_2010, %dma_wait3A_2011] : memref<7x128xi32, #tpu.memory_space<vmem>> -> memref<1x128xi32, #tpu.memory_space<vmem>>
      %dma_wait3A_2013 = arith.constant 0 : i32
      %dma_wait3A_2014 = tpu.memref_slice %arg2[%add3A_2009, %dma_wait3A_2013] : memref<6400x128xi32, #tpu.memory_space<hbm>> -> memref<1x128xi32, #tpu.memory_space<hbm>>
      %dma_wait3A_2015 = arith.constant 3 : i32
      %dma_wait3A_2016 = arith.constant 0 : i32
      %dma_wait3A_2017 = tpu.memref_slice %arg5[%dma_wait3A_2015, %dma_wait3A_2016] : memref<7x128xi32, #tpu.memory_space<vmem>> -> memref<1x128xi32, #tpu.memory_space<vmem>>
      %dma_wait3A_2018 = arith.constant 0 : i32
      %dma_wait3A_2019 = tpu.memref_slice %arg2[%add3A_2009, %dma_wait3A_2018] : memref<6400x128xi32, #tpu.memory_space<hbm>> -> memref<1x128xi32, #tpu.memory_space<hbm>>
      tpu.wait_dma2 semaphore(%arg10 : memref<!tpu.dma_semaphore, #tpu.memory_space<semaphore_mem>>) src(%dma_wait3A_2019 : memref<1x128xi32, #tpu.memory_space<hbm>>) dst(%dma_wait3A_2017 : memref<1x128xi32, #tpu.memory_space<vmem>>)
      %add3A_2020 = arith.constant 5 : i32
      %add3A_2021 = arith.addi %add3A_1945, %add3A_2020 : i32
      %dma_start3A_2022 = arith.constant 3 : i32
      %dma_start3A_2023 = arith.constant 3 : i32
      %dma_start3A_2024 = arith.constant 0 : i32
      %dma_start3A_2025 = arith.constant 0 : i32
      %dma_start3A_2026 = tpu.memref_slice %arg6[%dma_start3A_2023, %dma_start3A_2024, %dma_start3A_2025] : memref<7x128x128xf32, #tpu.memory_space<vmem>> -> memref<1x128x128xf32, #tpu.memory_space<vmem>>
      %dma_start3A_2027 = tpu.memref_squeeze %dma_start3A_2026 : memref<1x128x128xf32, #tpu.memory_space<vmem>> -> memref<128x128xf32, #tpu.memory_space<vmem>>
      %dma_start3A_2028 = arith.constant 0 : i32
      %dma_start3A_2029 = tpu.memref_slice %arg5[%dma_start3A_2022, %dma_start3A_2028] : memref<7x128xi32, #tpu.memory_space<vmem>> -> memref<1x128xi32, #tpu.memory_space<vmem>>
      %dma_start3A_2030 = tpu.memref_squeeze %dma_start3A_2029 : memref<1x128xi32, #tpu.memory_space<vmem>> -> memref<128xi32, #tpu.memory_space<vmem>>
      %dma_start3A_2031 = arith.constant 0 : i32
      %dma_start3A_2032 = arith.constant 0 : i32
      %dma_start3A_2033 = tpu.memref_slice %arg3[%dma_start3A_2031, %dma_start3A_2032] : memref<100000x128xf32, #tpu.memory_space<hbm>> -> memref<100000x128xf32, #tpu.memory_space<hbm>>
      tpu.enqueue_indirect_dma source(%dma_start3A_2033 : memref<100000x128xf32, #tpu.memory_space<hbm>>) target(%dma_start3A_2027 : memref<128x128xf32, #tpu.memory_space<vmem>>) offsets(%dma_start3A_2030 : memref<128xi32, #tpu.memory_space<vmem>>) semaphore(%arg17 : memref<!tpu.dma_semaphore, #tpu.memory_space<semaphore_mem>>)
      %mul3A_2034 = arith.constant 7 : i32
      %mul3A_2035 = arith.muli %scan3A_1482, %mul3A_2034 : i32
      %add3A_2036 = arith.constant 6 : i32
      %add3A_2037 = arith.addi %mul3A_2035, %add3A_2036 : i32
      %dma_wait3A_2038 = arith.constant 6 : i32
      %dma_wait3A_2039 = arith.constant 6 : i32
      %dma_wait3A_2040 = arith.constant 0 : i32
      %dma_wait3A_2041 = arith.constant 0 : i32
      %dma_wait3A_2042 = tpu.memref_slice %arg6[%dma_wait3A_2039, %dma_wait3A_2040, %dma_wait3A_2041] : memref<7x128x128xf32, #tpu.memory_space<vmem>> -> memref<1x128x128xf32, #tpu.memory_space<vmem>>
      %dma_wait3A_2043 = tpu.memref_squeeze %dma_wait3A_2042 : memref<1x128x128xf32, #tpu.memory_space<vmem>> -> memref<128x128xf32, #tpu.memory_space<vmem>>
      %dma_wait3A_2044 = arith.constant 0 : i32
      %dma_wait3A_2045 = tpu.memref_slice %arg5[%dma_wait3A_2038, %dma_wait3A_2044] : memref<7x128xi32, #tpu.memory_space<vmem>> -> memref<1x128xi32, #tpu.memory_space<vmem>>
      %dma_wait3A_2046 = tpu.memref_squeeze %dma_wait3A_2045 : memref<1x128xi32, #tpu.memory_space<vmem>> -> memref<128xi32, #tpu.memory_space<vmem>>
      %dma_wait3A_2047 = arith.constant 0 : i32
      %dma_wait3A_2048 = arith.constant 0 : i32
      %dma_wait3A_2049 = tpu.memref_slice %arg3[%dma_wait3A_2047, %dma_wait3A_2048] : memref<100000x128xf32, #tpu.memory_space<hbm>> -> memref<100000x128xf32, #tpu.memory_space<hbm>>
      tpu.wait_indirect_dma semaphore(%arg20 : memref<!tpu.dma_semaphore, #tpu.memory_space<semaphore_mem>>) src(%dma_wait3A_2049 : memref<100000x128xf32, #tpu.memory_space<hbm>>) dst(%dma_wait3A_2043 : memref<128x128xf32, #tpu.memory_space<vmem>>)
      %add3A_2050 = arith.addi %mul3A_2, %add3A_2037 : i32
      %mul3A_2051 = arith.constant 128 : i32
      %mul3A_2052 = arith.muli %add3A_2050, %mul3A_2051 : i32
      %dma_start3A_2053 = arith.constant 6 : i32
      %dma_start3A_2054 = arith.constant 0 : i32
      %dma_start3A_2055 = arith.constant 0 : i32
      %dma_start3A_2056 = tpu.memref_slice %arg6[%dma_start3A_2053, %dma_start3A_2054, %dma_start3A_2055] : memref<7x128x128xf32, #tpu.memory_space<vmem>> -> memref<1x128x128xf32, #tpu.memory_space<vmem>>
      %dma_start3A_2057 = tpu.memref_squeeze %dma_start3A_2056 : memref<1x128x128xf32, #tpu.memory_space<vmem>> -> memref<128x128xf32, #tpu.memory_space<vmem>>
      %dma_start3A_2058 = arith.constant 0 : i32
      %dma_start3A_2059 = tpu.memref_slice %arg4[%mul3A_2052, %dma_start3A_2058] : memref<819200x128xf32, #tpu.memory_space<hbm>> -> memref<128x128xf32, #tpu.memory_space<hbm>>
      %dma_start3A_2060 = arith.constant 0 : i32
      %dma_start3A_2061 = tpu.memref_slice %arg4[%mul3A_2052, %dma_start3A_2060] : memref<819200x128xf32, #tpu.memory_space<hbm>> -> memref<128x128xf32, #tpu.memory_space<hbm>>
      %dma_start3A_2062 = arith.constant 0 : i32
      %dma_start3A_2063 = arith.constant 0 : i32
      %dma_start3A_2064 = tpu.memref_slice %arg6[%dma_start3A_2053, %dma_start3A_2062, %dma_start3A_2063] : memref<7x128x128xf32, #tpu.memory_space<vmem>> -> memref<1x128x128xf32, #tpu.memory_space<vmem>>
      %dma_start3A_2065 = tpu.memref_squeeze %dma_start3A_2064 : memref<1x128x128xf32, #tpu.memory_space<vmem>> -> memref<128x128xf32, #tpu.memory_space<vmem>>
      tpu.enqueue_dma source(%dma_start3A_2065 : memref<128x128xf32, #tpu.memory_space<vmem>>) target(%dma_start3A_2061 : memref<128x128xf32, #tpu.memory_space<hbm>>) target_semaphore(%arg27 : memref<!tpu.dma_semaphore, #tpu.memory_space<semaphore_mem>>)
      %add3A_2066 = arith.constant 7 : i32
      %add3A_2067 = arith.addi %add3A_2037, %add3A_2066 : i32
      %add3A_2068 = arith.addi %mul3A_2, %add3A_2067 : i32
      %dma_start3A_2069 = arith.constant 6 : i32
      %dma_start3A_2070 = arith.constant 0 : i32
      %dma_start3A_2071 = tpu.memref_slice %arg5[%dma_start3A_2069, %dma_start3A_2070] : memref<7x128xi32, #tpu.memory_space<vmem>> -> memref<1x128xi32, #tpu.memory_space<vmem>>
      %dma_start3A_2072 = arith.constant 0 : i32
      %dma_start3A_2073 = tpu.memref_slice %arg2[%add3A_2068, %dma_start3A_2072] : memref<6400x128xi32, #tpu.memory_space<hbm>> -> memref<1x128xi32, #tpu.memory_space<hbm>>
      %dma_start3A_2074 = arith.constant 6 : i32
      %dma_start3A_2075 = arith.constant 0 : i32
      %dma_start3A_2076 = tpu.memref_slice %arg5[%dma_start3A_2074, %dma_start3A_2075] : memref<7x128xi32, #tpu.memory_space<vmem>> -> memref<1x128xi32, #tpu.memory_space<vmem>>
      %dma_start3A_2077 = arith.constant 0 : i32
      %dma_start3A_2078 = tpu.memref_slice %arg2[%add3A_2068, %dma_start3A_2077] : memref<6400x128xi32, #tpu.memory_space<hbm>> -> memref<1x128xi32, #tpu.memory_space<hbm>>
      tpu.enqueue_dma source(%dma_start3A_2078 : memref<1x128xi32, #tpu.memory_space<hbm>>) target(%dma_start3A_2076 : memref<1x128xi32, #tpu.memory_space<vmem>>) target_semaphore(%arg13 : memref<!tpu.dma_semaphore, #tpu.memory_space<semaphore_mem>>)
      %add3A_2079 = arith.constant 5 : i32
      %add3A_2080 = arith.addi %add3A_2037, %add3A_2079 : i32
      %sub3A_2081 = arith.constant 7 : i32
      %sub3A_2082 = arith.subi %add3A_2080, %sub3A_2081 : i32
      %add3A_2083 = arith.addi %mul3A_2, %sub3A_2082 : i32
      %mul3A_2084 = arith.constant 128 : i32
      %mul3A_2085 = arith.muli %add3A_2083, %mul3A_2084 : i32
      %dma_wait3A_2086 = arith.constant 4 : i32
      %dma_wait3A_2087 = arith.constant 0 : i32
      %dma_wait3A_2088 = arith.constant 0 : i32
      %dma_wait3A_2089 = tpu.memref_slice %arg6[%dma_wait3A_2086, %dma_wait3A_2087, %dma_wait3A_2088] : memref<7x128x128xf32, #tpu.memory_space<vmem>> -> memref<1x128x128xf32, #tpu.memory_space<vmem>>
      %dma_wait3A_2090 = tpu.memref_squeeze %dma_wait3A_2089 : memref<1x128x128xf32, #tpu.memory_space<vmem>> -> memref<128x128xf32, #tpu.memory_space<vmem>>
      %dma_wait3A_2091 = arith.constant 0 : i32
      %dma_wait3A_2092 = tpu.memref_slice %arg4[%mul3A_2085, %dma_wait3A_2091] : memref<819200x128xf32, #tpu.memory_space<hbm>> -> memref<128x128xf32, #tpu.memory_space<hbm>>
      %dma_wait3A_2093 = arith.constant 0 : i32
      %dma_wait3A_2094 = tpu.memref_slice %arg4[%mul3A_2085, %dma_wait3A_2093] : memref<819200x128xf32, #tpu.memory_space<hbm>> -> memref<128x128xf32, #tpu.memory_space<hbm>>
      %dma_wait3A_2095 = arith.constant 0 : i32
      %dma_wait3A_2096 = arith.constant 0 : i32
      %dma_wait3A_2097 = tpu.memref_slice %arg6[%dma_wait3A_2086, %dma_wait3A_2095, %dma_wait3A_2096] : memref<7x128x128xf32, #tpu.memory_space<vmem>> -> memref<1x128x128xf32, #tpu.memory_space<vmem>>
      %dma_wait3A_2098 = tpu.memref_squeeze %dma_wait3A_2097 : memref<1x128x128xf32, #tpu.memory_space<vmem>> -> memref<128x128xf32, #tpu.memory_space<vmem>>
      tpu.wait_dma2 semaphore(%arg25 : memref<!tpu.dma_semaphore, #tpu.memory_space<semaphore_mem>>) src(%dma_wait3A_2098 : memref<128x128xf32, #tpu.memory_space<vmem>>) dst(%dma_wait3A_2094 : memref<128x128xf32, #tpu.memory_space<hbm>>)
      %add3A_2099 = arith.constant 5 : i32
      %add3A_2100 = arith.addi %add3A_2037, %add3A_2099 : i32
      %add3A_2101 = arith.addi %mul3A_2, %add3A_2100 : i32
      %dma_wait3A_2102 = arith.constant 4 : i32
      %dma_wait3A_2103 = arith.constant 0 : i32
      %dma_wait3A_2104 = tpu.memref_slice %arg5[%dma_wait3A_2102, %dma_wait3A_2103] : memref<7x128xi32, #tpu.memory_space<vmem>> -> memref<1x128xi32, #tpu.memory_space<vmem>>
      %dma_wait3A_2105 = arith.constant 0 : i32
      %dma_wait3A_2106 = tpu.memref_slice %arg2[%add3A_2101, %dma_wait3A_2105] : memref<6400x128xi32, #tpu.memory_space<hbm>> -> memref<1x128xi32, #tpu.memory_space<hbm>>
      %dma_wait3A_2107 = arith.constant 4 : i32
      %dma_wait3A_2108 = arith.constant 0 : i32
      %dma_wait3A_2109 = tpu.memref_slice %arg5[%dma_wait3A_2107, %dma_wait3A_2108] : memref<7x128xi32, #tpu.memory_space<vmem>> -> memref<1x128xi32, #tpu.memory_space<vmem>>
      %dma_wait3A_2110 = arith.constant 0 : i32
      %dma_wait3A_2111 = tpu.memref_slice %arg2[%add3A_2101, %dma_wait3A_2110] : memref<6400x128xi32, #tpu.memory_space<hbm>> -> memref<1x128xi32, #tpu.memory_space<hbm>>
      tpu.wait_dma2 semaphore(%arg11 : memref<!tpu.dma_semaphore, #tpu.memory_space<semaphore_mem>>) src(%dma_wait3A_2111 : memref<1x128xi32, #tpu.memory_space<hbm>>) dst(%dma_wait3A_2109 : memref<1x128xi32, #tpu.memory_space<vmem>>)
      %add3A_2112 = arith.constant 5 : i32
      %add3A_2113 = arith.addi %add3A_2037, %add3A_2112 : i32
      %dma_start3A_2114 = arith.constant 4 : i32
      %dma_start3A_2115 = arith.constant 4 : i32
      %dma_start3A_2116 = arith.constant 0 : i32
      %dma_start3A_2117 = arith.constant 0 : i32
      %dma_start3A_2118 = tpu.memref_slice %arg6[%dma_start3A_2115, %dma_start3A_2116, %dma_start3A_2117] : memref<7x128x128xf32, #tpu.memory_space<vmem>> -> memref<1x128x128xf32, #tpu.memory_space<vmem>>
      %dma_start3A_2119 = tpu.memref_squeeze %dma_start3A_2118 : memref<1x128x128xf32, #tpu.memory_space<vmem>> -> memref<128x128xf32, #tpu.memory_space<vmem>>
      %dma_start3A_2120 = arith.constant 0 : i32
      %dma_start3A_2121 = tpu.memref_slice %arg5[%dma_start3A_2114, %dma_start3A_2120] : memref<7x128xi32, #tpu.memory_space<vmem>> -> memref<1x128xi32, #tpu.memory_space<vmem>>
      %dma_start3A_2122 = tpu.memref_squeeze %dma_start3A_2121 : memref<1x128xi32, #tpu.memory_space<vmem>> -> memref<128xi32, #tpu.memory_space<vmem>>
      %dma_start3A_2123 = arith.constant 0 : i32
      %dma_start3A_2124 = arith.constant 0 : i32
      %dma_start3A_2125 = tpu.memref_slice %arg3[%dma_start3A_2123, %dma_start3A_2124] : memref<100000x128xf32, #tpu.memory_space<hbm>> -> memref<100000x128xf32, #tpu.memory_space<hbm>>
      tpu.enqueue_indirect_dma source(%dma_start3A_2125 : memref<100000x128xf32, #tpu.memory_space<hbm>>) target(%dma_start3A_2119 : memref<128x128xf32, #tpu.memory_space<vmem>>) offsets(%dma_start3A_2122 : memref<128xi32, #tpu.memory_space<vmem>>) semaphore(%arg18 : memref<!tpu.dma_semaphore, #tpu.memory_space<semaphore_mem>>)
    }
    %scan3A_749 = arith.constant 26 : i32
    %dma_wait3A_750 = arith.constant 0 : i32
    %dma_wait3A_751 = arith.constant 0 : i32
    %dma_wait3A_752 = arith.constant 0 : i32
    %dma_wait3A_753 = arith.constant 0 : i32
    %dma_wait3A_754 = tpu.memref_slice %arg6[%dma_wait3A_751, %dma_wait3A_752, %dma_wait3A_753] : memref<7x128x128xf32, #tpu.memory_space<vmem>> -> memref<1x128x128xf32, #tpu.memory_space<vmem>>
    %dma_wait3A_755 = tpu.memref_squeeze %dma_wait3A_754 : memref<1x128x128xf32, #tpu.memory_space<vmem>> -> memref<128x128xf32, #tpu.memory_space<vmem>>
    %dma_wait3A_756 = arith.constant 0 : i32
    %dma_wait3A_757 = tpu.memref_slice %arg5[%dma_wait3A_750, %dma_wait3A_756] : memref<7x128xi32, #tpu.memory_space<vmem>> -> memref<1x128xi32, #tpu.memory_space<vmem>>
    %dma_wait3A_758 = tpu.memref_squeeze %dma_wait3A_757 : memref<1x128xi32, #tpu.memory_space<vmem>> -> memref<128xi32, #tpu.memory_space<vmem>>
    %dma_wait3A_759 = arith.constant 0 : i32
    %dma_wait3A_760 = arith.constant 0 : i32
    %dma_wait3A_761 = tpu.memref_slice %arg3[%dma_wait3A_759, %dma_wait3A_760] : memref<100000x128xf32, #tpu.memory_space<hbm>> -> memref<100000x128xf32, #tpu.memory_space<hbm>>
    tpu.wait_indirect_dma semaphore(%arg14 : memref<!tpu.dma_semaphore, #tpu.memory_space<semaphore_mem>>) src(%dma_wait3A_761 : memref<100000x128xf32, #tpu.memory_space<hbm>>) dst(%dma_wait3A_755 : memref<128x128xf32, #tpu.memory_space<vmem>>)
    %add3A_762 = arith.constant 189 : i32
    %add3A_763 = arith.addi %mul3A_2, %add3A_762 : i32
    %mul3A_764 = arith.constant 128 : i32
    %mul3A_765 = arith.muli %add3A_763, %mul3A_764 : i32
    %dma_start3A_766 = arith.constant 0 : i32
    %dma_start3A_767 = arith.constant 0 : i32
    %dma_start3A_768 = arith.constant 0 : i32
    %dma_start3A_769 = tpu.memref_slice %arg6[%dma_start3A_766, %dma_start3A_767, %dma_start3A_768] : memref<7x128x128xf32, #tpu.memory_space<vmem>> -> memref<1x128x128xf32, #tpu.memory_space<vmem>>
    %dma_start3A_770 = tpu.memref_squeeze %dma_start3A_769 : memref<1x128x128xf32, #tpu.memory_space<vmem>> -> memref<128x128xf32, #tpu.memory_space<vmem>>
    %dma_start3A_771 = arith.constant 0 : i32
    %dma_start3A_772 = tpu.memref_slice %arg4[%mul3A_765, %dma_start3A_771] : memref<819200x128xf32, #tpu.memory_space<hbm>> -> memref<128x128xf32, #tpu.memory_space<hbm>>
    %dma_start3A_773 = arith.constant 0 : i32
    %dma_start3A_774 = tpu.memref_slice %arg4[%mul3A_765, %dma_start3A_773] : memref<819200x128xf32, #tpu.memory_space<hbm>> -> memref<128x128xf32, #tpu.memory_space<hbm>>
    %dma_start3A_775 = arith.constant 0 : i32
    %dma_start3A_776 = arith.constant 0 : i32
    %dma_start3A_777 = tpu.memref_slice %arg6[%dma_start3A_766, %dma_start3A_775, %dma_start3A_776] : memref<7x128x128xf32, #tpu.memory_space<vmem>> -> memref<1x128x128xf32, #tpu.memory_space<vmem>>
    %dma_start3A_778 = tpu.memref_squeeze %dma_start3A_777 : memref<1x128x128xf32, #tpu.memory_space<vmem>> -> memref<128x128xf32, #tpu.memory_space<vmem>>
    tpu.enqueue_dma source(%dma_start3A_778 : memref<128x128xf32, #tpu.memory_space<vmem>>) target(%dma_start3A_774 : memref<128x128xf32, #tpu.memory_space<hbm>>) target_semaphore(%arg21 : memref<!tpu.dma_semaphore, #tpu.memory_space<semaphore_mem>>)
    %add3A_779 = arith.constant 196 : i32
    %add3A_780 = arith.addi %mul3A_2, %add3A_779 : i32
    %dma_start3A_781 = arith.constant 0 : i32
    %dma_start3A_782 = arith.constant 0 : i32
    %dma_start3A_783 = tpu.memref_slice %arg5[%dma_start3A_781, %dma_start3A_782] : memref<7x128xi32, #tpu.memory_space<vmem>> -> memref<1x128xi32, #tpu.memory_space<vmem>>
    %dma_start3A_784 = arith.constant 0 : i32
    %dma_start3A_785 = tpu.memref_slice %arg2[%add3A_780, %dma_start3A_784] : memref<6400x128xi32, #tpu.memory_space<hbm>> -> memref<1x128xi32, #tpu.memory_space<hbm>>
    %dma_start3A_786 = arith.constant 0 : i32
    %dma_start3A_787 = arith.constant 0 : i32
    %dma_start3A_788 = tpu.memref_slice %arg5[%dma_start3A_786, %dma_start3A_787] : memref<7x128xi32, #tpu.memory_space<vmem>> -> memref<1x128xi32, #tpu.memory_space<vmem>>
    %dma_start3A_789 = arith.constant 0 : i32
    %dma_start3A_790 = tpu.memref_slice %arg2[%add3A_780, %dma_start3A_789] : memref<6400x128xi32, #tpu.memory_space<hbm>> -> memref<1x128xi32, #tpu.memory_space<hbm>>
    tpu.enqueue_dma source(%dma_start3A_790 : memref<1x128xi32, #tpu.memory_space<hbm>>) target(%dma_start3A_788 : memref<1x128xi32, #tpu.memory_space<vmem>>) target_semaphore(%arg7 : memref<!tpu.dma_semaphore, #tpu.memory_space<semaphore_mem>>)
    %add3A_791 = arith.constant 187 : i32
    %add3A_792 = arith.addi %mul3A_2, %add3A_791 : i32
    %mul3A_793 = arith.constant 128 : i32
    %mul3A_794 = arith.muli %add3A_792, %mul3A_793 : i32
    %dma_wait3A_795 = arith.constant 5 : i32
    %dma_wait3A_796 = arith.constant 0 : i32
    %dma_wait3A_797 = arith.constant 0 : i32
    %dma_wait3A_798 = tpu.memref_slice %arg6[%dma_wait3A_795, %dma_wait3A_796, %dma_wait3A_797] : memref<7x128x128xf32, #tpu.memory_space<vmem>> -> memref<1x128x128xf32, #tpu.memory_space<vmem>>
    %dma_wait3A_799 = tpu.memref_squeeze %dma_wait3A_798 : memref<1x128x128xf32, #tpu.memory_space<vmem>> -> memref<128x128xf32, #tpu.memory_space<vmem>>
    %dma_wait3A_800 = arith.constant 0 : i32
    %dma_wait3A_801 = tpu.memref_slice %arg4[%mul3A_794, %dma_wait3A_800] : memref<819200x128xf32, #tpu.memory_space<hbm>> -> memref<128x128xf32, #tpu.memory_space<hbm>>
    %dma_wait3A_802 = arith.constant 0 : i32
    %dma_wait3A_803 = tpu.memref_slice %arg4[%mul3A_794, %dma_wait3A_802] : memref<819200x128xf32, #tpu.memory_space<hbm>> -> memref<128x128xf32, #tpu.memory_space<hbm>>
    %dma_wait3A_804 = arith.constant 0 : i32
    %dma_wait3A_805 = arith.constant 0 : i32
    %dma_wait3A_806 = tpu.memref_slice %arg6[%dma_wait3A_795, %dma_wait3A_804, %dma_wait3A_805] : memref<7x128x128xf32, #tpu.memory_space<vmem>> -> memref<1x128x128xf32, #tpu.memory_space<vmem>>
    %dma_wait3A_807 = tpu.memref_squeeze %dma_wait3A_806 : memref<1x128x128xf32, #tpu.memory_space<vmem>> -> memref<128x128xf32, #tpu.memory_space<vmem>>
    tpu.wait_dma2 semaphore(%arg26 : memref<!tpu.dma_semaphore, #tpu.memory_space<semaphore_mem>>) src(%dma_wait3A_807 : memref<128x128xf32, #tpu.memory_space<vmem>>) dst(%dma_wait3A_803 : memref<128x128xf32, #tpu.memory_space<hbm>>)
    %add3A_808 = arith.constant 194 : i32
    %add3A_809 = arith.addi %mul3A_2, %add3A_808 : i32
    %dma_wait3A_810 = arith.constant 5 : i32
    %dma_wait3A_811 = arith.constant 0 : i32
    %dma_wait3A_812 = tpu.memref_slice %arg5[%dma_wait3A_810, %dma_wait3A_811] : memref<7x128xi32, #tpu.memory_space<vmem>> -> memref<1x128xi32, #tpu.memory_space<vmem>>
    %dma_wait3A_813 = arith.constant 0 : i32
    %dma_wait3A_814 = tpu.memref_slice %arg2[%add3A_809, %dma_wait3A_813] : memref<6400x128xi32, #tpu.memory_space<hbm>> -> memref<1x128xi32, #tpu.memory_space<hbm>>
    %dma_wait3A_815 = arith.constant 5 : i32
    %dma_wait3A_816 = arith.constant 0 : i32
    %dma_wait3A_817 = tpu.memref_slice %arg5[%dma_wait3A_815, %dma_wait3A_816] : memref<7x128xi32, #tpu.memory_space<vmem>> -> memref<1x128xi32, #tpu.memory_space<vmem>>
    %dma_wait3A_818 = arith.constant 0 : i32
    %dma_wait3A_819 = tpu.memref_slice %arg2[%add3A_809, %dma_wait3A_818] : memref<6400x128xi32, #tpu.memory_space<hbm>> -> memref<1x128xi32, #tpu.memory_space<hbm>>
    tpu.wait_dma2 semaphore(%arg12 : memref<!tpu.dma_semaphore, #tpu.memory_space<semaphore_mem>>) src(%dma_wait3A_819 : memref<1x128xi32, #tpu.memory_space<hbm>>) dst(%dma_wait3A_817 : memref<1x128xi32, #tpu.memory_space<vmem>>)
    %dma_start3A_820 = arith.constant 5 : i32
    %dma_start3A_821 = arith.constant 5 : i32
    %dma_start3A_822 = arith.constant 0 : i32
    %dma_start3A_823 = arith.constant 0 : i32
    %dma_start3A_824 = tpu.memref_slice %arg6[%dma_start3A_821, %dma_start3A_822, %dma_start3A_823] : memref<7x128x128xf32, #tpu.memory_space<vmem>> -> memref<1x128x128xf32, #tpu.memory_space<vmem>>
    %dma_start3A_825 = tpu.memref_squeeze %dma_start3A_824 : memref<1x128x128xf32, #tpu.memory_space<vmem>> -> memref<128x128xf32, #tpu.memory_space<vmem>>
    %dma_start3A_826 = arith.constant 0 : i32
    %dma_start3A_827 = tpu.memref_slice %arg5[%dma_start3A_820, %dma_start3A_826] : memref<7x128xi32, #tpu.memory_space<vmem>> -> memref<1x128xi32, #tpu.memory_space<vmem>>
    %dma_start3A_828 = tpu.memref_squeeze %dma_start3A_827 : memref<1x128xi32, #tpu.memory_space<vmem>> -> memref<128xi32, #tpu.memory_space<vmem>>
    %dma_start3A_829 = arith.constant 0 : i32
    %dma_start3A_830 = arith.constant 0 : i32
    %dma_start3A_831 = tpu.memref_slice %arg3[%dma_start3A_829, %dma_start3A_830] : memref<100000x128xf32, #tpu.memory_space<hbm>> -> memref<100000x128xf32, #tpu.memory_space<hbm>>
    tpu.enqueue_indirect_dma source(%dma_start3A_831 : memref<100000x128xf32, #tpu.memory_space<hbm>>) target(%dma_start3A_825 : memref<128x128xf32, #tpu.memory_space<vmem>>) offsets(%dma_start3A_828 : memref<128xi32, #tpu.memory_space<vmem>>) semaphore(%arg19 : memref<!tpu.dma_semaphore, #tpu.memory_space<semaphore_mem>>)
    %dma_wait3A_832 = arith.constant 1 : i32
    %dma_wait3A_833 = arith.constant 1 : i32
    %dma_wait3A_834 = arith.constant 0 : i32
    %dma_wait3A_835 = arith.constant 0 : i32
    %dma_wait3A_836 = tpu.memref_slice %arg6[%dma_wait3A_833, %dma_wait3A_834, %dma_wait3A_835] : memref<7x128x128xf32, #tpu.memory_space<vmem>> -> memref<1x128x128xf32, #tpu.memory_space<vmem>>
    %dma_wait3A_837 = tpu.memref_squeeze %dma_wait3A_836 : memref<1x128x128xf32, #tpu.memory_space<vmem>> -> memref<128x128xf32, #tpu.memory_space<vmem>>
    %dma_wait3A_838 = arith.constant 0 : i32
    %dma_wait3A_839 = tpu.memref_slice %arg5[%dma_wait3A_832, %dma_wait3A_838] : memref<7x128xi32, #tpu.memory_space<vmem>> -> memref<1x128xi32, #tpu.memory_space<vmem>>
    %dma_wait3A_840 = tpu.memref_squeeze %dma_wait3A_839 : memref<1x128xi32, #tpu.memory_space<vmem>> -> memref<128xi32, #tpu.memory_space<vmem>>
    %dma_wait3A_841 = arith.constant 0 : i32
    %dma_wait3A_842 = arith.constant 0 : i32
    %dma_wait3A_843 = tpu.memref_slice %arg3[%dma_wait3A_841, %dma_wait3A_842] : memref<100000x128xf32, #tpu.memory_space<hbm>> -> memref<100000x128xf32, #tpu.memory_space<hbm>>
    tpu.wait_indirect_dma semaphore(%arg15 : memref<!tpu.dma_semaphore, #tpu.memory_space<semaphore_mem>>) src(%dma_wait3A_843 : memref<100000x128xf32, #tpu.memory_space<hbm>>) dst(%dma_wait3A_837 : memref<128x128xf32, #tpu.memory_space<vmem>>)
    %add3A_844 = arith.constant 190 : i32
    %add3A_845 = arith.addi %mul3A_2, %add3A_844 : i32
    %mul3A_846 = arith.constant 128 : i32
    %mul3A_847 = arith.muli %add3A_845, %mul3A_846 : i32
    %dma_start3A_848 = arith.constant 1 : i32
    %dma_start3A_849 = arith.constant 0 : i32
    %dma_start3A_850 = arith.constant 0 : i32
    %dma_start3A_851 = tpu.memref_slice %arg6[%dma_start3A_848, %dma_start3A_849, %dma_start3A_850] : memref<7x128x128xf32, #tpu.memory_space<vmem>> -> memref<1x128x128xf32, #tpu.memory_space<vmem>>
    %dma_start3A_852 = tpu.memref_squeeze %dma_start3A_851 : memref<1x128x128xf32, #tpu.memory_space<vmem>> -> memref<128x128xf32, #tpu.memory_space<vmem>>
    %dma_start3A_853 = arith.constant 0 : i32
    %dma_start3A_854 = tpu.memref_slice %arg4[%mul3A_847, %dma_start3A_853] : memref<819200x128xf32, #tpu.memory_space<hbm>> -> memref<128x128xf32, #tpu.memory_space<hbm>>
    %dma_start3A_855 = arith.constant 0 : i32
    %dma_start3A_856 = tpu.memref_slice %arg4[%mul3A_847, %dma_start3A_855] : memref<819200x128xf32, #tpu.memory_space<hbm>> -> memref<128x128xf32, #tpu.memory_space<hbm>>
    %dma_start3A_857 = arith.constant 0 : i32
    %dma_start3A_858 = arith.constant 0 : i32
    %dma_start3A_859 = tpu.memref_slice %arg6[%dma_start3A_848, %dma_start3A_857, %dma_start3A_858] : memref<7x128x128xf32, #tpu.memory_space<vmem>> -> memref<1x128x128xf32, #tpu.memory_space<vmem>>
    %dma_start3A_860 = tpu.memref_squeeze %dma_start3A_859 : memref<1x128x128xf32, #tpu.memory_space<vmem>> -> memref<128x128xf32, #tpu.memory_space<vmem>>
    tpu.enqueue_dma source(%dma_start3A_860 : memref<128x128xf32, #tpu.memory_space<vmem>>) target(%dma_start3A_856 : memref<128x128xf32, #tpu.memory_space<hbm>>) target_semaphore(%arg22 : memref<!tpu.dma_semaphore, #tpu.memory_space<semaphore_mem>>)
    %add3A_861 = arith.constant 197 : i32
    %add3A_862 = arith.addi %mul3A_2, %add3A_861 : i32
    %dma_start3A_863 = arith.constant 1 : i32
    %dma_start3A_864 = arith.constant 0 : i32
    %dma_start3A_865 = tpu.memref_slice %arg5[%dma_start3A_863, %dma_start3A_864] : memref<7x128xi32, #tpu.memory_space<vmem>> -> memref<1x128xi32, #tpu.memory_space<vmem>>
    %dma_start3A_866 = arith.constant 0 : i32
    %dma_start3A_867 = tpu.memref_slice %arg2[%add3A_862, %dma_start3A_866] : memref<6400x128xi32, #tpu.memory_space<hbm>> -> memref<1x128xi32, #tpu.memory_space<hbm>>
    %dma_start3A_868 = arith.constant 1 : i32
    %dma_start3A_869 = arith.constant 0 : i32
    %dma_start3A_870 = tpu.memref_slice %arg5[%dma_start3A_868, %dma_start3A_869] : memref<7x128xi32, #tpu.memory_space<vmem>> -> memref<1x128xi32, #tpu.memory_space<vmem>>
    %dma_start3A_871 = arith.constant 0 : i32
    %dma_start3A_872 = tpu.memref_slice %arg2[%add3A_862, %dma_start3A_871] : memref<6400x128xi32, #tpu.memory_space<hbm>> -> memref<1x128xi32, #tpu.memory_space<hbm>>
    tpu.enqueue_dma source(%dma_start3A_872 : memref<1x128xi32, #tpu.memory_space<hbm>>) target(%dma_start3A_870 : memref<1x128xi32, #tpu.memory_space<vmem>>) target_semaphore(%arg8 : memref<!tpu.dma_semaphore, #tpu.memory_space<semaphore_mem>>)
    %add3A_873 = arith.constant 188 : i32
    %add3A_874 = arith.addi %mul3A_2, %add3A_873 : i32
    %mul3A_875 = arith.constant 128 : i32
    %mul3A_876 = arith.muli %add3A_874, %mul3A_875 : i32
    %dma_wait3A_877 = arith.constant 6 : i32
    %dma_wait3A_878 = arith.constant 0 : i32
    %dma_wait3A_879 = arith.constant 0 : i32
    %dma_wait3A_880 = tpu.memref_slice %arg6[%dma_wait3A_877, %dma_wait3A_878, %dma_wait3A_879] : memref<7x128x128xf32, #tpu.memory_space<vmem>> -> memref<1x128x128xf32, #tpu.memory_space<vmem>>
    %dma_wait3A_881 = tpu.memref_squeeze %dma_wait3A_880 : memref<1x128x128xf32, #tpu.memory_space<vmem>> -> memref<128x128xf32, #tpu.memory_space<vmem>>
    %dma_wait3A_882 = arith.constant 0 : i32
    %dma_wait3A_883 = tpu.memref_slice %arg4[%mul3A_876, %dma_wait3A_882] : memref<819200x128xf32, #tpu.memory_space<hbm>> -> memref<128x128xf32, #tpu.memory_space<hbm>>
    %dma_wait3A_884 = arith.constant 0 : i32
    %dma_wait3A_885 = tpu.memref_slice %arg4[%mul3A_876, %dma_wait3A_884] : memref<819200x128xf32, #tpu.memory_space<hbm>> -> memref<128x128xf32, #tpu.memory_space<hbm>>
    %dma_wait3A_886 = arith.constant 0 : i32
    %dma_wait3A_887 = arith.constant 0 : i32
    %dma_wait3A_888 = tpu.memref_slice %arg6[%dma_wait3A_877, %dma_wait3A_886, %dma_wait3A_887] : memref<7x128x128xf32, #tpu.memory_space<vmem>> -> memref<1x128x128xf32, #tpu.memory_space<vmem>>
    %dma_wait3A_889 = tpu.memref_squeeze %dma_wait3A_888 : memref<1x128x128xf32, #tpu.memory_space<vmem>> -> memref<128x128xf32, #tpu.memory_space<vmem>>
    tpu.wait_dma2 semaphore(%arg27 : memref<!tpu.dma_semaphore, #tpu.memory_space<semaphore_mem>>) src(%dma_wait3A_889 : memref<128x128xf32, #tpu.memory_space<vmem>>) dst(%dma_wait3A_885 : memref<128x128xf32, #tpu.memory_space<hbm>>)
    %add3A_890 = arith.constant 195 : i32
    %add3A_891 = arith.addi %mul3A_2, %add3A_890 : i32
    %dma_wait3A_892 = arith.constant 6 : i32
    %dma_wait3A_893 = arith.constant 0 : i32
    %dma_wait3A_894 = tpu.memref_slice %arg5[%dma_wait3A_892, %dma_wait3A_893] : memref<7x128xi32, #tpu.memory_space<vmem>> -> memref<1x128xi32, #tpu.memory_space<vmem>>
    %dma_wait3A_895 = arith.constant 0 : i32
    %dma_wait3A_896 = tpu.memref_slice %arg2[%add3A_891, %dma_wait3A_895] : memref<6400x128xi32, #tpu.memory_space<hbm>> -> memref<1x128xi32, #tpu.memory_space<hbm>>
    %dma_wait3A_897 = arith.constant 6 : i32
    %dma_wait3A_898 = arith.constant 0 : i32
    %dma_wait3A_899 = tpu.memref_slice %arg5[%dma_wait3A_897, %dma_wait3A_898] : memref<7x128xi32, #tpu.memory_space<vmem>> -> memref<1x128xi32, #tpu.memory_space<vmem>>
    %dma_wait3A_900 = arith.constant 0 : i32
    %dma_wait3A_901 = tpu.memref_slice %arg2[%add3A_891, %dma_wait3A_900] : memref<6400x128xi32, #tpu.memory_space<hbm>> -> memref<1x128xi32, #tpu.memory_space<hbm>>
    tpu.wait_dma2 semaphore(%arg13 : memref<!tpu.dma_semaphore, #tpu.memory_space<semaphore_mem>>) src(%dma_wait3A_901 : memref<1x128xi32, #tpu.memory_space<hbm>>) dst(%dma_wait3A_899 : memref<1x128xi32, #tpu.memory_space<vmem>>)
    %dma_start3A_902 = arith.constant 6 : i32
    %dma_start3A_903 = arith.constant 6 : i32
    %dma_start3A_904 = arith.constant 0 : i32
    %dma_start3A_905 = arith.constant 0 : i32
    %dma_start3A_906 = tpu.memref_slice %arg6[%dma_start3A_903, %dma_start3A_904, %dma_start3A_905] : memref<7x128x128xf32, #tpu.memory_space<vmem>> -> memref<1x128x128xf32, #tpu.memory_space<vmem>>
    %dma_start3A_907 = tpu.memref_squeeze %dma_start3A_906 : memref<1x128x128xf32, #tpu.memory_space<vmem>> -> memref<128x128xf32, #tpu.memory_space<vmem>>
    %dma_start3A_908 = arith.constant 0 : i32
    %dma_start3A_909 = tpu.memref_slice %arg5[%dma_start3A_902, %dma_start3A_908] : memref<7x128xi32, #tpu.memory_space<vmem>> -> memref<1x128xi32, #tpu.memory_space<vmem>>
    %dma_start3A_910 = tpu.memref_squeeze %dma_start3A_909 : memref<1x128xi32, #tpu.memory_space<vmem>> -> memref<128xi32, #tpu.memory_space<vmem>>
    %dma_start3A_911 = arith.constant 0 : i32
    %dma_start3A_912 = arith.constant 0 : i32
    %dma_start3A_913 = tpu.memref_slice %arg3[%dma_start3A_911, %dma_start3A_912] : memref<100000x128xf32, #tpu.memory_space<hbm>> -> memref<100000x128xf32, #tpu.memory_space<hbm>>
    tpu.enqueue_indirect_dma source(%dma_start3A_913 : memref<100000x128xf32, #tpu.memory_space<hbm>>) target(%dma_start3A_907 : memref<128x128xf32, #tpu.memory_space<vmem>>) offsets(%dma_start3A_910 : memref<128xi32, #tpu.memory_space<vmem>>) semaphore(%arg20 : memref<!tpu.dma_semaphore, #tpu.memory_space<semaphore_mem>>)
    %dma_wait3A_914 = arith.constant 2 : i32
    %dma_wait3A_915 = arith.constant 2 : i32
    %dma_wait3A_916 = arith.constant 0 : i32
    %dma_wait3A_917 = arith.constant 0 : i32
    %dma_wait3A_918 = tpu.memref_slice %arg6[%dma_wait3A_915, %dma_wait3A_916, %dma_wait3A_917] : memref<7x128x128xf32, #tpu.memory_space<vmem>> -> memref<1x128x128xf32, #tpu.memory_space<vmem>>
    %dma_wait3A_919 = tpu.memref_squeeze %dma_wait3A_918 : memref<1x128x128xf32, #tpu.memory_space<vmem>> -> memref<128x128xf32, #tpu.memory_space<vmem>>
    %dma_wait3A_920 = arith.constant 0 : i32
    %dma_wait3A_921 = tpu.memref_slice %arg5[%dma_wait3A_914, %dma_wait3A_920] : memref<7x128xi32, #tpu.memory_space<vmem>> -> memref<1x128xi32, #tpu.memory_space<vmem>>
    %dma_wait3A_922 = tpu.memref_squeeze %dma_wait3A_921 : memref<1x128xi32, #tpu.memory_space<vmem>> -> memref<128xi32, #tpu.memory_space<vmem>>
    %dma_wait3A_923 = arith.constant 0 : i32
    %dma_wait3A_924 = arith.constant 0 : i32
    %dma_wait3A_925 = tpu.memref_slice %arg3[%dma_wait3A_923, %dma_wait3A_924] : memref<100000x128xf32, #tpu.memory_space<hbm>> -> memref<100000x128xf32, #tpu.memory_space<hbm>>
    tpu.wait_indirect_dma semaphore(%arg16 : memref<!tpu.dma_semaphore, #tpu.memory_space<semaphore_mem>>) src(%dma_wait3A_925 : memref<100000x128xf32, #tpu.memory_space<hbm>>) dst(%dma_wait3A_919 : memref<128x128xf32, #tpu.memory_space<vmem>>)
    %add3A_926 = arith.constant 191 : i32
    %add3A_927 = arith.addi %mul3A_2, %add3A_926 : i32
    %mul3A_928 = arith.constant 128 : i32
    %mul3A_929 = arith.muli %add3A_927, %mul3A_928 : i32
    %dma_start3A_930 = arith.constant 2 : i32
    %dma_start3A_931 = arith.constant 0 : i32
    %dma_start3A_932 = arith.constant 0 : i32
    %dma_start3A_933 = tpu.memref_slice %arg6[%dma_start3A_930, %dma_start3A_931, %dma_start3A_932] : memref<7x128x128xf32, #tpu.memory_space<vmem>> -> memref<1x128x128xf32, #tpu.memory_space<vmem>>
    %dma_start3A_934 = tpu.memref_squeeze %dma_start3A_933 : memref<1x128x128xf32, #tpu.memory_space<vmem>> -> memref<128x128xf32, #tpu.memory_space<vmem>>
    %dma_start3A_935 = arith.constant 0 : i32
    %dma_start3A_936 = tpu.memref_slice %arg4[%mul3A_929, %dma_start3A_935] : memref<819200x128xf32, #tpu.memory_space<hbm>> -> memref<128x128xf32, #tpu.memory_space<hbm>>
    %dma_start3A_937 = arith.constant 0 : i32
    %dma_start3A_938 = tpu.memref_slice %arg4[%mul3A_929, %dma_start3A_937] : memref<819200x128xf32, #tpu.memory_space<hbm>> -> memref<128x128xf32, #tpu.memory_space<hbm>>
    %dma_start3A_939 = arith.constant 0 : i32
    %dma_start3A_940 = arith.constant 0 : i32
    %dma_start3A_941 = tpu.memref_slice %arg6[%dma_start3A_930, %dma_start3A_939, %dma_start3A_940] : memref<7x128x128xf32, #tpu.memory_space<vmem>> -> memref<1x128x128xf32, #tpu.memory_space<vmem>>
    %dma_start3A_942 = tpu.memref_squeeze %dma_start3A_941 : memref<1x128x128xf32, #tpu.memory_space<vmem>> -> memref<128x128xf32, #tpu.memory_space<vmem>>
    tpu.enqueue_dma source(%dma_start3A_942 : memref<128x128xf32, #tpu.memory_space<vmem>>) target(%dma_start3A_938 : memref<128x128xf32, #tpu.memory_space<hbm>>) target_semaphore(%arg23 : memref<!tpu.dma_semaphore, #tpu.memory_space<semaphore_mem>>)
    %add3A_943 = arith.constant 198 : i32
    %add3A_944 = arith.addi %mul3A_2, %add3A_943 : i32
    %dma_start3A_945 = arith.constant 2 : i32
    %dma_start3A_946 = arith.constant 0 : i32
    %dma_start3A_947 = tpu.memref_slice %arg5[%dma_start3A_945, %dma_start3A_946] : memref<7x128xi32, #tpu.memory_space<vmem>> -> memref<1x128xi32, #tpu.memory_space<vmem>>
    %dma_start3A_948 = arith.constant 0 : i32
    %dma_start3A_949 = tpu.memref_slice %arg2[%add3A_944, %dma_start3A_948] : memref<6400x128xi32, #tpu.memory_space<hbm>> -> memref<1x128xi32, #tpu.memory_space<hbm>>
    %dma_start3A_950 = arith.constant 2 : i32
    %dma_start3A_951 = arith.constant 0 : i32
    %dma_start3A_952 = tpu.memref_slice %arg5[%dma_start3A_950, %dma_start3A_951] : memref<7x128xi32, #tpu.memory_space<vmem>> -> memref<1x128xi32, #tpu.memory_space<vmem>>
    %dma_start3A_953 = arith.constant 0 : i32
    %dma_start3A_954 = tpu.memref_slice %arg2[%add3A_944, %dma_start3A_953] : memref<6400x128xi32, #tpu.memory_space<hbm>> -> memref<1x128xi32, #tpu.memory_space<hbm>>
    tpu.enqueue_dma source(%dma_start3A_954 : memref<1x128xi32, #tpu.memory_space<hbm>>) target(%dma_start3A_952 : memref<1x128xi32, #tpu.memory_space<vmem>>) target_semaphore(%arg9 : memref<!tpu.dma_semaphore, #tpu.memory_space<semaphore_mem>>)
    %add3A_955 = arith.constant 189 : i32
    %add3A_956 = arith.addi %mul3A_2, %add3A_955 : i32
    %mul3A_957 = arith.constant 128 : i32
    %mul3A_958 = arith.muli %add3A_956, %mul3A_957 : i32
    %dma_wait3A_959 = arith.constant 0 : i32
    %dma_wait3A_960 = arith.constant 0 : i32
    %dma_wait3A_961 = arith.constant 0 : i32
    %dma_wait3A_962 = tpu.memref_slice %arg6[%dma_wait3A_959, %dma_wait3A_960, %dma_wait3A_961] : memref<7x128x128xf32, #tpu.memory_space<vmem>> -> memref<1x128x128xf32, #tpu.memory_space<vmem>>
    %dma_wait3A_963 = tpu.memref_squeeze %dma_wait3A_962 : memref<1x128x128xf32, #tpu.memory_space<vmem>> -> memref<128x128xf32, #tpu.memory_space<vmem>>
    %dma_wait3A_964 = arith.constant 0 : i32
    %dma_wait3A_965 = tpu.memref_slice %arg4[%mul3A_958, %dma_wait3A_964] : memref<819200x128xf32, #tpu.memory_space<hbm>> -> memref<128x128xf32, #tpu.memory_space<hbm>>
    %dma_wait3A_966 = arith.constant 0 : i32
    %dma_wait3A_967 = tpu.memref_slice %arg4[%mul3A_958, %dma_wait3A_966] : memref<819200x128xf32, #tpu.memory_space<hbm>> -> memref<128x128xf32, #tpu.memory_space<hbm>>
    %dma_wait3A_968 = arith.constant 0 : i32
    %dma_wait3A_969 = arith.constant 0 : i32
    %dma_wait3A_970 = tpu.memref_slice %arg6[%dma_wait3A_959, %dma_wait3A_968, %dma_wait3A_969] : memref<7x128x128xf32, #tpu.memory_space<vmem>> -> memref<1x128x128xf32, #tpu.memory_space<vmem>>
    %dma_wait3A_971 = tpu.memref_squeeze %dma_wait3A_970 : memref<1x128x128xf32, #tpu.memory_space<vmem>> -> memref<128x128xf32, #tpu.memory_space<vmem>>
    tpu.wait_dma2 semaphore(%arg21 : memref<!tpu.dma_semaphore, #tpu.memory_space<semaphore_mem>>) src(%dma_wait3A_971 : memref<128x128xf32, #tpu.memory_space<vmem>>) dst(%dma_wait3A_967 : memref<128x128xf32, #tpu.memory_space<hbm>>)
    %add3A_972 = arith.constant 196 : i32
    %add3A_973 = arith.addi %mul3A_2, %add3A_972 : i32
    %dma_wait3A_974 = arith.constant 0 : i32
    %dma_wait3A_975 = arith.constant 0 : i32
    %dma_wait3A_976 = tpu.memref_slice %arg5[%dma_wait3A_974, %dma_wait3A_975] : memref<7x128xi32, #tpu.memory_space<vmem>> -> memref<1x128xi32, #tpu.memory_space<vmem>>
    %dma_wait3A_977 = arith.constant 0 : i32
    %dma_wait3A_978 = tpu.memref_slice %arg2[%add3A_973, %dma_wait3A_977] : memref<6400x128xi32, #tpu.memory_space<hbm>> -> memref<1x128xi32, #tpu.memory_space<hbm>>
    %dma_wait3A_979 = arith.constant 0 : i32
    %dma_wait3A_980 = arith.constant 0 : i32
    %dma_wait3A_981 = tpu.memref_slice %arg5[%dma_wait3A_979, %dma_wait3A_980] : memref<7x128xi32, #tpu.memory_space<vmem>> -> memref<1x128xi32, #tpu.memory_space<vmem>>
    %dma_wait3A_982 = arith.constant 0 : i32
    %dma_wait3A_983 = tpu.memref_slice %arg2[%add3A_973, %dma_wait3A_982] : memref<6400x128xi32, #tpu.memory_space<hbm>> -> memref<1x128xi32, #tpu.memory_space<hbm>>
    tpu.wait_dma2 semaphore(%arg7 : memref<!tpu.dma_semaphore, #tpu.memory_space<semaphore_mem>>) src(%dma_wait3A_983 : memref<1x128xi32, #tpu.memory_space<hbm>>) dst(%dma_wait3A_981 : memref<1x128xi32, #tpu.memory_space<vmem>>)
    %dma_start3A_984 = arith.constant 0 : i32
    %dma_start3A_985 = arith.constant 0 : i32
    %dma_start3A_986 = arith.constant 0 : i32
    %dma_start3A_987 = arith.constant 0 : i32
    %dma_start3A_988 = tpu.memref_slice %arg6[%dma_start3A_985, %dma_start3A_986, %dma_start3A_987] : memref<7x128x128xf32, #tpu.memory_space<vmem>> -> memref<1x128x128xf32, #tpu.memory_space<vmem>>
    %dma_start3A_989 = tpu.memref_squeeze %dma_start3A_988 : memref<1x128x128xf32, #tpu.memory_space<vmem>> -> memref<128x128xf32, #tpu.memory_space<vmem>>
    %dma_start3A_990 = arith.constant 0 : i32
    %dma_start3A_991 = tpu.memref_slice %arg5[%dma_start3A_984, %dma_start3A_990] : memref<7x128xi32, #tpu.memory_space<vmem>> -> memref<1x128xi32, #tpu.memory_space<vmem>>
    %dma_start3A_992 = tpu.memref_squeeze %dma_start3A_991 : memref<1x128xi32, #tpu.memory_space<vmem>> -> memref<128xi32, #tpu.memory_space<vmem>>
    %dma_start3A_993 = arith.constant 0 : i32
    %dma_start3A_994 = arith.constant 0 : i32
    %dma_start3A_995 = tpu.memref_slice %arg3[%dma_start3A_993, %dma_start3A_994] : memref<100000x128xf32, #tpu.memory_space<hbm>> -> memref<100000x128xf32, #tpu.memory_space<hbm>>
    tpu.enqueue_indirect_dma source(%dma_start3A_995 : memref<100000x128xf32, #tpu.memory_space<hbm>>) target(%dma_start3A_989 : memref<128x128xf32, #tpu.memory_space<vmem>>) offsets(%dma_start3A_992 : memref<128xi32, #tpu.memory_space<vmem>>) semaphore(%arg14 : memref<!tpu.dma_semaphore, #tpu.memory_space<semaphore_mem>>)
    %dma_wait3A_996 = arith.constant 3 : i32
    %dma_wait3A_997 = arith.constant 3 : i32
    %dma_wait3A_998 = arith.constant 0 : i32
    %dma_wait3A_999 = arith.constant 0 : i32
    %dma_wait3A_1000 = tpu.memref_slice %arg6[%dma_wait3A_997, %dma_wait3A_998, %dma_wait3A_999] : memref<7x128x128xf32, #tpu.memory_space<vmem>> -> memref<1x128x128xf32, #tpu.memory_space<vmem>>
    %dma_wait3A_1001 = tpu.memref_squeeze %dma_wait3A_1000 : memref<1x128x128xf32, #tpu.memory_space<vmem>> -> memref<128x128xf32, #tpu.memory_space<vmem>>
    %dma_wait3A_1002 = arith.constant 0 : i32
    %dma_wait3A_1003 = tpu.memref_slice %arg5[%dma_wait3A_996, %dma_wait3A_1002] : memref<7x128xi32, #tpu.memory_space<vmem>> -> memref<1x128xi32, #tpu.memory_space<vmem>>
    %dma_wait3A_1004 = tpu.memref_squeeze %dma_wait3A_1003 : memref<1x128xi32, #tpu.memory_space<vmem>> -> memref<128xi32, #tpu.memory_space<vmem>>
    %dma_wait3A_1005 = arith.constant 0 : i32
    %dma_wait3A_1006 = arith.constant 0 : i32
    %dma_wait3A_1007 = tpu.memref_slice %arg3[%dma_wait3A_1005, %dma_wait3A_1006] : memref<100000x128xf32, #tpu.memory_space<hbm>> -> memref<100000x128xf32, #tpu.memory_space<hbm>>
    tpu.wait_indirect_dma semaphore(%arg17 : memref<!tpu.dma_semaphore, #tpu.memory_space<semaphore_mem>>) src(%dma_wait3A_1007 : memref<100000x128xf32, #tpu.memory_space<hbm>>) dst(%dma_wait3A_1001 : memref<128x128xf32, #tpu.memory_space<vmem>>)
    %add3A_1008 = arith.constant 192 : i32
    %add3A_1009 = arith.addi %mul3A_2, %add3A_1008 : i32
    %mul3A_1010 = arith.constant 128 : i32
    %mul3A_1011 = arith.muli %add3A_1009, %mul3A_1010 : i32
    %dma_start3A_1012 = arith.constant 3 : i32
    %dma_start3A_1013 = arith.constant 0 : i32
    %dma_start3A_1014 = arith.constant 0 : i32
    %dma_start3A_1015 = tpu.memref_slice %arg6[%dma_start3A_1012, %dma_start3A_1013, %dma_start3A_1014] : memref<7x128x128xf32, #tpu.memory_space<vmem>> -> memref<1x128x128xf32, #tpu.memory_space<vmem>>
    %dma_start3A_1016 = tpu.memref_squeeze %dma_start3A_1015 : memref<1x128x128xf32, #tpu.memory_space<vmem>> -> memref<128x128xf32, #tpu.memory_space<vmem>>
    %dma_start3A_1017 = arith.constant 0 : i32
    %dma_start3A_1018 = tpu.memref_slice %arg4[%mul3A_1011, %dma_start3A_1017] : memref<819200x128xf32, #tpu.memory_space<hbm>> -> memref<128x128xf32, #tpu.memory_space<hbm>>
    %dma_start3A_1019 = arith.constant 0 : i32
    %dma_start3A_1020 = tpu.memref_slice %arg4[%mul3A_1011, %dma_start3A_1019] : memref<819200x128xf32, #tpu.memory_space<hbm>> -> memref<128x128xf32, #tpu.memory_space<hbm>>
    %dma_start3A_1021 = arith.constant 0 : i32
    %dma_start3A_1022 = arith.constant 0 : i32
    %dma_start3A_1023 = tpu.memref_slice %arg6[%dma_start3A_1012, %dma_start3A_1021, %dma_start3A_1022] : memref<7x128x128xf32, #tpu.memory_space<vmem>> -> memref<1x128x128xf32, #tpu.memory_space<vmem>>
    %dma_start3A_1024 = tpu.memref_squeeze %dma_start3A_1023 : memref<1x128x128xf32, #tpu.memory_space<vmem>> -> memref<128x128xf32, #tpu.memory_space<vmem>>
    tpu.enqueue_dma source(%dma_start3A_1024 : memref<128x128xf32, #tpu.memory_space<vmem>>) target(%dma_start3A_1020 : memref<128x128xf32, #tpu.memory_space<hbm>>) target_semaphore(%arg24 : memref<!tpu.dma_semaphore, #tpu.memory_space<semaphore_mem>>)
    %add3A_1025 = arith.constant 199 : i32
    %add3A_1026 = arith.addi %mul3A_2, %add3A_1025 : i32
    %dma_start3A_1027 = arith.constant 3 : i32
    %dma_start3A_1028 = arith.constant 0 : i32
    %dma_start3A_1029 = tpu.memref_slice %arg5[%dma_start3A_1027, %dma_start3A_1028] : memref<7x128xi32, #tpu.memory_space<vmem>> -> memref<1x128xi32, #tpu.memory_space<vmem>>
    %dma_start3A_1030 = arith.constant 0 : i32
    %dma_start3A_1031 = tpu.memref_slice %arg2[%add3A_1026, %dma_start3A_1030] : memref<6400x128xi32, #tpu.memory_space<hbm>> -> memref<1x128xi32, #tpu.memory_space<hbm>>
    %dma_start3A_1032 = arith.constant 3 : i32
    %dma_start3A_1033 = arith.constant 0 : i32
    %dma_start3A_1034 = tpu.memref_slice %arg5[%dma_start3A_1032, %dma_start3A_1033] : memref<7x128xi32, #tpu.memory_space<vmem>> -> memref<1x128xi32, #tpu.memory_space<vmem>>
    %dma_start3A_1035 = arith.constant 0 : i32
    %dma_start3A_1036 = tpu.memref_slice %arg2[%add3A_1026, %dma_start3A_1035] : memref<6400x128xi32, #tpu.memory_space<hbm>> -> memref<1x128xi32, #tpu.memory_space<hbm>>
    tpu.enqueue_dma source(%dma_start3A_1036 : memref<1x128xi32, #tpu.memory_space<hbm>>) target(%dma_start3A_1034 : memref<1x128xi32, #tpu.memory_space<vmem>>) target_semaphore(%arg10 : memref<!tpu.dma_semaphore, #tpu.memory_space<semaphore_mem>>)
    %add3A_1037 = arith.constant 190 : i32
    %add3A_1038 = arith.addi %mul3A_2, %add3A_1037 : i32
    %mul3A_1039 = arith.constant 128 : i32
    %mul3A_1040 = arith.muli %add3A_1038, %mul3A_1039 : i32
    %dma_wait3A_1041 = arith.constant 1 : i32
    %dma_wait3A_1042 = arith.constant 0 : i32
    %dma_wait3A_1043 = arith.constant 0 : i32
    %dma_wait3A_1044 = tpu.memref_slice %arg6[%dma_wait3A_1041, %dma_wait3A_1042, %dma_wait3A_1043] : memref<7x128x128xf32, #tpu.memory_space<vmem>> -> memref<1x128x128xf32, #tpu.memory_space<vmem>>
    %dma_wait3A_1045 = tpu.memref_squeeze %dma_wait3A_1044 : memref<1x128x128xf32, #tpu.memory_space<vmem>> -> memref<128x128xf32, #tpu.memory_space<vmem>>
    %dma_wait3A_1046 = arith.constant 0 : i32
    %dma_wait3A_1047 = tpu.memref_slice %arg4[%mul3A_1040, %dma_wait3A_1046] : memref<819200x128xf32, #tpu.memory_space<hbm>> -> memref<128x128xf32, #tpu.memory_space<hbm>>
    %dma_wait3A_1048 = arith.constant 0 : i32
    %dma_wait3A_1049 = tpu.memref_slice %arg4[%mul3A_1040, %dma_wait3A_1048] : memref<819200x128xf32, #tpu.memory_space<hbm>> -> memref<128x128xf32, #tpu.memory_space<hbm>>
    %dma_wait3A_1050 = arith.constant 0 : i32
    %dma_wait3A_1051 = arith.constant 0 : i32
    %dma_wait3A_1052 = tpu.memref_slice %arg6[%dma_wait3A_1041, %dma_wait3A_1050, %dma_wait3A_1051] : memref<7x128x128xf32, #tpu.memory_space<vmem>> -> memref<1x128x128xf32, #tpu.memory_space<vmem>>
    %dma_wait3A_1053 = tpu.memref_squeeze %dma_wait3A_1052 : memref<1x128x128xf32, #tpu.memory_space<vmem>> -> memref<128x128xf32, #tpu.memory_space<vmem>>
    tpu.wait_dma2 semaphore(%arg22 : memref<!tpu.dma_semaphore, #tpu.memory_space<semaphore_mem>>) src(%dma_wait3A_1053 : memref<128x128xf32, #tpu.memory_space<vmem>>) dst(%dma_wait3A_1049 : memref<128x128xf32, #tpu.memory_space<hbm>>)
    %add3A_1054 = arith.constant 197 : i32
    %add3A_1055 = arith.addi %mul3A_2, %add3A_1054 : i32
    %dma_wait3A_1056 = arith.constant 1 : i32
    %dma_wait3A_1057 = arith.constant 0 : i32
    %dma_wait3A_1058 = tpu.memref_slice %arg5[%dma_wait3A_1056, %dma_wait3A_1057] : memref<7x128xi32, #tpu.memory_space<vmem>> -> memref<1x128xi32, #tpu.memory_space<vmem>>
    %dma_wait3A_1059 = arith.constant 0 : i32
    %dma_wait3A_1060 = tpu.memref_slice %arg2[%add3A_1055, %dma_wait3A_1059] : memref<6400x128xi32, #tpu.memory_space<hbm>> -> memref<1x128xi32, #tpu.memory_space<hbm>>
    %dma_wait3A_1061 = arith.constant 1 : i32
    %dma_wait3A_1062 = arith.constant 0 : i32
    %dma_wait3A_1063 = tpu.memref_slice %arg5[%dma_wait3A_1061, %dma_wait3A_1062] : memref<7x128xi32, #tpu.memory_space<vmem>> -> memref<1x128xi32, #tpu.memory_space<vmem>>
    %dma_wait3A_1064 = arith.constant 0 : i32
    %dma_wait3A_1065 = tpu.memref_slice %arg2[%add3A_1055, %dma_wait3A_1064] : memref<6400x128xi32, #tpu.memory_space<hbm>> -> memref<1x128xi32, #tpu.memory_space<hbm>>
    tpu.wait_dma2 semaphore(%arg8 : memref<!tpu.dma_semaphore, #tpu.memory_space<semaphore_mem>>) src(%dma_wait3A_1065 : memref<1x128xi32, #tpu.memory_space<hbm>>) dst(%dma_wait3A_1063 : memref<1x128xi32, #tpu.memory_space<vmem>>)
    %dma_start3A_1066 = arith.constant 1 : i32
    %dma_start3A_1067 = arith.constant 1 : i32
    %dma_start3A_1068 = arith.constant 0 : i32
    %dma_start3A_1069 = arith.constant 0 : i32
    %dma_start3A_1070 = tpu.memref_slice %arg6[%dma_start3A_1067, %dma_start3A_1068, %dma_start3A_1069] : memref<7x128x128xf32, #tpu.memory_space<vmem>> -> memref<1x128x128xf32, #tpu.memory_space<vmem>>
    %dma_start3A_1071 = tpu.memref_squeeze %dma_start3A_1070 : memref<1x128x128xf32, #tpu.memory_space<vmem>> -> memref<128x128xf32, #tpu.memory_space<vmem>>
    %dma_start3A_1072 = arith.constant 0 : i32
    %dma_start3A_1073 = tpu.memref_slice %arg5[%dma_start3A_1066, %dma_start3A_1072] : memref<7x128xi32, #tpu.memory_space<vmem>> -> memref<1x128xi32, #tpu.memory_space<vmem>>
    %dma_start3A_1074 = tpu.memref_squeeze %dma_start3A_1073 : memref<1x128xi32, #tpu.memory_space<vmem>> -> memref<128xi32, #tpu.memory_space<vmem>>
    %dma_start3A_1075 = arith.constant 0 : i32
    %dma_start3A_1076 = arith.constant 0 : i32
    %dma_start3A_1077 = tpu.memref_slice %arg3[%dma_start3A_1075, %dma_start3A_1076] : memref<100000x128xf32, #tpu.memory_space<hbm>> -> memref<100000x128xf32, #tpu.memory_space<hbm>>
    tpu.enqueue_indirect_dma source(%dma_start3A_1077 : memref<100000x128xf32, #tpu.memory_space<hbm>>) target(%dma_start3A_1071 : memref<128x128xf32, #tpu.memory_space<vmem>>) offsets(%dma_start3A_1074 : memref<128xi32, #tpu.memory_space<vmem>>) semaphore(%arg15 : memref<!tpu.dma_semaphore, #tpu.memory_space<semaphore_mem>>)
    %dma_wait3A_1078 = arith.constant 4 : i32
    %dma_wait3A_1079 = arith.constant 4 : i32
    %dma_wait3A_1080 = arith.constant 0 : i32
    %dma_wait3A_1081 = arith.constant 0 : i32
    %dma_wait3A_1082 = tpu.memref_slice %arg6[%dma_wait3A_1079, %dma_wait3A_1080, %dma_wait3A_1081] : memref<7x128x128xf32, #tpu.memory_space<vmem>> -> memref<1x128x128xf32, #tpu.memory_space<vmem>>
    %dma_wait3A_1083 = tpu.memref_squeeze %dma_wait3A_1082 : memref<1x128x128xf32, #tpu.memory_space<vmem>> -> memref<128x128xf32, #tpu.memory_space<vmem>>
    %dma_wait3A_1084 = arith.constant 0 : i32
    %dma_wait3A_1085 = tpu.memref_slice %arg5[%dma_wait3A_1078, %dma_wait3A_1084] : memref<7x128xi32, #tpu.memory_space<vmem>> -> memref<1x128xi32, #tpu.memory_space<vmem>>
    %dma_wait3A_1086 = tpu.memref_squeeze %dma_wait3A_1085 : memref<1x128xi32, #tpu.memory_space<vmem>> -> memref<128xi32, #tpu.memory_space<vmem>>
    %dma_wait3A_1087 = arith.constant 0 : i32
    %dma_wait3A_1088 = arith.constant 0 : i32
    %dma_wait3A_1089 = tpu.memref_slice %arg3[%dma_wait3A_1087, %dma_wait3A_1088] : memref<100000x128xf32, #tpu.memory_space<hbm>> -> memref<100000x128xf32, #tpu.memory_space<hbm>>
    tpu.wait_indirect_dma semaphore(%arg18 : memref<!tpu.dma_semaphore, #tpu.memory_space<semaphore_mem>>) src(%dma_wait3A_1089 : memref<100000x128xf32, #tpu.memory_space<hbm>>) dst(%dma_wait3A_1083 : memref<128x128xf32, #tpu.memory_space<vmem>>)
    %add3A_1090 = arith.constant 193 : i32
    %add3A_1091 = arith.addi %mul3A_2, %add3A_1090 : i32
    %mul3A_1092 = arith.constant 128 : i32
    %mul3A_1093 = arith.muli %add3A_1091, %mul3A_1092 : i32
    %dma_start3A_1094 = arith.constant 4 : i32
    %dma_start3A_1095 = arith.constant 0 : i32
    %dma_start3A_1096 = arith.constant 0 : i32
    %dma_start3A_1097 = tpu.memref_slice %arg6[%dma_start3A_1094, %dma_start3A_1095, %dma_start3A_1096] : memref<7x128x128xf32, #tpu.memory_space<vmem>> -> memref<1x128x128xf32, #tpu.memory_space<vmem>>
    %dma_start3A_1098 = tpu.memref_squeeze %dma_start3A_1097 : memref<1x128x128xf32, #tpu.memory_space<vmem>> -> memref<128x128xf32, #tpu.memory_space<vmem>>
    %dma_start3A_1099 = arith.constant 0 : i32
    %dma_start3A_1100 = tpu.memref_slice %arg4[%mul3A_1093, %dma_start3A_1099] : memref<819200x128xf32, #tpu.memory_space<hbm>> -> memref<128x128xf32, #tpu.memory_space<hbm>>
    %dma_start3A_1101 = arith.constant 0 : i32
    %dma_start3A_1102 = tpu.memref_slice %arg4[%mul3A_1093, %dma_start3A_1101] : memref<819200x128xf32, #tpu.memory_space<hbm>> -> memref<128x128xf32, #tpu.memory_space<hbm>>
    %dma_start3A_1103 = arith.constant 0 : i32
    %dma_start3A_1104 = arith.constant 0 : i32
    %dma_start3A_1105 = tpu.memref_slice %arg6[%dma_start3A_1094, %dma_start3A_1103, %dma_start3A_1104] : memref<7x128x128xf32, #tpu.memory_space<vmem>> -> memref<1x128x128xf32, #tpu.memory_space<vmem>>
    %dma_start3A_1106 = tpu.memref_squeeze %dma_start3A_1105 : memref<1x128x128xf32, #tpu.memory_space<vmem>> -> memref<128x128xf32, #tpu.memory_space<vmem>>
    tpu.enqueue_dma source(%dma_start3A_1106 : memref<128x128xf32, #tpu.memory_space<vmem>>) target(%dma_start3A_1102 : memref<128x128xf32, #tpu.memory_space<hbm>>) target_semaphore(%arg25 : memref<!tpu.dma_semaphore, #tpu.memory_space<semaphore_mem>>)
    %add3A_1107 = arith.constant 191 : i32
    %add3A_1108 = arith.addi %mul3A_2, %add3A_1107 : i32
    %mul3A_1109 = arith.constant 128 : i32
    %mul3A_1110 = arith.muli %add3A_1108, %mul3A_1109 : i32
    %dma_wait3A_1111 = arith.constant 2 : i32
    %dma_wait3A_1112 = arith.constant 0 : i32
    %dma_wait3A_1113 = arith.constant 0 : i32
    %dma_wait3A_1114 = tpu.memref_slice %arg6[%dma_wait3A_1111, %dma_wait3A_1112, %dma_wait3A_1113] : memref<7x128x128xf32, #tpu.memory_space<vmem>> -> memref<1x128x128xf32, #tpu.memory_space<vmem>>
    %dma_wait3A_1115 = tpu.memref_squeeze %dma_wait3A_1114 : memref<1x128x128xf32, #tpu.memory_space<vmem>> -> memref<128x128xf32, #tpu.memory_space<vmem>>
    %dma_wait3A_1116 = arith.constant 0 : i32
    %dma_wait3A_1117 = tpu.memref_slice %arg4[%mul3A_1110, %dma_wait3A_1116] : memref<819200x128xf32, #tpu.memory_space<hbm>> -> memref<128x128xf32, #tpu.memory_space<hbm>>
    %dma_wait3A_1118 = arith.constant 0 : i32
    %dma_wait3A_1119 = tpu.memref_slice %arg4[%mul3A_1110, %dma_wait3A_1118] : memref<819200x128xf32, #tpu.memory_space<hbm>> -> memref<128x128xf32, #tpu.memory_space<hbm>>
    %dma_wait3A_1120 = arith.constant 0 : i32
    %dma_wait3A_1121 = arith.constant 0 : i32
    %dma_wait3A_1122 = tpu.memref_slice %arg6[%dma_wait3A_1111, %dma_wait3A_1120, %dma_wait3A_1121] : memref<7x128x128xf32, #tpu.memory_space<vmem>> -> memref<1x128x128xf32, #tpu.memory_space<vmem>>
    %dma_wait3A_1123 = tpu.memref_squeeze %dma_wait3A_1122 : memref<1x128x128xf32, #tpu.memory_space<vmem>> -> memref<128x128xf32, #tpu.memory_space<vmem>>
    tpu.wait_dma2 semaphore(%arg23 : memref<!tpu.dma_semaphore, #tpu.memory_space<semaphore_mem>>) src(%dma_wait3A_1123 : memref<128x128xf32, #tpu.memory_space<vmem>>) dst(%dma_wait3A_1119 : memref<128x128xf32, #tpu.memory_space<hbm>>)
    %add3A_1124 = arith.constant 198 : i32
    %add3A_1125 = arith.addi %mul3A_2, %add3A_1124 : i32
    %dma_wait3A_1126 = arith.constant 2 : i32
    %dma_wait3A_1127 = arith.constant 0 : i32
    %dma_wait3A_1128 = tpu.memref_slice %arg5[%dma_wait3A_1126, %dma_wait3A_1127] : memref<7x128xi32, #tpu.memory_space<vmem>> -> memref<1x128xi32, #tpu.memory_space<vmem>>
    %dma_wait3A_1129 = arith.constant 0 : i32
    %dma_wait3A_1130 = tpu.memref_slice %arg2[%add3A_1125, %dma_wait3A_1129] : memref<6400x128xi32, #tpu.memory_space<hbm>> -> memref<1x128xi32, #tpu.memory_space<hbm>>
    %dma_wait3A_1131 = arith.constant 2 : i32
    %dma_wait3A_1132 = arith.constant 0 : i32
    %dma_wait3A_1133 = tpu.memref_slice %arg5[%dma_wait3A_1131, %dma_wait3A_1132] : memref<7x128xi32, #tpu.memory_space<vmem>> -> memref<1x128xi32, #tpu.memory_space<vmem>>
    %dma_wait3A_1134 = arith.constant 0 : i32
    %dma_wait3A_1135 = tpu.memref_slice %arg2[%add3A_1125, %dma_wait3A_1134] : memref<6400x128xi32, #tpu.memory_space<hbm>> -> memref<1x128xi32, #tpu.memory_space<hbm>>
    tpu.wait_dma2 semaphore(%arg9 : memref<!tpu.dma_semaphore, #tpu.memory_space<semaphore_mem>>) src(%dma_wait3A_1135 : memref<1x128xi32, #tpu.memory_space<hbm>>) dst(%dma_wait3A_1133 : memref<1x128xi32, #tpu.memory_space<vmem>>)
    %dma_start3A_1136 = arith.constant 2 : i32
    %dma_start3A_1137 = arith.constant 2 : i32
    %dma_start3A_1138 = arith.constant 0 : i32
    %dma_start3A_1139 = arith.constant 0 : i32
    %dma_start3A_1140 = tpu.memref_slice %arg6[%dma_start3A_1137, %dma_start3A_1138, %dma_start3A_1139] : memref<7x128x128xf32, #tpu.memory_space<vmem>> -> memref<1x128x128xf32, #tpu.memory_space<vmem>>
    %dma_start3A_1141 = tpu.memref_squeeze %dma_start3A_1140 : memref<1x128x128xf32, #tpu.memory_space<vmem>> -> memref<128x128xf32, #tpu.memory_space<vmem>>
    %dma_start3A_1142 = arith.constant 0 : i32
    %dma_start3A_1143 = tpu.memref_slice %arg5[%dma_start3A_1136, %dma_start3A_1142] : memref<7x128xi32, #tpu.memory_space<vmem>> -> memref<1x128xi32, #tpu.memory_space<vmem>>
    %dma_start3A_1144 = tpu.memref_squeeze %dma_start3A_1143 : memref<1x128xi32, #tpu.memory_space<vmem>> -> memref<128xi32, #tpu.memory_space<vmem>>
    %dma_start3A_1145 = arith.constant 0 : i32
    %dma_start3A_1146 = arith.constant 0 : i32
    %dma_start3A_1147 = tpu.memref_slice %arg3[%dma_start3A_1145, %dma_start3A_1146] : memref<100000x128xf32, #tpu.memory_space<hbm>> -> memref<100000x128xf32, #tpu.memory_space<hbm>>
    tpu.enqueue_indirect_dma source(%dma_start3A_1147 : memref<100000x128xf32, #tpu.memory_space<hbm>>) target(%dma_start3A_1141 : memref<128x128xf32, #tpu.memory_space<vmem>>) offsets(%dma_start3A_1144 : memref<128xi32, #tpu.memory_space<vmem>>) semaphore(%arg16 : memref<!tpu.dma_semaphore, #tpu.memory_space<semaphore_mem>>)
    %dma_wait3A_1148 = arith.constant 5 : i32
    %dma_wait3A_1149 = arith.constant 5 : i32
    %dma_wait3A_1150 = arith.constant 0 : i32
    %dma_wait3A_1151 = arith.constant 0 : i32
    %dma_wait3A_1152 = tpu.memref_slice %arg6[%dma_wait3A_1149, %dma_wait3A_1150, %dma_wait3A_1151] : memref<7x128x128xf32, #tpu.memory_space<vmem>> -> memref<1x128x128xf32, #tpu.memory_space<vmem>>
    %dma_wait3A_1153 = tpu.memref_squeeze %dma_wait3A_1152 : memref<1x128x128xf32, #tpu.memory_space<vmem>> -> memref<128x128xf32, #tpu.memory_space<vmem>>
    %dma_wait3A_1154 = arith.constant 0 : i32
    %dma_wait3A_1155 = tpu.memref_slice %arg5[%dma_wait3A_1148, %dma_wait3A_1154] : memref<7x128xi32, #tpu.memory_space<vmem>> -> memref<1x128xi32, #tpu.memory_space<vmem>>
    %dma_wait3A_1156 = tpu.memref_squeeze %dma_wait3A_1155 : memref<1x128xi32, #tpu.memory_space<vmem>> -> memref<128xi32, #tpu.memory_space<vmem>>
    %dma_wait3A_1157 = arith.constant 0 : i32
    %dma_wait3A_1158 = arith.constant 0 : i32
    %dma_wait3A_1159 = tpu.memref_slice %arg3[%dma_wait3A_1157, %dma_wait3A_1158] : memref<100000x128xf32, #tpu.memory_space<hbm>> -> memref<100000x128xf32, #tpu.memory_space<hbm>>
    tpu.wait_indirect_dma semaphore(%arg19 : memref<!tpu.dma_semaphore, #tpu.memory_space<semaphore_mem>>) src(%dma_wait3A_1159 : memref<100000x128xf32, #tpu.memory_space<hbm>>) dst(%dma_wait3A_1153 : memref<128x128xf32, #tpu.memory_space<vmem>>)
    %add3A_1160 = arith.constant 194 : i32
    %add3A_1161 = arith.addi %mul3A_2, %add3A_1160 : i32
    %mul3A_1162 = arith.constant 128 : i32
    %mul3A_1163 = arith.muli %add3A_1161, %mul3A_1162 : i32
    %dma_start3A_1164 = arith.constant 5 : i32
    %dma_start3A_1165 = arith.constant 0 : i32
    %dma_start3A_1166 = arith.constant 0 : i32
    %dma_start3A_1167 = tpu.memref_slice %arg6[%dma_start3A_1164, %dma_start3A_1165, %dma_start3A_1166] : memref<7x128x128xf32, #tpu.memory_space<vmem>> -> memref<1x128x128xf32, #tpu.memory_space<vmem>>
    %dma_start3A_1168 = tpu.memref_squeeze %dma_start3A_1167 : memref<1x128x128xf32, #tpu.memory_space<vmem>> -> memref<128x128xf32, #tpu.memory_space<vmem>>
    %dma_start3A_1169 = arith.constant 0 : i32
    %dma_start3A_1170 = tpu.memref_slice %arg4[%mul3A_1163, %dma_start3A_1169] : memref<819200x128xf32, #tpu.memory_space<hbm>> -> memref<128x128xf32, #tpu.memory_space<hbm>>
    %dma_start3A_1171 = arith.constant 0 : i32
    %dma_start3A_1172 = tpu.memref_slice %arg4[%mul3A_1163, %dma_start3A_1171] : memref<819200x128xf32, #tpu.memory_space<hbm>> -> memref<128x128xf32, #tpu.memory_space<hbm>>
    %dma_start3A_1173 = arith.constant 0 : i32
    %dma_start3A_1174 = arith.constant 0 : i32
    %dma_start3A_1175 = tpu.memref_slice %arg6[%dma_start3A_1164, %dma_start3A_1173, %dma_start3A_1174] : memref<7x128x128xf32, #tpu.memory_space<vmem>> -> memref<1x128x128xf32, #tpu.memory_space<vmem>>
    %dma_start3A_1176 = tpu.memref_squeeze %dma_start3A_1175 : memref<1x128x128xf32, #tpu.memory_space<vmem>> -> memref<128x128xf32, #tpu.memory_space<vmem>>
    tpu.enqueue_dma source(%dma_start3A_1176 : memref<128x128xf32, #tpu.memory_space<vmem>>) target(%dma_start3A_1172 : memref<128x128xf32, #tpu.memory_space<hbm>>) target_semaphore(%arg26 : memref<!tpu.dma_semaphore, #tpu.memory_space<semaphore_mem>>)
    %add3A_1177 = arith.constant 192 : i32
    %add3A_1178 = arith.addi %mul3A_2, %add3A_1177 : i32
    %mul3A_1179 = arith.constant 128 : i32
    %mul3A_1180 = arith.muli %add3A_1178, %mul3A_1179 : i32
    %dma_wait3A_1181 = arith.constant 3 : i32
    %dma_wait3A_1182 = arith.constant 0 : i32
    %dma_wait3A_1183 = arith.constant 0 : i32
    %dma_wait3A_1184 = tpu.memref_slice %arg6[%dma_wait3A_1181, %dma_wait3A_1182, %dma_wait3A_1183] : memref<7x128x128xf32, #tpu.memory_space<vmem>> -> memref<1x128x128xf32, #tpu.memory_space<vmem>>
    %dma_wait3A_1185 = tpu.memref_squeeze %dma_wait3A_1184 : memref<1x128x128xf32, #tpu.memory_space<vmem>> -> memref<128x128xf32, #tpu.memory_space<vmem>>
    %dma_wait3A_1186 = arith.constant 0 : i32
    %dma_wait3A_1187 = tpu.memref_slice %arg4[%mul3A_1180, %dma_wait3A_1186] : memref<819200x128xf32, #tpu.memory_space<hbm>> -> memref<128x128xf32, #tpu.memory_space<hbm>>
    %dma_wait3A_1188 = arith.constant 0 : i32
    %dma_wait3A_1189 = tpu.memref_slice %arg4[%mul3A_1180, %dma_wait3A_1188] : memref<819200x128xf32, #tpu.memory_space<hbm>> -> memref<128x128xf32, #tpu.memory_space<hbm>>
    %dma_wait3A_1190 = arith.constant 0 : i32
    %dma_wait3A_1191 = arith.constant 0 : i32
    %dma_wait3A_1192 = tpu.memref_slice %arg6[%dma_wait3A_1181, %dma_wait3A_1190, %dma_wait3A_1191] : memref<7x128x128xf32, #tpu.memory_space<vmem>> -> memref<1x128x128xf32, #tpu.memory_space<vmem>>
    %dma_wait3A_1193 = tpu.memref_squeeze %dma_wait3A_1192 : memref<1x128x128xf32, #tpu.memory_space<vmem>> -> memref<128x128xf32, #tpu.memory_space<vmem>>
    tpu.wait_dma2 semaphore(%arg24 : memref<!tpu.dma_semaphore, #tpu.memory_space<semaphore_mem>>) src(%dma_wait3A_1193 : memref<128x128xf32, #tpu.memory_space<vmem>>) dst(%dma_wait3A_1189 : memref<128x128xf32, #tpu.memory_space<hbm>>)
    %add3A_1194 = arith.constant 199 : i32
    %add3A_1195 = arith.addi %mul3A_2, %add3A_1194 : i32
    %dma_wait3A_1196 = arith.constant 3 : i32
    %dma_wait3A_1197 = arith.constant 0 : i32
    %dma_wait3A_1198 = tpu.memref_slice %arg5[%dma_wait3A_1196, %dma_wait3A_1197] : memref<7x128xi32, #tpu.memory_space<vmem>> -> memref<1x128xi32, #tpu.memory_space<vmem>>
    %dma_wait3A_1199 = arith.constant 0 : i32
    %dma_wait3A_1200 = tpu.memref_slice %arg2[%add3A_1195, %dma_wait3A_1199] : memref<6400x128xi32, #tpu.memory_space<hbm>> -> memref<1x128xi32, #tpu.memory_space<hbm>>
    %dma_wait3A_1201 = arith.constant 3 : i32
    %dma_wait3A_1202 = arith.constant 0 : i32
    %dma_wait3A_1203 = tpu.memref_slice %arg5[%dma_wait3A_1201, %dma_wait3A_1202] : memref<7x128xi32, #tpu.memory_space<vmem>> -> memref<1x128xi32, #tpu.memory_space<vmem>>
    %dma_wait3A_1204 = arith.constant 0 : i32
    %dma_wait3A_1205 = tpu.memref_slice %arg2[%add3A_1195, %dma_wait3A_1204] : memref<6400x128xi32, #tpu.memory_space<hbm>> -> memref<1x128xi32, #tpu.memory_space<hbm>>
    tpu.wait_dma2 semaphore(%arg10 : memref<!tpu.dma_semaphore, #tpu.memory_space<semaphore_mem>>) src(%dma_wait3A_1205 : memref<1x128xi32, #tpu.memory_space<hbm>>) dst(%dma_wait3A_1203 : memref<1x128xi32, #tpu.memory_space<vmem>>)
    %dma_start3A_1206 = arith.constant 3 : i32
    %dma_start3A_1207 = arith.constant 3 : i32
    %dma_start3A_1208 = arith.constant 0 : i32
    %dma_start3A_1209 = arith.constant 0 : i32
    %dma_start3A_1210 = tpu.memref_slice %arg6[%dma_start3A_1207, %dma_start3A_1208, %dma_start3A_1209] : memref<7x128x128xf32, #tpu.memory_space<vmem>> -> memref<1x128x128xf32, #tpu.memory_space<vmem>>
    %dma_start3A_1211 = tpu.memref_squeeze %dma_start3A_1210 : memref<1x128x128xf32, #tpu.memory_space<vmem>> -> memref<128x128xf32, #tpu.memory_space<vmem>>
    %dma_start3A_1212 = arith.constant 0 : i32
    %dma_start3A_1213 = tpu.memref_slice %arg5[%dma_start3A_1206, %dma_start3A_1212] : memref<7x128xi32, #tpu.memory_space<vmem>> -> memref<1x128xi32, #tpu.memory_space<vmem>>
    %dma_start3A_1214 = tpu.memref_squeeze %dma_start3A_1213 : memref<1x128xi32, #tpu.memory_space<vmem>> -> memref<128xi32, #tpu.memory_space<vmem>>
    %dma_start3A_1215 = arith.constant 0 : i32
    %dma_start3A_1216 = arith.constant 0 : i32
    %dma_start3A_1217 = tpu.memref_slice %arg3[%dma_start3A_1215, %dma_start3A_1216] : memref<100000x128xf32, #tpu.memory_space<hbm>> -> memref<100000x128xf32, #tpu.memory_space<hbm>>
    tpu.enqueue_indirect_dma source(%dma_start3A_1217 : memref<100000x128xf32, #tpu.memory_space<hbm>>) target(%dma_start3A_1211 : memref<128x128xf32, #tpu.memory_space<vmem>>) offsets(%dma_start3A_1214 : memref<128xi32, #tpu.memory_space<vmem>>) semaphore(%arg17 : memref<!tpu.dma_semaphore, #tpu.memory_space<semaphore_mem>>)
    %dma_wait3A_1218 = arith.constant 6 : i32
    %dma_wait3A_1219 = arith.constant 6 : i32
    %dma_wait3A_1220 = arith.constant 0 : i32
    %dma_wait3A_1221 = arith.constant 0 : i32
    %dma_wait3A_1222 = tpu.memref_slice %arg6[%dma_wait3A_1219, %dma_wait3A_1220, %dma_wait3A_1221] : memref<7x128x128xf32, #tpu.memory_space<vmem>> -> memref<1x128x128xf32, #tpu.memory_space<vmem>>
    %dma_wait3A_1223 = tpu.memref_squeeze %dma_wait3A_1222 : memref<1x128x128xf32, #tpu.memory_space<vmem>> -> memref<128x128xf32, #tpu.memory_space<vmem>>
    %dma_wait3A_1224 = arith.constant 0 : i32
    %dma_wait3A_1225 = tpu.memref_slice %arg5[%dma_wait3A_1218, %dma_wait3A_1224] : memref<7x128xi32, #tpu.memory_space<vmem>> -> memref<1x128xi32, #tpu.memory_space<vmem>>
    %dma_wait3A_1226 = tpu.memref_squeeze %dma_wait3A_1225 : memref<1x128xi32, #tpu.memory_space<vmem>> -> memref<128xi32, #tpu.memory_space<vmem>>
    %dma_wait3A_1227 = arith.constant 0 : i32
    %dma_wait3A_1228 = arith.constant 0 : i32
    %dma_wait3A_1229 = tpu.memref_slice %arg3[%dma_wait3A_1227, %dma_wait3A_1228] : memref<100000x128xf32, #tpu.memory_space<hbm>> -> memref<100000x128xf32, #tpu.memory_space<hbm>>
    tpu.wait_indirect_dma semaphore(%arg20 : memref<!tpu.dma_semaphore, #tpu.memory_space<semaphore_mem>>) src(%dma_wait3A_1229 : memref<100000x128xf32, #tpu.memory_space<hbm>>) dst(%dma_wait3A_1223 : memref<128x128xf32, #tpu.memory_space<vmem>>)
    %add3A_1230 = arith.constant 195 : i32
    %add3A_1231 = arith.addi %mul3A_2, %add3A_1230 : i32
    %mul3A_1232 = arith.constant 128 : i32
    %mul3A_1233 = arith.muli %add3A_1231, %mul3A_1232 : i32
    %dma_start3A_1234 = arith.constant 6 : i32
    %dma_start3A_1235 = arith.constant 0 : i32
    %dma_start3A_1236 = arith.constant 0 : i32
    %dma_start3A_1237 = tpu.memref_slice %arg6[%dma_start3A_1234, %dma_start3A_1235, %dma_start3A_1236] : memref<7x128x128xf32, #tpu.memory_space<vmem>> -> memref<1x128x128xf32, #tpu.memory_space<vmem>>
    %dma_start3A_1238 = tpu.memref_squeeze %dma_start3A_1237 : memref<1x128x128xf32, #tpu.memory_space<vmem>> -> memref<128x128xf32, #tpu.memory_space<vmem>>
    %dma_start3A_1239 = arith.constant 0 : i32
    %dma_start3A_1240 = tpu.memref_slice %arg4[%mul3A_1233, %dma_start3A_1239] : memref<819200x128xf32, #tpu.memory_space<hbm>> -> memref<128x128xf32, #tpu.memory_space<hbm>>
    %dma_start3A_1241 = arith.constant 0 : i32
    %dma_start3A_1242 = tpu.memref_slice %arg4[%mul3A_1233, %dma_start3A_1241] : memref<819200x128xf32, #tpu.memory_space<hbm>> -> memref<128x128xf32, #tpu.memory_space<hbm>>
    %dma_start3A_1243 = arith.constant 0 : i32
    %dma_start3A_1244 = arith.constant 0 : i32
    %dma_start3A_1245 = tpu.memref_slice %arg6[%dma_start3A_1234, %dma_start3A_1243, %dma_start3A_1244] : memref<7x128x128xf32, #tpu.memory_space<vmem>> -> memref<1x128x128xf32, #tpu.memory_space<vmem>>
    %dma_start3A_1246 = tpu.memref_squeeze %dma_start3A_1245 : memref<1x128x128xf32, #tpu.memory_space<vmem>> -> memref<128x128xf32, #tpu.memory_space<vmem>>
    tpu.enqueue_dma source(%dma_start3A_1246 : memref<128x128xf32, #tpu.memory_space<vmem>>) target(%dma_start3A_1242 : memref<128x128xf32, #tpu.memory_space<hbm>>) target_semaphore(%arg27 : memref<!tpu.dma_semaphore, #tpu.memory_space<semaphore_mem>>)
    %dma_wait3A_1247 = arith.constant 0 : i32
    %dma_wait3A_1248 = arith.constant 0 : i32
    %dma_wait3A_1249 = arith.constant 0 : i32
    %dma_wait3A_1250 = arith.constant 0 : i32
    %dma_wait3A_1251 = tpu.memref_slice %arg6[%dma_wait3A_1248, %dma_wait3A_1249, %dma_wait3A_1250] : memref<7x128x128xf32, #tpu.memory_space<vmem>> -> memref<1x128x128xf32, #tpu.memory_space<vmem>>
    %dma_wait3A_1252 = tpu.memref_squeeze %dma_wait3A_1251 : memref<1x128x128xf32, #tpu.memory_space<vmem>> -> memref<128x128xf32, #tpu.memory_space<vmem>>
    %dma_wait3A_1253 = arith.constant 0 : i32
    %dma_wait3A_1254 = tpu.memref_slice %arg5[%dma_wait3A_1247, %dma_wait3A_1253] : memref<7x128xi32, #tpu.memory_space<vmem>> -> memref<1x128xi32, #tpu.memory_space<vmem>>
    %dma_wait3A_1255 = tpu.memref_squeeze %dma_wait3A_1254 : memref<1x128xi32, #tpu.memory_space<vmem>> -> memref<128xi32, #tpu.memory_space<vmem>>
    %dma_wait3A_1256 = arith.constant 0 : i32
    %dma_wait3A_1257 = arith.constant 0 : i32
    %dma_wait3A_1258 = tpu.memref_slice %arg3[%dma_wait3A_1256, %dma_wait3A_1257] : memref<100000x128xf32, #tpu.memory_space<hbm>> -> memref<100000x128xf32, #tpu.memory_space<hbm>>
    tpu.wait_indirect_dma semaphore(%arg14 : memref<!tpu.dma_semaphore, #tpu.memory_space<semaphore_mem>>) src(%dma_wait3A_1258 : memref<100000x128xf32, #tpu.memory_space<hbm>>) dst(%dma_wait3A_1252 : memref<128x128xf32, #tpu.memory_space<vmem>>)
    %add3A_1259 = arith.constant 196 : i32
    %add3A_1260 = arith.addi %mul3A_2, %add3A_1259 : i32
    %mul3A_1261 = arith.constant 128 : i32
    %mul3A_1262 = arith.muli %add3A_1260, %mul3A_1261 : i32
    %dma_start3A_1263 = arith.constant 0 : i32
    %dma_start3A_1264 = arith.constant 0 : i32
    %dma_start3A_1265 = arith.constant 0 : i32
    %dma_start3A_1266 = tpu.memref_slice %arg6[%dma_start3A_1263, %dma_start3A_1264, %dma_start3A_1265] : memref<7x128x128xf32, #tpu.memory_space<vmem>> -> memref<1x128x128xf32, #tpu.memory_space<vmem>>
    %dma_start3A_1267 = tpu.memref_squeeze %dma_start3A_1266 : memref<1x128x128xf32, #tpu.memory_space<vmem>> -> memref<128x128xf32, #tpu.memory_space<vmem>>
    %dma_start3A_1268 = arith.constant 0 : i32
    %dma_start3A_1269 = tpu.memref_slice %arg4[%mul3A_1262, %dma_start3A_1268] : memref<819200x128xf32, #tpu.memory_space<hbm>> -> memref<128x128xf32, #tpu.memory_space<hbm>>
    %dma_start3A_1270 = arith.constant 0 : i32
    %dma_start3A_1271 = tpu.memref_slice %arg4[%mul3A_1262, %dma_start3A_1270] : memref<819200x128xf32, #tpu.memory_space<hbm>> -> memref<128x128xf32, #tpu.memory_space<hbm>>
    %dma_start3A_1272 = arith.constant 0 : i32
    %dma_start3A_1273 = arith.constant 0 : i32
    %dma_start3A_1274 = tpu.memref_slice %arg6[%dma_start3A_1263, %dma_start3A_1272, %dma_start3A_1273] : memref<7x128x128xf32, #tpu.memory_space<vmem>> -> memref<1x128x128xf32, #tpu.memory_space<vmem>>
    %dma_start3A_1275 = tpu.memref_squeeze %dma_start3A_1274 : memref<1x128x128xf32, #tpu.memory_space<vmem>> -> memref<128x128xf32, #tpu.memory_space<vmem>>
    tpu.enqueue_dma source(%dma_start3A_1275 : memref<128x128xf32, #tpu.memory_space<vmem>>) target(%dma_start3A_1271 : memref<128x128xf32, #tpu.memory_space<hbm>>) target_semaphore(%arg21 : memref<!tpu.dma_semaphore, #tpu.memory_space<semaphore_mem>>)
    %dma_wait3A_1276 = arith.constant 1 : i32
    %dma_wait3A_1277 = arith.constant 1 : i32
    %dma_wait3A_1278 = arith.constant 0 : i32
    %dma_wait3A_1279 = arith.constant 0 : i32
    %dma_wait3A_1280 = tpu.memref_slice %arg6[%dma_wait3A_1277, %dma_wait3A_1278, %dma_wait3A_1279] : memref<7x128x128xf32, #tpu.memory_space<vmem>> -> memref<1x128x128xf32, #tpu.memory_space<vmem>>
    %dma_wait3A_1281 = tpu.memref_squeeze %dma_wait3A_1280 : memref<1x128x128xf32, #tpu.memory_space<vmem>> -> memref<128x128xf32, #tpu.memory_space<vmem>>
    %dma_wait3A_1282 = arith.constant 0 : i32
    %dma_wait3A_1283 = tpu.memref_slice %arg5[%dma_wait3A_1276, %dma_wait3A_1282] : memref<7x128xi32, #tpu.memory_space<vmem>> -> memref<1x128xi32, #tpu.memory_space<vmem>>
    %dma_wait3A_1284 = tpu.memref_squeeze %dma_wait3A_1283 : memref<1x128xi32, #tpu.memory_space<vmem>> -> memref<128xi32, #tpu.memory_space<vmem>>
    %dma_wait3A_1285 = arith.constant 0 : i32
    %dma_wait3A_1286 = arith.constant 0 : i32
    %dma_wait3A_1287 = tpu.memref_slice %arg3[%dma_wait3A_1285, %dma_wait3A_1286] : memref<100000x128xf32, #tpu.memory_space<hbm>> -> memref<100000x128xf32, #tpu.memory_space<hbm>>
    tpu.wait_indirect_dma semaphore(%arg15 : memref<!tpu.dma_semaphore, #tpu.memory_space<semaphore_mem>>) src(%dma_wait3A_1287 : memref<100000x128xf32, #tpu.memory_space<hbm>>) dst(%dma_wait3A_1281 : memref<128x128xf32, #tpu.memory_space<vmem>>)
    %add3A_1288 = arith.constant 197 : i32
    %add3A_1289 = arith.addi %mul3A_2, %add3A_1288 : i32
    %mul3A_1290 = arith.constant 128 : i32
    %mul3A_1291 = arith.muli %add3A_1289, %mul3A_1290 : i32
    %dma_start3A_1292 = arith.constant 1 : i32
    %dma_start3A_1293 = arith.constant 0 : i32
    %dma_start3A_1294 = arith.constant 0 : i32
    %dma_start3A_1295 = tpu.memref_slice %arg6[%dma_start3A_1292, %dma_start3A_1293, %dma_start3A_1294] : memref<7x128x128xf32, #tpu.memory_space<vmem>> -> memref<1x128x128xf32, #tpu.memory_space<vmem>>
    %dma_start3A_1296 = tpu.memref_squeeze %dma_start3A_1295 : memref<1x128x128xf32, #tpu.memory_space<vmem>> -> memref<128x128xf32, #tpu.memory_space<vmem>>
    %dma_start3A_1297 = arith.constant 0 : i32
    %dma_start3A_1298 = tpu.memref_slice %arg4[%mul3A_1291, %dma_start3A_1297] : memref<819200x128xf32, #tpu.memory_space<hbm>> -> memref<128x128xf32, #tpu.memory_space<hbm>>
    %dma_start3A_1299 = arith.constant 0 : i32
    %dma_start3A_1300 = tpu.memref_slice %arg4[%mul3A_1291, %dma_start3A_1299] : memref<819200x128xf32, #tpu.memory_space<hbm>> -> memref<128x128xf32, #tpu.memory_space<hbm>>
    %dma_start3A_1301 = arith.constant 0 : i32
    %dma_start3A_1302 = arith.constant 0 : i32
    %dma_start3A_1303 = tpu.memref_slice %arg6[%dma_start3A_1292, %dma_start3A_1301, %dma_start3A_1302] : memref<7x128x128xf32, #tpu.memory_space<vmem>> -> memref<1x128x128xf32, #tpu.memory_space<vmem>>
    %dma_start3A_1304 = tpu.memref_squeeze %dma_start3A_1303 : memref<1x128x128xf32, #tpu.memory_space<vmem>> -> memref<128x128xf32, #tpu.memory_space<vmem>>
    tpu.enqueue_dma source(%dma_start3A_1304 : memref<128x128xf32, #tpu.memory_space<vmem>>) target(%dma_start3A_1300 : memref<128x128xf32, #tpu.memory_space<hbm>>) target_semaphore(%arg22 : memref<!tpu.dma_semaphore, #tpu.memory_space<semaphore_mem>>)
    %dma_wait3A_1305 = arith.constant 2 : i32
    %dma_wait3A_1306 = arith.constant 2 : i32
    %dma_wait3A_1307 = arith.constant 0 : i32
    %dma_wait3A_1308 = arith.constant 0 : i32
    %dma_wait3A_1309 = tpu.memref_slice %arg6[%dma_wait3A_1306, %dma_wait3A_1307, %dma_wait3A_1308] : memref<7x128x128xf32, #tpu.memory_space<vmem>> -> memref<1x128x128xf32, #tpu.memory_space<vmem>>
    %dma_wait3A_1310 = tpu.memref_squeeze %dma_wait3A_1309 : memref<1x128x128xf32, #tpu.memory_space<vmem>> -> memref<128x128xf32, #tpu.memory_space<vmem>>
    %dma_wait3A_1311 = arith.constant 0 : i32
    %dma_wait3A_1312 = tpu.memref_slice %arg5[%dma_wait3A_1305, %dma_wait3A_1311] : memref<7x128xi32, #tpu.memory_space<vmem>> -> memref<1x128xi32, #tpu.memory_space<vmem>>
    %dma_wait3A_1313 = tpu.memref_squeeze %dma_wait3A_1312 : memref<1x128xi32, #tpu.memory_space<vmem>> -> memref<128xi32, #tpu.memory_space<vmem>>
    %dma_wait3A_1314 = arith.constant 0 : i32
    %dma_wait3A_1315 = arith.constant 0 : i32
    %dma_wait3A_1316 = tpu.memref_slice %arg3[%dma_wait3A_1314, %dma_wait3A_1315] : memref<100000x128xf32, #tpu.memory_space<hbm>> -> memref<100000x128xf32, #tpu.memory_space<hbm>>
    tpu.wait_indirect_dma semaphore(%arg16 : memref<!tpu.dma_semaphore, #tpu.memory_space<semaphore_mem>>) src(%dma_wait3A_1316 : memref<100000x128xf32, #tpu.memory_space<hbm>>) dst(%dma_wait3A_1310 : memref<128x128xf32, #tpu.memory_space<vmem>>)
    %add3A_1317 = arith.constant 198 : i32
    %add3A_1318 = arith.addi %mul3A_2, %add3A_1317 : i32
    %mul3A_1319 = arith.constant 128 : i32
    %mul3A_1320 = arith.muli %add3A_1318, %mul3A_1319 : i32
    %dma_start3A_1321 = arith.constant 2 : i32
    %dma_start3A_1322 = arith.constant 0 : i32
    %dma_start3A_1323 = arith.constant 0 : i32
    %dma_start3A_1324 = tpu.memref_slice %arg6[%dma_start3A_1321, %dma_start3A_1322, %dma_start3A_1323] : memref<7x128x128xf32, #tpu.memory_space<vmem>> -> memref<1x128x128xf32, #tpu.memory_space<vmem>>
    %dma_start3A_1325 = tpu.memref_squeeze %dma_start3A_1324 : memref<1x128x128xf32, #tpu.memory_space<vmem>> -> memref<128x128xf32, #tpu.memory_space<vmem>>
    %dma_start3A_1326 = arith.constant 0 : i32
    %dma_start3A_1327 = tpu.memref_slice %arg4[%mul3A_1320, %dma_start3A_1326] : memref<819200x128xf32, #tpu.memory_space<hbm>> -> memref<128x128xf32, #tpu.memory_space<hbm>>
    %dma_start3A_1328 = arith.constant 0 : i32
    %dma_start3A_1329 = tpu.memref_slice %arg4[%mul3A_1320, %dma_start3A_1328] : memref<819200x128xf32, #tpu.memory_space<hbm>> -> memref<128x128xf32, #tpu.memory_space<hbm>>
    %dma_start3A_1330 = arith.constant 0 : i32
    %dma_start3A_1331 = arith.constant 0 : i32
    %dma_start3A_1332 = tpu.memref_slice %arg6[%dma_start3A_1321, %dma_start3A_1330, %dma_start3A_1331] : memref<7x128x128xf32, #tpu.memory_space<vmem>> -> memref<1x128x128xf32, #tpu.memory_space<vmem>>
    %dma_start3A_1333 = tpu.memref_squeeze %dma_start3A_1332 : memref<1x128x128xf32, #tpu.memory_space<vmem>> -> memref<128x128xf32, #tpu.memory_space<vmem>>
    tpu.enqueue_dma source(%dma_start3A_1333 : memref<128x128xf32, #tpu.memory_space<vmem>>) target(%dma_start3A_1329 : memref<128x128xf32, #tpu.memory_space<hbm>>) target_semaphore(%arg23 : memref<!tpu.dma_semaphore, #tpu.memory_space<semaphore_mem>>)
    %dma_wait3A_1334 = arith.constant 3 : i32
    %dma_wait3A_1335 = arith.constant 3 : i32
    %dma_wait3A_1336 = arith.constant 0 : i32
    %dma_wait3A_1337 = arith.constant 0 : i32
    %dma_wait3A_1338 = tpu.memref_slice %arg6[%dma_wait3A_1335, %dma_wait3A_1336, %dma_wait3A_1337] : memref<7x128x128xf32, #tpu.memory_space<vmem>> -> memref<1x128x128xf32, #tpu.memory_space<vmem>>
    %dma_wait3A_1339 = tpu.memref_squeeze %dma_wait3A_1338 : memref<1x128x128xf32, #tpu.memory_space<vmem>> -> memref<128x128xf32, #tpu.memory_space<vmem>>
    %dma_wait3A_1340 = arith.constant 0 : i32
    %dma_wait3A_1341 = tpu.memref_slice %arg5[%dma_wait3A_1334, %dma_wait3A_1340] : memref<7x128xi32, #tpu.memory_space<vmem>> -> memref<1x128xi32, #tpu.memory_space<vmem>>
    %dma_wait3A_1342 = tpu.memref_squeeze %dma_wait3A_1341 : memref<1x128xi32, #tpu.memory_space<vmem>> -> memref<128xi32, #tpu.memory_space<vmem>>
    %dma_wait3A_1343 = arith.constant 0 : i32
    %dma_wait3A_1344 = arith.constant 0 : i32
    %dma_wait3A_1345 = tpu.memref_slice %arg3[%dma_wait3A_1343, %dma_wait3A_1344] : memref<100000x128xf32, #tpu.memory_space<hbm>> -> memref<100000x128xf32, #tpu.memory_space<hbm>>
    tpu.wait_indirect_dma semaphore(%arg17 : memref<!tpu.dma_semaphore, #tpu.memory_space<semaphore_mem>>) src(%dma_wait3A_1345 : memref<100000x128xf32, #tpu.memory_space<hbm>>) dst(%dma_wait3A_1339 : memref<128x128xf32, #tpu.memory_space<vmem>>)
    %add3A_1346 = arith.constant 199 : i32
    %add3A_1347 = arith.addi %mul3A_2, %add3A_1346 : i32
    %mul3A_1348 = arith.constant 128 : i32
    %mul3A_1349 = arith.muli %add3A_1347, %mul3A_1348 : i32
    %dma_start3A_1350 = arith.constant 3 : i32
    %dma_start3A_1351 = arith.constant 0 : i32
    %dma_start3A_1352 = arith.constant 0 : i32
    %dma_start3A_1353 = tpu.memref_slice %arg6[%dma_start3A_1350, %dma_start3A_1351, %dma_start3A_1352] : memref<7x128x128xf32, #tpu.memory_space<vmem>> -> memref<1x128x128xf32, #tpu.memory_space<vmem>>
    %dma_start3A_1354 = tpu.memref_squeeze %dma_start3A_1353 : memref<1x128x128xf32, #tpu.memory_space<vmem>> -> memref<128x128xf32, #tpu.memory_space<vmem>>
    %dma_start3A_1355 = arith.constant 0 : i32
    %dma_start3A_1356 = tpu.memref_slice %arg4[%mul3A_1349, %dma_start3A_1355] : memref<819200x128xf32, #tpu.memory_space<hbm>> -> memref<128x128xf32, #tpu.memory_space<hbm>>
    %dma_start3A_1357 = arith.constant 0 : i32
    %dma_start3A_1358 = tpu.memref_slice %arg4[%mul3A_1349, %dma_start3A_1357] : memref<819200x128xf32, #tpu.memory_space<hbm>> -> memref<128x128xf32, #tpu.memory_space<hbm>>
    %dma_start3A_1359 = arith.constant 0 : i32
    %dma_start3A_1360 = arith.constant 0 : i32
    %dma_start3A_1361 = tpu.memref_slice %arg6[%dma_start3A_1350, %dma_start3A_1359, %dma_start3A_1360] : memref<7x128x128xf32, #tpu.memory_space<vmem>> -> memref<1x128x128xf32, #tpu.memory_space<vmem>>
    %dma_start3A_1362 = tpu.memref_squeeze %dma_start3A_1361 : memref<1x128x128xf32, #tpu.memory_space<vmem>> -> memref<128x128xf32, #tpu.memory_space<vmem>>
    tpu.enqueue_dma source(%dma_start3A_1362 : memref<128x128xf32, #tpu.memory_space<vmem>>) target(%dma_start3A_1358 : memref<128x128xf32, #tpu.memory_space<hbm>>) target_semaphore(%arg24 : memref<!tpu.dma_semaphore, #tpu.memory_space<semaphore_mem>>)
    %add3A_1363 = arith.constant 193 : i32
    %add3A_1364 = arith.addi %mul3A_2, %add3A_1363 : i32
    %mul3A_1365 = arith.constant 128 : i32
    %mul3A_1366 = arith.muli %add3A_1364, %mul3A_1365 : i32
    %dma_wait3A_1367 = arith.constant 4 : i32
    %dma_wait3A_1368 = arith.constant 0 : i32
    %dma_wait3A_1369 = arith.constant 0 : i32
    %dma_wait3A_1370 = tpu.memref_slice %arg6[%dma_wait3A_1367, %dma_wait3A_1368, %dma_wait3A_1369] : memref<7x128x128xf32, #tpu.memory_space<vmem>> -> memref<1x128x128xf32, #tpu.memory_space<vmem>>
    %dma_wait3A_1371 = tpu.memref_squeeze %dma_wait3A_1370 : memref<1x128x128xf32, #tpu.memory_space<vmem>> -> memref<128x128xf32, #tpu.memory_space<vmem>>
    %dma_wait3A_1372 = arith.constant 0 : i32
    %dma_wait3A_1373 = tpu.memref_slice %arg4[%mul3A_1366, %dma_wait3A_1372] : memref<819200x128xf32, #tpu.memory_space<hbm>> -> memref<128x128xf32, #tpu.memory_space<hbm>>
    %dma_wait3A_1374 = arith.constant 0 : i32
    %dma_wait3A_1375 = tpu.memref_slice %arg4[%mul3A_1366, %dma_wait3A_1374] : memref<819200x128xf32, #tpu.memory_space<hbm>> -> memref<128x128xf32, #tpu.memory_space<hbm>>
    %dma_wait3A_1376 = arith.constant 0 : i32
    %dma_wait3A_1377 = arith.constant 0 : i32
    %dma_wait3A_1378 = tpu.memref_slice %arg6[%dma_wait3A_1367, %dma_wait3A_1376, %dma_wait3A_1377] : memref<7x128x128xf32, #tpu.memory_space<vmem>> -> memref<1x128x128xf32, #tpu.memory_space<vmem>>
    %dma_wait3A_1379 = tpu.memref_squeeze %dma_wait3A_1378 : memref<1x128x128xf32, #tpu.memory_space<vmem>> -> memref<128x128xf32, #tpu.memory_space<vmem>>
    tpu.wait_dma2 semaphore(%arg25 : memref<!tpu.dma_semaphore, #tpu.memory_space<semaphore_mem>>) src(%dma_wait3A_1379 : memref<128x128xf32, #tpu.memory_space<vmem>>) dst(%dma_wait3A_1375 : memref<128x128xf32, #tpu.memory_space<hbm>>)
    %add3A_1380 = arith.constant 194 : i32
    %add3A_1381 = arith.addi %mul3A_2, %add3A_1380 : i32
    %mul3A_1382 = arith.constant 128 : i32
    %mul3A_1383 = arith.muli %add3A_1381, %mul3A_1382 : i32
    %dma_wait3A_1384 = arith.constant 5 : i32
    %dma_wait3A_1385 = arith.constant 0 : i32
    %dma_wait3A_1386 = arith.constant 0 : i32
    %dma_wait3A_1387 = tpu.memref_slice %arg6[%dma_wait3A_1384, %dma_wait3A_1385, %dma_wait3A_1386] : memref<7x128x128xf32, #tpu.memory_space<vmem>> -> memref<1x128x128xf32, #tpu.memory_space<vmem>>
    %dma_wait3A_1388 = tpu.memref_squeeze %dma_wait3A_1387 : memref<1x128x128xf32, #tpu.memory_space<vmem>> -> memref<128x128xf32, #tpu.memory_space<vmem>>
    %dma_wait3A_1389 = arith.constant 0 : i32
    %dma_wait3A_1390 = tpu.memref_slice %arg4[%mul3A_1383, %dma_wait3A_1389] : memref<819200x128xf32, #tpu.memory_space<hbm>> -> memref<128x128xf32, #tpu.memory_space<hbm>>
    %dma_wait3A_1391 = arith.constant 0 : i32
    %dma_wait3A_1392 = tpu.memref_slice %arg4[%mul3A_1383, %dma_wait3A_1391] : memref<819200x128xf32, #tpu.memory_space<hbm>> -> memref<128x128xf32, #tpu.memory_space<hbm>>
    %dma_wait3A_1393 = arith.constant 0 : i32
    %dma_wait3A_1394 = arith.constant 0 : i32
    %dma_wait3A_1395 = tpu.memref_slice %arg6[%dma_wait3A_1384, %dma_wait3A_1393, %dma_wait3A_1394] : memref<7x128x128xf32, #tpu.memory_space<vmem>> -> memref<1x128x128xf32, #tpu.memory_space<vmem>>
    %dma_wait3A_1396 = tpu.memref_squeeze %dma_wait3A_1395 : memref<1x128x128xf32, #tpu.memory_space<vmem>> -> memref<128x128xf32, #tpu.memory_space<vmem>>
    tpu.wait_dma2 semaphore(%arg26 : memref<!tpu.dma_semaphore, #tpu.memory_space<semaphore_mem>>) src(%dma_wait3A_1396 : memref<128x128xf32, #tpu.memory_space<vmem>>) dst(%dma_wait3A_1392 : memref<128x128xf32, #tpu.memory_space<hbm>>)
    %add3A_1397 = arith.constant 195 : i32
    %add3A_1398 = arith.addi %mul3A_2, %add3A_1397 : i32
    %mul3A_1399 = arith.constant 128 : i32
    %mul3A_1400 = arith.muli %add3A_1398, %mul3A_1399 : i32
    %dma_wait3A_1401 = arith.constant 6 : i32
    %dma_wait3A_1402 = arith.constant 0 : i32
    %dma_wait3A_1403 = arith.constant 0 : i32
    %dma_wait3A_1404 = tpu.memref_slice %arg6[%dma_wait3A_1401, %dma_wait3A_1402, %dma_wait3A_1403] : memref<7x128x128xf32, #tpu.memory_space<vmem>> -> memref<1x128x128xf32, #tpu.memory_space<vmem>>
    %dma_wait3A_1405 = tpu.memref_squeeze %dma_wait3A_1404 : memref<1x128x128xf32, #tpu.memory_space<vmem>> -> memref<128x128xf32, #tpu.memory_space<vmem>>
    %dma_wait3A_1406 = arith.constant 0 : i32
    %dma_wait3A_1407 = tpu.memref_slice %arg4[%mul3A_1400, %dma_wait3A_1406] : memref<819200x128xf32, #tpu.memory_space<hbm>> -> memref<128x128xf32, #tpu.memory_space<hbm>>
    %dma_wait3A_1408 = arith.constant 0 : i32
    %dma_wait3A_1409 = tpu.memref_slice %arg4[%mul3A_1400, %dma_wait3A_1408] : memref<819200x128xf32, #tpu.memory_space<hbm>> -> memref<128x128xf32, #tpu.memory_space<hbm>>
    %dma_wait3A_1410 = arith.constant 0 : i32
    %dma_wait3A_1411 = arith.constant 0 : i32
    %dma_wait3A_1412 = tpu.memref_slice %arg6[%dma_wait3A_1401, %dma_wait3A_1410, %dma_wait3A_1411] : memref<7x128x128xf32, #tpu.memory_space<vmem>> -> memref<1x128x128xf32, #tpu.memory_space<vmem>>
    %dma_wait3A_1413 = tpu.memref_squeeze %dma_wait3A_1412 : memref<1x128x128xf32, #tpu.memory_space<vmem>> -> memref<128x128xf32, #tpu.memory_space<vmem>>
    tpu.wait_dma2 semaphore(%arg27 : memref<!tpu.dma_semaphore, #tpu.memory_space<semaphore_mem>>) src(%dma_wait3A_1413 : memref<128x128xf32, #tpu.memory_space<vmem>>) dst(%dma_wait3A_1409 : memref<128x128xf32, #tpu.memory_space<hbm>>)
    %add3A_1414 = arith.constant 196 : i32
    %add3A_1415 = arith.addi %mul3A_2, %add3A_1414 : i32
    %mul3A_1416 = arith.constant 128 : i32
    %mul3A_1417 = arith.muli %add3A_1415, %mul3A_1416 : i32
    %dma_wait3A_1418 = arith.constant 0 : i32
    %dma_wait3A_1419 = arith.constant 0 : i32
    %dma_wait3A_1420 = arith.constant 0 : i32
    %dma_wait3A_1421 = tpu.memref_slice %arg6[%dma_wait3A_1418, %dma_wait3A_1419, %dma_wait3A_1420] : memref<7x128x128xf32, #tpu.memory_space<vmem>> -> memref<1x128x128xf32, #tpu.memory_space<vmem>>
    %dma_wait3A_1422 = tpu.memref_squeeze %dma_wait3A_1421 : memref<1x128x128xf32, #tpu.memory_space<vmem>> -> memref<128x128xf32, #tpu.memory_space<vmem>>
    %dma_wait3A_1423 = arith.constant 0 : i32
    %dma_wait3A_1424 = tpu.memref_slice %arg4[%mul3A_1417, %dma_wait3A_1423] : memref<819200x128xf32, #tpu.memory_space<hbm>> -> memref<128x128xf32, #tpu.memory_space<hbm>>
    %dma_wait3A_1425 = arith.constant 0 : i32
    %dma_wait3A_1426 = tpu.memref_slice %arg4[%mul3A_1417, %dma_wait3A_1425] : memref<819200x128xf32, #tpu.memory_space<hbm>> -> memref<128x128xf32, #tpu.memory_space<hbm>>
    %dma_wait3A_1427 = arith.constant 0 : i32
    %dma_wait3A_1428 = arith.constant 0 : i32
    %dma_wait3A_1429 = tpu.memref_slice %arg6[%dma_wait3A_1418, %dma_wait3A_1427, %dma_wait3A_1428] : memref<7x128x128xf32, #tpu.memory_space<vmem>> -> memref<1x128x128xf32, #tpu.memory_space<vmem>>
    %dma_wait3A_1430 = tpu.memref_squeeze %dma_wait3A_1429 : memref<1x128x128xf32, #tpu.memory_space<vmem>> -> memref<128x128xf32, #tpu.memory_space<vmem>>
    tpu.wait_dma2 semaphore(%arg21 : memref<!tpu.dma_semaphore, #tpu.memory_space<semaphore_mem>>) src(%dma_wait3A_1430 : memref<128x128xf32, #tpu.memory_space<vmem>>) dst(%dma_wait3A_1426 : memref<128x128xf32, #tpu.memory_space<hbm>>)
    %add3A_1431 = arith.constant 197 : i32
    %add3A_1432 = arith.addi %mul3A_2, %add3A_1431 : i32
    %mul3A_1433 = arith.constant 128 : i32
    %mul3A_1434 = arith.muli %add3A_1432, %mul3A_1433 : i32
    %dma_wait3A_1435 = arith.constant 1 : i32
    %dma_wait3A_1436 = arith.constant 0 : i32
    %dma_wait3A_1437 = arith.constant 0 : i32
    %dma_wait3A_1438 = tpu.memref_slice %arg6[%dma_wait3A_1435, %dma_wait3A_1436, %dma_wait3A_1437] : memref<7x128x128xf32, #tpu.memory_space<vmem>> -> memref<1x128x128xf32, #tpu.memory_space<vmem>>
    %dma_wait3A_1439 = tpu.memref_squeeze %dma_wait3A_1438 : memref<1x128x128xf32, #tpu.memory_space<vmem>> -> memref<128x128xf32, #tpu.memory_space<vmem>>
    %dma_wait3A_1440 = arith.constant 0 : i32
    %dma_wait3A_1441 = tpu.memref_slice %arg4[%mul3A_1434, %dma_wait3A_1440] : memref<819200x128xf32, #tpu.memory_space<hbm>> -> memref<128x128xf32, #tpu.memory_space<hbm>>
    %dma_wait3A_1442 = arith.constant 0 : i32
    %dma_wait3A_1443 = tpu.memref_slice %arg4[%mul3A_1434, %dma_wait3A_1442] : memref<819200x128xf32, #tpu.memory_space<hbm>> -> memref<128x128xf32, #tpu.memory_space<hbm>>
    %dma_wait3A_1444 = arith.constant 0 : i32
    %dma_wait3A_1445 = arith.constant 0 : i32
    %dma_wait3A_1446 = tpu.memref_slice %arg6[%dma_wait3A_1435, %dma_wait3A_1444, %dma_wait3A_1445] : memref<7x128x128xf32, #tpu.memory_space<vmem>> -> memref<1x128x128xf32, #tpu.memory_space<vmem>>
    %dma_wait3A_1447 = tpu.memref_squeeze %dma_wait3A_1446 : memref<1x128x128xf32, #tpu.memory_space<vmem>> -> memref<128x128xf32, #tpu.memory_space<vmem>>
    tpu.wait_dma2 semaphore(%arg22 : memref<!tpu.dma_semaphore, #tpu.memory_space<semaphore_mem>>) src(%dma_wait3A_1447 : memref<128x128xf32, #tpu.memory_space<vmem>>) dst(%dma_wait3A_1443 : memref<128x128xf32, #tpu.memory_space<hbm>>)
    %add3A_1448 = arith.constant 198 : i32
    %add3A_1449 = arith.addi %mul3A_2, %add3A_1448 : i32
    %mul3A_1450 = arith.constant 128 : i32
    %mul3A_1451 = arith.muli %add3A_1449, %mul3A_1450 : i32
    %dma_wait3A_1452 = arith.constant 2 : i32
    %dma_wait3A_1453 = arith.constant 0 : i32
    %dma_wait3A_1454 = arith.constant 0 : i32
    %dma_wait3A_1455 = tpu.memref_slice %arg6[%dma_wait3A_1452, %dma_wait3A_1453, %dma_wait3A_1454] : memref<7x128x128xf32, #tpu.memory_space<vmem>> -> memref<1x128x128xf32, #tpu.memory_space<vmem>>
    %dma_wait3A_1456 = tpu.memref_squeeze %dma_wait3A_1455 : memref<1x128x128xf32, #tpu.memory_space<vmem>> -> memref<128x128xf32, #tpu.memory_space<vmem>>
    %dma_wait3A_1457 = arith.constant 0 : i32
    %dma_wait3A_1458 = tpu.memref_slice %arg4[%mul3A_1451, %dma_wait3A_1457] : memref<819200x128xf32, #tpu.memory_space<hbm>> -> memref<128x128xf32, #tpu.memory_space<hbm>>
    %dma_wait3A_1459 = arith.constant 0 : i32
    %dma_wait3A_1460 = tpu.memref_slice %arg4[%mul3A_1451, %dma_wait3A_1459] : memref<819200x128xf32, #tpu.memory_space<hbm>> -> memref<128x128xf32, #tpu.memory_space<hbm>>
    %dma_wait3A_1461 = arith.constant 0 : i32
    %dma_wait3A_1462 = arith.constant 0 : i32
    %dma_wait3A_1463 = tpu.memref_slice %arg6[%dma_wait3A_1452, %dma_wait3A_1461, %dma_wait3A_1462] : memref<7x128x128xf32, #tpu.memory_space<vmem>> -> memref<1x128x128xf32, #tpu.memory_space<vmem>>
    %dma_wait3A_1464 = tpu.memref_squeeze %dma_wait3A_1463 : memref<1x128x128xf32, #tpu.memory_space<vmem>> -> memref<128x128xf32, #tpu.memory_space<vmem>>
    tpu.wait_dma2 semaphore(%arg23 : memref<!tpu.dma_semaphore, #tpu.memory_space<semaphore_mem>>) src(%dma_wait3A_1464 : memref<128x128xf32, #tpu.memory_space<vmem>>) dst(%dma_wait3A_1460 : memref<128x128xf32, #tpu.memory_space<hbm>>)
    %add3A_1465 = arith.constant 199 : i32
    %add3A_1466 = arith.addi %mul3A_2, %add3A_1465 : i32
    %mul3A_1467 = arith.constant 128 : i32
    %mul3A_1468 = arith.muli %add3A_1466, %mul3A_1467 : i32
    %dma_wait3A_1469 = arith.constant 3 : i32
    %dma_wait3A_1470 = arith.constant 0 : i32
    %dma_wait3A_1471 = arith.constant 0 : i32
    %dma_wait3A_1472 = tpu.memref_slice %arg6[%dma_wait3A_1469, %dma_wait3A_1470, %dma_wait3A_1471] : memref<7x128x128xf32, #tpu.memory_space<vmem>> -> memref<1x128x128xf32, #tpu.memory_space<vmem>>
    %dma_wait3A_1473 = tpu.memref_squeeze %dma_wait3A_1472 : memref<1x128x128xf32, #tpu.memory_space<vmem>> -> memref<128x128xf32, #tpu.memory_space<vmem>>
    %dma_wait3A_1474 = arith.constant 0 : i32
    %dma_wait3A_1475 = tpu.memref_slice %arg4[%mul3A_1468, %dma_wait3A_1474] : memref<819200x128xf32, #tpu.memory_space<hbm>> -> memref<128x128xf32, #tpu.memory_space<hbm>>
    %dma_wait3A_1476 = arith.constant 0 : i32
    %dma_wait3A_1477 = tpu.memref_slice %arg4[%mul3A_1468, %dma_wait3A_1476] : memref<819200x128xf32, #tpu.memory_space<hbm>> -> memref<128x128xf32, #tpu.memory_space<hbm>>
    %dma_wait3A_1478 = arith.constant 0 : i32
    %dma_wait3A_1479 = arith.constant 0 : i32
    %dma_wait3A_1480 = tpu.memref_slice %arg6[%dma_wait3A_1469, %dma_wait3A_1478, %dma_wait3A_1479] : memref<7x128x128xf32, #tpu.memory_space<vmem>> -> memref<1x128x128xf32, #tpu.memory_space<vmem>>
    %dma_wait3A_1481 = tpu.memref_squeeze %dma_wait3A_1480 : memref<1x128x128xf32, #tpu.memory_space<vmem>> -> memref<128x128xf32, #tpu.memory_space<vmem>>
    tpu.wait_dma2 semaphore(%arg24 : memref<!tpu.dma_semaphore, #tpu.memory_space<semaphore_mem>>) src(%dma_wait3A_1481 : memref<128x128xf32, #tpu.memory_space<vmem>>) dst(%dma_wait3A_1477 : memref<128x128xf32, #tpu.memory_space<hbm>>)
    return
  }
}

</mosaic_0001>

<sc_bundles>
// kernel: kernel.3.cloned.1.call-start
scs
__scs_entry_jumppad:
0x0: {  	(pc) =	sbr.rel $0x88, $3  }
0x1: {  	(tag) =	ssettag $0x0;
	lr =	simm.s32 $0x1  }
0x2: {  	[smem:$0x3F9F] =	sst lr;
	_ =	strace $0xD0000000  }
0x3: {  	_ = 	snop  }
0x4: {  	_ = 	snop  }
0x5: {  	_ = 	snop  }
0x6: {  	_ = 	snop  }
0x7: {  	_ = 	snop  }
__scs_overlays_trampoline_lowered:
0x8: {  	[smem:$0x3FAE] =	sst s0  }
0x9: {  	[smem:$0x3FAF] =	sst s1  }
0xa: {  	[smem:$0x3FB0] =	sst s2  }
0xb: {  	[smem:$0x3FB1] =	sst s3  }
0xc: {  	[smem:$0x3FB2] =	sst s4  }
0xd: {  	[smem:$0x3FB3] =	sst s5  }
0xe: {  	[smem:$0x3FB4] =	sst s6  }
0xf: {  	[smem:$0x3FB5] =	sst s7  }
0x10: {  	[smem:$0x3FB6] =	sst s8  }
0x11: {  	[smem:$0x3FB7] =	sst s9;
	s0 =	simm.s32 @!p0 $0x0  }
0x12: {  	s1 =	sld [smem:$0x3F9D];
	s0 =	simm.s32 @p0 $0x1  }
0x13: {  	[smem:$0x3FB8] =	sst s0;
	s0 =	simm.s32 @!p1 $0x0  }
0x14: {  	s2 =	sld [smem:$0x3F9C];
	s0 =	simm.s32 @p1 $0x1  }
0x15: {  	[smem:$0x3FB9] =	sst s0;
	s0 =	simm.s32 @!p2 $0x0  }
0x16: {  	s3 =	sld [smem:$0x3FDB];
	s0 =	simm.s32 @p2 $0x1  }
0x17: {  	s4 =	simm.s32 $0x1BF5;
	[smem:$0x3FBB] =	sst s0  }
0x18: {  	s0 =	sld [smem:$0x3F9E];
	_ =	swait.ge [sflag:s4], $0x0  }
0x19: {  	s7 =	sld [smem:$0x3F9F]  }
0x1a: {  	s8 =	sadd.s32 $0xFFFFE003, lr  }
0x1b: {  	s9 =	sadd.s32 $0xFFFFFEF7, lr;
	s5 =	simm.s32 $0xFFFFFFFF;
	p2 =	slt.u32 s8, $0xFFFFF086  }
0x1c: {  	p1 =	slt.u32 s9, $0xF7A;
	s5 =	simm.s32 @!p2 $0x0  }
0x1d: {  	s5 =	simm.s32 @p1 $0x1;
	p0 =	seq.s32 s7, s2  }
0x1e: {  	s7 =	smul.u32 @!p0 $0xF7A, s2;
	p2 =	seq.s32 @!p0 s5, $0x0  }
0x1f: {  	s9 =	smul.u32 $0xF7A, s1;
	s8 =	simm.s32 @!p0 $0x1BF5;
	p2 =	por !p2, p0  }
0x20: {  	[sflag:s8] =	ssyncset.s32 @!p0 $0xFFFFF086;
	s6 =	sadd.s32 @!p0 s3, s7;
	s7 =	simm.s32 @!p0 $0x108  }
0x21: {  	s3 =	sadd.s32 s3, s9;
	s6 =	sadd.s32 @!p0 $0x88, s6;
	s7 =	simm.s32 @p2 $0x1082  }
0x22: {  	[simem:s7], [sflag:s8] =	dma.local @!p0 [hbm:s6], $0xF7A  }
0x23: {  	s9 =	sor.u32 $0xD0000000, s2;
	s6 =	simm.s32 $0x108;
	_ =	swait.ge @!p0 [sflag:s8], $0x0  }
0x24: {  	s3 =	sadd.s32 $0x88, s3;
	s6 =	simm.s32 @!p1 $0x1082;
	[sflag:s4] =	ssyncset.s32 $0xFFFFF086  }
0x25: {  	[simem:s6], [sflag:s4] =	dma.local [hbm:s3], $0xF7A  }
0x26: {  	[smem:$0x3F9F] =	sst s1;
	(tag) =	ssettag s2;
	_ =	strace s9  }
0x27: {  	s1 =	sld [smem:$0x3FAF]  }
0x28: {  	s2 =	sld [smem:$0x3FB0]  }
0x29: {  	s4 =	sld [smem:$0x3FB2]  }
0x2a: {  	p0 =	seq.s32 s5, $0x0;
	s5 =	sld [smem:$0x3FB3]  }
0x2b: {  	s6 =	sld [smem:$0x3FB4]  }
0x2c: {  	s7 =	sld [smem:$0x3FB5]  }
0x2d: {  	s3 =	simm.s32 $0x108;
	s8 =	sld [smem:$0x3FB6]  }
0x2e: {  	s3 =	simm.s32 @!p0 $0x1082;
	s9 =	sld [smem:$0x3FB7]  }
0x2f: {  	lr =	sadd.s32 s0, s3;
	s0 =	sld [smem:$0x3FAE]  }
0x30: {  	s3 =	sld [smem:$0x3FB1]  }
0x31: {  	[smem:$0x3FBA] =	sst s10  }
0x32: {  	s10 =	sld [smem:$0x3FB8];
	_ =	sdelay $0x3  }
0x33: {  	p0 =	seq.s32 s10, $0x1;
	s10 =	sld [smem:$0x3FBA];
	_ =	sdelay $0x3  }
0x34: {  	[smem:$0x3FBA] =	sst s10  }
0x35: {  	s10 =	sld [smem:$0x3FB9];
	_ =	sdelay $0x3  }
0x36: {  	p1 =	seq.s32 s10, $0x1;
	s10 =	sld [smem:$0x3FBA];
	_ =	sdelay $0x3  }
0x37: {  	[smem:$0x3FBA] =	sst s10  }
0x38: {  	s10 =	sld [smem:$0x3FBB]  }
0x39: {  	_ = 	snop;
	(pc) =	sbr.ind lr, $3  }
0x3a: {  	_ = 	snop  }
0x3b: {  	_ = 	snop  }
0x3c: {  	p2 =	seq.s32 s10, $0x1;
	s10 =	sld [smem:$0x3FBA]  }
0x3d: {  	_ =	shalt  }
0x3e: {  	_ =	shalt  }
0x3f: {  	_ =	shalt  }
0x40: {  	_ =	shalt  }
0x41: {  	_ =	shalt  }
0x42: {  	_ =	shalt  }
0x43: {  	_ =	shalt  }
0x44: {  	_ =	shalt  }
0x45: {  	_ =	shalt  }
0x46: {  	_ =	shalt  }
0x47: {  	_ =	shalt  }
0x48: {  	_ =	shalt  }
0x49: {  	_ =	shalt  }
0x4a: {  	_ =	shalt  }
0x4b: {  	_ =	shalt  }
0x4c: {  	_ =	shalt  }
0x4d: {  	_ =	shalt  }
0x4e: {  	_ =	shalt  }
0x4f: {  	_ =	shalt  }
0x50: {  	_ =	shalt  }
0x51: {  	_ =	shalt  }
0x52: {  	_ =	shalt  }
0x53: {  	_ =	shalt  }
0x54: {  	_ =	shalt  }
0x55: {  	_ =	shalt  }
0x56: {  	_ =	shalt  }
0x57: {  	_ =	shalt  }
0x58: {  	_ =	shalt  }
0x59: {  	_ =	shalt  }
0x5a: {  	_ =	shalt  }
0x5b: {  	_ =	shalt  }
0x5c: {  	_ =	shalt  }
0x5d: {  	_ =	shalt  }
0x5e: {  	_ =	shalt  }
0x5f: {  	_ =	shalt  }
0x60: {  	_ =	shalt  }
0x61: {  	_ =	shalt  }
0x62: {  	_ =	shalt  }
0x63: {  	_ =	shalt  }
0x64: {  	_ =	shalt  }
0x65: {  	_ =	shalt  }
0x66: {  	_ =	shalt  }
0x67: {  	_ =	shalt  }
0x68: {  	_ =	shalt  }
0x69: {  	_ =	shalt  }
0x6a: {  	_ =	shalt  }
0x6b: {  	_ =	shalt  }
0x6c: {  	_ =	shalt  }
0x6d: {  	_ =	shalt  }
0x6e: {  	_ =	shalt  }
0x6f: {  	_ =	shalt  }
0x70: {  	_ =	shalt  }
0x71: {  	_ =	shalt  }
0x72: {  	_ =	shalt  }
0x73: {  	_ =	shalt  }
0x74: {  	_ =	shalt  }
0x75: {  	_ =	shalt  }
0x76: {  	_ =	shalt  }
0x77: {  	_ =	shalt  }
0x78: {  	_ =	shalt  }
0x79: {  	_ =	shalt  }
0x7a: {  	_ =	shalt  }
0x7b: {  	_ =	shalt  }
0x7c: {  	_ =	shalt  }
0x7d: {  	_ =	shalt  }
0x7e: {  	_ =	shalt  }
0x7f: {  	_ =	shalt  }
0x80: {  	_ =	shalt  }
0x81: {  	_ =	shalt  }
0x82: {  	_ =	shalt  }
0x83: {  	_ =	shalt  }
0x84: {  	_ =	shalt  }
0x85: {  	_ =	shalt  }
0x86: {  	_ =	shalt  }
0x87: {  	_ =	shalt  }
.Lfunc_end0:
.L_simem_size_0:
called_computation_lowered:
.L_overlay_start_0:
0x88: {  	s2 =	sld [smem:$0x3FD9]  }
0x89: {  	s3 =	sld [smem:$0x3FFE];
	_ =	sdelay $0x1  }
0x8a: {  	s1 =	srdreg.scid  }
0x8b: {  	s0 =	sand.u32 $0x1, s1  }
0x8c: {  	s17 =	sshll.u32 s0, $0xA;
	s2 =	sadd.s32 s3, s2  }
0x8d: {  	s2 =	sadd.s32 s2, s17  }
0x8e: {  	[smem:$0x3FC6] =	sst s2  }
0x8f: {  	_ = 	snop  }
0x90: {  	s2 =	sld [smem:$0x3FC8]  }
0x91: {  	s18 =	sld [smem:$0x3FD0];
	(tm) =	ssettm $0x1  }
0x92: {  	s4 =	sld [smem:$0x3FFB];
	_ =	sdelay $0x3  }
0x93: {  	_ =	strace s4  }
0x94: {  	s4 =	sld [smem:$0x3FFC];
	_ =	sdelay $0x3  }
0x95: {  	_ =	strace s4  }
0x96: {  	s4 =	sld [smem:$0x3FFD];
	_ =	sdelay $0x3  }
0x97: {  	_ =	strace s4  }
0x98: {  	_ =	strace $0x8FFFFFFF  }
0x99: {  	s19 =	sld [smem:$0x3FDB];
	_ =	sdelay $0x1  }
0x9a: {  	s5 =	simm.s32 $_scs_section_size  }
0x9b: {  	s6 =	simm.s32 $_size__tile_overlayer_lowered;
	s7 =	simm.s32 $_tile_overlayer_lowered  }
0x9c: {  	s22 =	simm.s32 $0x1BFF;
	s21 =	sshll.u32 s7, $0x1;
	s4 =	sadd.s32 s5, s19  }
0x9d: {  	s8 =	simm.s32 $0x0;
	s20 =	sshll.u32 s6, $0x1;
	s6 =	sadd.s32 s21, s4  }
0x9e: {  	[timem:s8], [sflag:s22] =	dma.local [hbm:s6], s20  }
0x9f: {  	_ =	swait.ge [sflag:s22], s20  }
0xa0: {  	s5 =	ssub.s32 $0x0, s20;
	[sflag:s22] =	ssyncset.done $0x0  }
0xa1: {  	[sflag:s22] =	ssyncadd.s32 s5;
	_ =	sdelay $0x1  }
0xa2: {  	s23 =	simm.s32 $0x1B8B  }
0xa3: {  	_ =	swait.ge [sflag:s23], $0x1  }
0xa4: {  	[sflag:s23] =	ssyncset.done $0x0  }
0xa5: {  	s25 =	simm.s32 $0x1B8E;
	s24 =	sld [smem:$0x3FFE];
	[sflag:s23] =	ssyncadd.s32 $0xFFFFFFFF  }
0xa6: {  	s26 =	simm.s32 $execute0_lowered;
	[smem:$0x3FD2] =	sst s25  }
0xa7: {  	s6 =	sshll.u32 s26, $0x1;
	_ =	strace $0x80000046;
	[dreg:$0x1] =	wrdreg $0xFFFFFFFF  }
0xa8: {  	s28 =	simm.s32 $_size_execute0_lowered;
	s4 =	sadd.s32 s4, s6;
	[dreg:$0x0] =	wrdreg $0x0  }
0xa9: {  	s6 =	sshll.u32 s28, $0x1;
	[dreg:$0x2] =	wrdreg s4  }
0xaa: {  	[dreg:$0x3] =	wrdreg s6  }
0xab: {  	[dreg:$0x4] =	wrdreg $0xC0  }
0xac: {  	_ =	task [dreg:s8], $0x5FFFF  }
0xad: {  	[dreg:$0x1] =	wrdreg $0xFFFFFFFF  }
0xae: {  	[dreg:$0x0] =	wrdreg $0x60  }
0xaf: {  	[dreg:$0x2] =	wrdreg s24  }
0xb0: {  	[dreg:$0x3] =	wrdreg s2  }
0xb1: {  	[dreg:$0x4] =	wrdreg s18  }
0xb2: {  	[dreg:$0x5] =	wrdreg $0x9  }
0xb3: {  	_ =	task.clear_ibuf [dreg:s8], $0x6FFFF;
	_ =	strace $0x90000046  }
0xb4: {  	s29 =	simm.s32 $0x9;
	_ =	strace $0x80000048  }
0xb5: {  	_ =	swait.ge [sflag:s29], $0x1  }
0xb6: {  	[sflag:s29] =	ssyncadd.s32 $0xFFFFFFFF  }
0xb7: {  	_ =	strace $0x90000048  }
0xb8: {  	_ =	sfence  }
0xb9: {  	s30 =	sld [smem:$0x0];
	_ =	sdelay $0x2  }
0xba: {  	s31 =	sshll.u32 s1, $0xD;
	s1 =	sshrl.u32 s1, $0x2  }
0xbb: {  	s3 =	sand.u32 $0x4000, s31;
	s1 =	sadd.s32 s1, s30  }
0xbc: {  	s0 =	sor.u32 s3, s0;
	s1 =	sshll.u32 s1, $0x11  }
0xbd: {  	s0 =	sor.u32 s1, s0  }
0xbe: {  	s0 =	sadd.s32 $0x8F2B, s0  }
0xbf: {  	[sflag:s0] =	ssyncadd.remote.s32 $0x1  }
0xc0: {  	_ =	sfence.sel $0xFFFF  }
0xc1: {  	[dreg:$0x0] =	wrdreg $0xFFFFFFFF;
	(pc) =	sbr.abs _section_cstart, $3  }
0xc2: {  	[dreg:$0x1] =	wrdreg $0xFFFFFFFF  }
0xc3: {  	_ =	task.clear_ibuf [dreg:s8], $0x2FFFF;
	_ =	strace $0x9FFFFFFF  }
0xc4: {  	(tm) =	ssettm $0x7FFFFFFF  }
0xc5: {  	_ =	shalt  }
tec
execute0_lowered:
.L_overlay_start_1:
0x0: {  	(tag) =	ssettag $0x1  }
0x1: {  	s0 =	rddreg [dreg:$0x0]  }
0x2: {  	s2 =	rddreg [dreg:$0x1];
	s12 =	stileid.u32  }
0x3: {  	s1 =	srdreg.scid;
	s11 =	smul.u32 $0xC800, s12  }
0x4: {  	s13 =	rddreg [dreg:$0x2];
	s1 =	sand.u32 $0x1, s1;
	s21 =	smul.u32 $0x1900, s12  }
0x5: {  	s4 =	simm.s32 $0x0;
	s3 =	sshll.u32 s12, $0x1;
	s17 =	smul.u32 $0xC8, s1  }
0x6: {  	[smem:$0x7FF] =	sst s4;
	s5 =	sadd.s32 $0x400, s0;
	s19 =	smul.u32 $0x6400, s1  }
0x7: {  	s3 =	sor.u32 s1, s3;
	s7 =	ssub.s32 $0x2, s1;
	s1 =	smul.u32 $0xC80, s1  }
0x8: {  	_ =	strace $0x80000047;
	s6 =	smul.u32 $0xC80, s3;
	s25 =	sshrl.u32 s7, $0x1  }
0x9: {  	s8 =	smul.u32 $0x6400, s3;
	s0 =	ssub.s32 s7, s25;
	s1 =	sadd.s32 s1, s21  }
0xa: {  	s9 =	smul.u32 $0x64000, s3;
	[dreg:$0x6] =	wrdreg s1;
	s0 =	smax.u32 s0, $0x1  }
0xb: {  	s7 =	smul.u32 $0xC8, s3;
	s14 =	sadd.s32 s5, s6;
	[dreg:$0x1f] =	wrdreg s0  }
0xc: {  	s8 =	sshrl.u32 s8, $0x3;
	s15 =	sadd.s32 s13, s9;
	[dreg:$0x8] =	wrdreg s14  }
0xd: {  	s26 =	sadd.s32 s5, s8;
	s21 =	sadd.s32 $0x40, s14;
	[dreg:$0x9] =	wrdreg s15  }
0xe: {  	s3 =	smul.u32 $0x320000, s3;
	s8 =	sadd.s32 $0x80, s26;
	[smem:$0x7F4] =	sst s21  }
0xf: {  	s9 =	smul.u32 $0x190, s12;
	s28 =	sadd.s32 $0x90, s26;
	[dreg:$0xa] =	wrdreg s8  }
0x10: {  	s3 =	sshrl.u32 s3, $0x3;
	s29 =	sadd.s32 $0xA0, s26;
	[dreg:$0xb] =	wrdreg s28  }
0x11: {  	s25 =	sadd.s32 $0xC6, s7;
	s30 =	sadd.s32 $0xB0, s26;
	[dreg:$0xc] =	wrdreg s29  }
0x12: {  	s31 =	sadd.s32 $0xC0, s26;
	s6 =	sadd.s32 $0xD0, s26;
	[dreg:$0xd] =	wrdreg s30  }
0x13: {  	s3 =	sadd.s32 s13, s3;
	s26 =	sshll.u32 s25, $0x4;
	[dreg:$0xe] =	wrdreg s31  }
0x14: {  	s12 =	sshll.u32 s25, $0xB;
	s25 =	sadd.s32 $0x800, s15;
	[dreg:$0xf] =	wrdreg s6  }
0x15: {  	s10 =	sadd.s32 $0x5E800, s3;
	[smem:$0x7F8] =	sst s25  }
0x16: {  	s16 =	sadd.s32 $0xC4, s7;
	s20 =	sadd.s32 $0x5F000, s3;
	[dreg:$0x10] =	wrdreg s10  }
0x17: {  	s23 =	sadd.s32 $0xC5, s7;
	s1 =	sadd.s32 s5, s26;
	[dreg:$0x12] =	wrdreg s20  }
0x18: {  	s7 =	sadd.s32 $0xC7, s7;
	s30 =	sadd.s32 $0x5F800, s3;
	[dreg:$0x14] =	wrdreg s1  }
0x19: {  	s24 =	sshll.u32 s23, $0x4;
	s31 =	sadd.s32 $0x60000, s3;
	[dreg:$0x16] =	wrdreg s30  }
0x1a: {  	s6 =	sadd.s32 s17, s9;
	s8 =	sadd.s32 $0x60800, s3;
	[dreg:$0x17] =	wrdreg s31  }
0x1b: {  	s9 =	sadd.s32 s19, s11;
	s19 =	sadd.s32 $0x20, s14;
	[dreg:$0x18] =	wrdreg s8  }
0x1c: {  	s11 =	sshll.u32 s23, $0xB;
	s23 =	sadd.s32 $0x60, s14;
	[smem:$0x7F2] =	sst s19  }
0x1d: {  	s18 =	sshll.u32 s16, $0x4;
	s26 =	sadd.s32 $0x1000, s15;
	[smem:$0x7F6] =	sst s23  }
0x1e: {  	s28 =	sshll.u32 s7, $0x4;
	s10 =	sadd.s32 s5, s18;
	[smem:$0x7F9] =	sst s26  }
0x1f: {  	s29 =	sshll.u32 s16, $0xB;
	s9 =	sadd.s32 $0x780, s9;
	[dreg:$0x11] =	wrdreg s10  }
0x20: {  	s16 =	sshll.u32 s7, $0xB;
	s1 =	sadd.s32 s5, s28;
	[dreg:$0x5] =	wrdreg s9  }
0x21: {  	s17 =	sadd.s32 s13, s16;
	[dreg:$0x15] =	wrdreg s1  }
0x22: {  	s18 =	sadd.s32 $0x10, s14;
	[dreg:$0x1e] =	wrdreg s17  }
0x23: {  	s20 =	sadd.s32 $0x30, s14;
	[smem:$0x7F1] =	sst s18  }
0x24: {  	s28 =	sadd.s32 $0x1800, s15;
	[smem:$0x7F3] =	sst s20  }
0x25: {  	s30 =	sadd.s32 $0x2800, s15;
	[smem:$0x7FA] =	sst s28  }
0x26: {  	s6 =	sshll.u32 s6, $0xB;
	s31 =	sadd.s32 $0x3000, s15;
	[smem:$0x7FC] =	sst s30  }
0x27: {  	s22 =	sadd.s32 $0x4000, s6;
	[smem:$0x7FD] =	sst s31  }
0x28: {  	s9 =	sadd.s32 s5, s24;
	[dreg:$0x4] =	wrdreg s22  }
0x29: {  	s6 =	sor.u32 $0x3800, s6;
	[dreg:$0x13] =	wrdreg s9  }
0x2a: {  	s10 =	sadd.s32 $0x61000, s3;
	[dreg:$0x7] =	wrdreg s6  }
0x2b: {  	s3 =	sadd.s32 $0x61800, s3;
	[dreg:$0x19] =	wrdreg s10  }
0x2c: {  	s21 =	simm.s32 $0xE;
	s1 =	sadd.s32 s13, s29;
	[dreg:$0x1a] =	wrdreg s3  }
0x2d: {  	s25 =	simm.s32 $0x15;
	s24 =	sadd.s32 $0x70, s14;
	[dreg:$0x1b] =	wrdreg s1  }
0x2e: {  	s19 =	simm.s32 $0xD;
	s29 =	sadd.s32 $0x2000, s15;
	[smem:$0x7F7] =	sst s24  }
0x2f: {  	s23 =	simm.s32 $0x14;
	s1 =	sadd.s32 s13, s11;
	[smem:$0x7FB] =	sst s29  }
0x30: {  	s18 =	simm.s32 $0x80;
	s22 =	sadd.s32 $0x50, s14;
	[dreg:$0x1c] =	wrdreg s1  }
0x31: {  	s20 =	simm.s32 $0x12;
	s1 =	sadd.s32 s13, s12;
	[smem:$0x7F5] =	sst s22  }
0x32: {  	s22 =	simm.s32 $0x13;
	[dreg:$0x1d] =	wrdreg s1;
	s1 =	simm.s32 $0x0  }
.LBB2_1:
0x33: {  	s0 =	rddreg [dreg:$0x8]  }
0x34: {  	s15 =	sld [smem:$0x7F1]  }
0x35: {  	[tilespmem:s4], [sflag:$0x1] =	stream.linear.gather [hbm4b:s0+s4], $0x80, $0x38;
	[tilespmem:$0x1C400] =	vst v63  }
0x36: {  	s16 =	sld [smem:$0x7F2]  }
0x37: {  	[tilespmem:s18], [sflag:$0x2] =	stream.linear.gather [hbm4b:s15+s4], $0x80, $0x38;
	[tilespmem:$0x1C400] =	vst v63  }
0x38: {  	s17 =	simm.s32 $0x100;
	s24 =	sld [smem:$0x7F3]  }
0x39: {  	[tilespmem:s17], [sflag:$0x3] =	stream.linear.gather [hbm4b:s16+s4], $0x80, $0x38;
	[tilespmem:$0x1C400] =	vst v63  }
0x3a: {  	s26 =	simm.s32 $0x180;
	s6 =	sld [smem:$0x7F4]  }
0x3b: {  	[tilespmem:s26], [sflag:$0x4] =	stream.linear.gather [hbm4b:s24+s4], $0x80, $0x38;
	[tilespmem:$0x1C400] =	vst v63  }
0x3c: {  	s3 =	simm.s32 $0x200;
	s7 =	sld [smem:$0x7F5]  }
0x3d: {  	[tilespmem:s3], [sflag:$0x5] =	stream.linear.gather [hbm4b:s6+s4], $0x80, $0x38;
	[tilespmem:$0x1C400] =	vst v63  }
0x3e: {  	s9 =	simm.s32 $0x280;
	s10 =	sld [smem:$0x7F6]  }
0x3f: {  	[tilespmem:s9], [sflag:$0x6] =	stream.linear.gather [hbm4b:s7+s4], $0x80, $0x38;
	[tilespmem:$0x1C400] =	vst v63  }
0x40: {  	[smem:$0x7F0] =	sst s1;
	s15 =	simm.s32 $0x1;
	s7 =	simm.s32 $0x300  }
0x41: {  	[tilespmem:s7], [sflag:$0x7] =	stream.linear.gather [hbm4b:s10+s4], $0x80, $0x38;
	[tilespmem:$0x1C400] =	vst v63  }
0x42: {  	_ =	swait.ge [sflag:s15], $0x80  }
0x43: {  	[sflag:s15] =	ssyncset.done $0x0  }
0x44: {  	s11 =	simm.s32 $0x400;
	s16 =	simm.s32 $0x2;
	[sflag:s15] =	ssyncadd.s32 $0xFFFFFF80  }
0x45: {  	[tilespmem:s11], [sflag:$0x8] =	stream.indirect.gather [hbm4b:s2+s18], $0x80, s4, s18, $0xb8;
	[tilespmem:$0x1C400] =	vst v63  }
0x46: {  	_ =	swait.ge [sflag:s16], $0x80  }
0x47: {  	[sflag:s16] =	ssyncset.done $0x0  }
0x48: {  	s13 =	simm.s32 $0x4400;
	s24 =	simm.s32 $0x3;
	[sflag:s16] =	ssyncadd.s32 $0xFFFFFF80  }
0x49: {  	[tilespmem:s13], [sflag:$0x9] =	stream.indirect.gather [hbm4b:s2+s18], $0x80, s18, s18, $0xb8;
	[tilespmem:$0x1C400] =	vst v63  }
0x4a: {  	_ =	swait.ge [sflag:s24], $0x80  }
0x4b: {  	s8 =	simm.s32 $0x100;
	[sflag:s24] =	ssyncset.done $0x0  }
0x4c: {  	s31 =	simm.s32 $0x4;
	s17 =	simm.s32 $0x8400;
	[sflag:s24] =	ssyncadd.s32 $0xFFFFFF80  }
0x4d: {  	[tilespmem:s17], [sflag:$0xA] =	stream.indirect.gather [hbm4b:s2+s18], $0x80, s8, s18, $0xb8;
	[tilespmem:$0x1C400] =	vst v63  }
0x4e: {  	_ =	swait.ge [sflag:s31], $0x80  }
0x4f: {  	s29 =	simm.s32 $0x180;
	[sflag:s31] =	ssyncset.done $0x0  }
0x50: {  	s1 =	simm.s32 $0x5;
	s26 =	simm.s32 $0xC400;
	[sflag:s31] =	ssyncadd.s32 $0xFFFFFF80  }
0x51: {  	[tilespmem:s26], [sflag:$0xB] =	stream.indirect.gather [hbm4b:s2+s18], $0x80, s29, s18, $0xb8;
	[tilespmem:$0x1C400] =	vst v63  }
0x52: {  	_ =	swait.ge [sflag:s1], $0x80  }
0x53: {  	s6 =	simm.s32 $0x200;
	[sflag:s1] =	ssyncset.done $0x0  }
0x54: {  	s7 =	simm.s32 $0x8;
	s29 =	simm.s32 $0x10400;
	[sflag:s1] =	ssyncadd.s32 $0xFFFFFF80  }
0x55: {  	[tilespmem:s29], [sflag:$0xC] =	stream.indirect.gather [hbm4b:s2+s18], $0x80, s6, s18, $0xb8;
	[tilespmem:$0x1C400] =	vst v63  }
0x56: {  	_ =	swait.ge [sflag:s7], $0x4000  }
0x57: {  	[sflag:s7] =	ssyncset.done $0x0  }
0x58: {  	s14 =	simm.s32 $0x400;
	s6 =	rddreg [dreg:$0x9];
	[sflag:s7] =	ssyncadd.s32 $0xFFFFC000  }
0x59: {  	[hbm4b:s6+s4] =	stream.linear.scatter [tilespmem:s14], [sflag:$0xF], $0x4000, $0x38;
	[tilespmem:$0x1C400] =	vst v63  }
0x5a: {  	s14 =	sld [smem:$0x7F7];
	_ =	sdelay $0x1  }
0x5b: {  	s28 =	simm.s32 $0x6  }
0x5c: {  	[tilespmem:s4], [sflag:$0x1] =	stream.linear.gather [hbm4b:s14+s4], $0x80, $0x38;
	[tilespmem:$0x1C400] =	vst v63  }
0x5d: {  	_ =	swait.ge [sflag:s28], $0x80  }
0x5e: {  	s3 =	simm.s32 $0x280;
	[sflag:s28] =	ssyncset.done $0x0  }
0x5f: {  	s17 =	simm.s32 $0x14400;
	s6 =	simm.s32 $0x9;
	[sflag:s28] =	ssyncadd.s32 $0xFFFFFF80  }
0x60: {  	[tilespmem:s17], [sflag:$0xD] =	stream.indirect.gather [hbm4b:s2+s18], $0x80, s3, s18, $0xb8;
	[tilespmem:$0x1C400] =	vst v63  }
0x61: {  	_ =	swait.ge [sflag:s6], $0x4000  }
0x62: {  	s3 =	sld [smem:$0x7F8]  }
0x63: {  	[sflag:s6] =	ssyncset.done $0x0  }
0x64: {  	s9 =	simm.s32 $0x4400;
	[sflag:s6] =	ssyncadd.s32 $0xFFFFC000  }
0x65: {  	[hbm4b:s3+s4] =	stream.linear.scatter [tilespmem:s9], [sflag:$0x10], $0x4000, $0x38;
	[tilespmem:$0x1C400] =	vst v63  }
0x66: {  	s14 =	rddreg [dreg:$0xa];
	s9 =	simm.s32 $0x7  }
0x67: {  	[tilespmem:s18], [sflag:$0x2] =	stream.linear.gather [hbm4b:s14+s4], $0x80, $0x38;
	[tilespmem:$0x1C400] =	vst v63  }
0x68: {  	_ =	swait.ge [sflag:s9], $0x80  }
0x69: {  	[sflag:s9] =	ssyncset.done $0x0  }
0x6a: {  	s12 =	simm.s32 $0x300;
	s3 =	simm.s32 $0x18400;
	[sflag:s9] =	ssyncadd.s32 $0xFFFFFF80  }
0x6b: {  	[tilespmem:s3], [sflag:$0xE] =	stream.indirect.gather [hbm4b:s2+s18], $0x80, s12, s18, $0xb8;
	[tilespmem:$0x1C400] =	vst v63  }
0x6c: {  	s3 =	simm.s32 $0xA  }
0x6d: {  	_ =	swait.ge [sflag:s3], $0x4000  }
0x6e: {  	s12 =	sld [smem:$0x7F9]  }
0x6f: {  	[sflag:s3] =	ssyncset.done $0x0  }
0x70: {  	s10 =	simm.s32 $0x8400;
	[sflag:s3] =	ssyncadd.s32 $0xFFFFC000  }
0x71: {  	[hbm4b:s12+s4] =	stream.linear.scatter [tilespmem:s10], [sflag:$0x11], $0x4000, $0x38;
	[tilespmem:$0x1C400] =	vst v63  }
0x72: {  	s13 =	simm.s32 $0x100;
	s14 =	rddreg [dreg:$0xb];
	s10 =	simm.s32 $0xF  }
0x73: {  	[tilespmem:s13], [sflag:$0x3] =	stream.linear.gather [hbm4b:s14+s4], $0x80, $0x38;
	[tilespmem:$0x1C400] =	vst v63  }
0x74: {  	_ =	swait.ge [sflag:s10], $0x4000  }
0x75: {  	[sflag:s10] =	ssyncset.done $0x0  }
0x76: {  	[sflag:s10] =	ssyncadd.s32 $0xFFFFC000  }
0x77: {  	_ =	swait.ge [sflag:s15], $0x80  }
0x78: {  	[sflag:s15] =	ssyncset.done $0x0  }
0x79: {  	s29 =	simm.s32 $0x400;
	s12 =	simm.s32 $0xB;
	[sflag:s15] =	ssyncadd.s32 $0xFFFFFF80  }
0x7a: {  	[tilespmem:s29], [sflag:$0x8] =	stream.indirect.gather [hbm4b:s2+s18], $0x80, s4, s18, $0xb8;
	[tilespmem:$0x1C400] =	vst v63  }
0x7b: {  	_ =	swait.ge [sflag:s12], $0x4000  }
0x7c: {  	s29 =	sld [smem:$0x7FA]  }
0x7d: {  	[sflag:s12] =	ssyncset.done $0x0  }
0x7e: {  	s11 =	simm.s32 $0xC400;
	[sflag:s12] =	ssyncadd.s32 $0xFFFFC000  }
0x7f: {  	[hbm4b:s29+s4] =	stream.linear.scatter [tilespmem:s11], [sflag:$0x12], $0x4000, $0x38;
	[tilespmem:$0x1C400] =	vst v63  }
0x80: {  	s8 =	simm.s32 $0x180;
	s13 =	rddreg [dreg:$0xc]  }
0x81: {  	[tilespmem:s8], [sflag:$0x4] =	stream.linear.gather [hbm4b:s13+s4], $0x80, $0x38;
	[tilespmem:$0x1C400] =	vst v63  }
0x82: {  	s13 =	simm.s32 $0x10  }
0x83: {  	_ =	swait.ge [sflag:s13], $0x4000  }
0x84: {  	[sflag:s13] =	ssyncset.done $0x0  }
0x85: {  	[sflag:s13] =	ssyncadd.s32 $0xFFFFC000  }
0x86: {  	_ =	swait.ge [sflag:s16], $0x80  }
0x87: {  	[sflag:s16] =	ssyncset.done $0x0  }
0x88: {  	s17 =	simm.s32 $0x4400;
	[sflag:s16] =	ssyncadd.s32 $0xFFFFFF80  }
0x89: {  	[tilespmem:s17], [sflag:$0x9] =	stream.indirect.gather [hbm4b:s2+s18], $0x80, s18, s18, $0xb8;
	[tilespmem:$0x1C400] =	vst v63  }
0x8a: {  	s17 =	simm.s32 $0xC  }
0x8b: {  	_ =	swait.ge [sflag:s17], $0x4000  }
0x8c: {  	s11 =	sld [smem:$0x7FB]  }
0x8d: {  	[sflag:s17] =	ssyncset.done $0x0  }
0x8e: {  	s26 =	simm.s32 $0x10400;
	[sflag:s17] =	ssyncadd.s32 $0xFFFFC000  }
0x8f: {  	[hbm4b:s11+s4] =	stream.linear.scatter [tilespmem:s26], [sflag:$0x13], $0x4000, $0x38;
	[tilespmem:$0x1C400] =	vst v63  }
0x90: {  	s11 =	rddreg [dreg:$0xd];
	s26 =	simm.s32 $0x200  }
0x91: {  	[tilespmem:s26], [sflag:$0x5] =	stream.linear.gather [hbm4b:s11+s4], $0x80, $0x38;
	[tilespmem:$0x1C400] =	vst v63  }
0x92: {  	s26 =	simm.s32 $0x11  }
0x93: {  	_ =	swait.ge [sflag:s26], $0x4000  }
0x94: {  	[sflag:s26] =	ssyncset.done $0x0  }
0x95: {  	[sflag:s26] =	ssyncadd.s32 $0xFFFFC000  }
0x96: {  	_ =	swait.ge [sflag:s24], $0x80  }
0x97: {  	[sflag:s24] =	ssyncset.done $0x0  }
0x98: {  	s30 =	simm.s32 $0x8400;
	s14 =	simm.s32 $0x100;
	[sflag:s24] =	ssyncadd.s32 $0xFFFFFF80  }
0x99: {  	[tilespmem:s30], [sflag:$0xA] =	stream.indirect.gather [hbm4b:s2+s18], $0x80, s14, s18, $0xb8;
	[tilespmem:$0x1C400] =	vst v63  }
0x9a: {  	_ =	swait.ge [sflag:s19], $0x4000  }
0x9b: {  	s0 =	sld [smem:$0x7FC]  }
0x9c: {  	[sflag:s19] =	ssyncset.done $0x0  }
0x9d: {  	s14 =	simm.s32 $0x14400;
	[sflag:s19] =	ssyncadd.s32 $0xFFFFC000  }
0x9e: {  	[hbm4b:s0+s4] =	stream.linear.scatter [tilespmem:s14], [sflag:$0x14], $0x4000, $0x38;
	[tilespmem:$0x1C400] =	vst v63  }
0x9f: {  	s0 =	rddreg [dreg:$0xe];
	s14 =	simm.s32 $0x280  }
0xa0: {  	[tilespmem:s14], [sflag:$0x6] =	stream.linear.gather [hbm4b:s0+s4], $0x80, $0x38;
	[tilespmem:$0x1C400] =	vst v63  }
0xa1: {  	_ =	swait.ge [sflag:s20], $0x4000  }
0xa2: {  	[sflag:s20] =	ssyncset.done $0x0  }
0xa3: {  	[sflag:s20] =	ssyncadd.s32 $0xFFFFC000  }
0xa4: {  	_ =	swait.ge [sflag:s31], $0x80  }
0xa5: {  	[sflag:s31] =	ssyncset.done $0x0  }
0xa6: {  	s29 =	simm.s32 $0xC400;
	s8 =	simm.s32 $0x180;
	[sflag:s31] =	ssyncadd.s32 $0xFFFFFF80  }
0xa7: {  	[tilespmem:s29], [sflag:$0xB] =	stream.indirect.gather [hbm4b:s2+s18], $0x80, s8, s18, $0xb8;
	[tilespmem:$0x1C400] =	vst v63  }
0xa8: {  	_ =	swait.ge [sflag:s21], $0x4000  }
0xa9: {  	s14 =	sld [smem:$0x7FD]  }
0xaa: {  	[sflag:s21] =	ssyncset.done $0x0  }
0xab: {  	s29 =	simm.s32 $0x18400;
	[sflag:s21] =	ssyncadd.s32 $0xFFFFC000  }
0xac: {  	[hbm4b:s14+s4] =	stream.linear.scatter [tilespmem:s29], [sflag:$0x15], $0x4000, $0x38;
	[tilespmem:$0x1C400] =	vst v63  }
0xad: {  	s14 =	rddreg [dreg:$0xf];
	s29 =	simm.s32 $0x300  }
0xae: {  	[tilespmem:s29], [sflag:$0x7] =	stream.linear.gather [hbm4b:s14+s4], $0x80, $0x38;
	[tilespmem:$0x1C400] =	vst v63  }
0xaf: {  	_ =	swait.ge [sflag:s22], $0x4000  }
0xb0: {  	[sflag:s22] =	ssyncset.done $0x0  }
0xb1: {  	[sflag:s22] =	ssyncadd.s32 $0xFFFFC000  }
0xb2: {  	_ =	swait.ge [sflag:s1], $0x80  }
0xb3: {  	[sflag:s1] =	ssyncset.done $0x0  }
0xb4: {  	s11 =	simm.s32 $0x200;
	s8 =	simm.s32 $0x10400;
	[sflag:s1] =	ssyncadd.s32 $0xFFFFFF80  }
0xb5: {  	[tilespmem:s8], [sflag:$0xC] =	stream.indirect.gather [hbm4b:s2+s18], $0x80, s11, s18, $0xb8;
	[tilespmem:$0x1C400] =	vst v63  }
0xb6: {  	_ =	swait.ge [sflag:s7], $0x4000  }
0xb7: {  	s11 =	rddreg [dreg:$0x6]  }
0xb8: {  	s14 =	simm.s32 $0xE0;
	s8 =	rddreg [dreg:$0x7];
	[sflag:s7] =	ssyncset.done $0x0  }
0xb9: {  	s1 =	sadd.s32 $0x140, s11;
	[sflag:s7] =	ssyncadd.s32 $0xFFFFC000;
	s11 =	sand.u32 $0x70, s14  }
0xba: {  	s29 =	sadd.s32 $0xFFFFFFA0, s1;
	s11 =	sadd.s32 s5, s11;
	s0 =	rddreg [dreg:$0x2]  }
0xbb: {  	s8 =	sadd.s32 s0, s8;
	s14 =	sand.u32 $0xFFFFF80, s29;
	s29 =	simm.s32 $0x400  }
0xbc: {  	[hbm4b:s8+s4] =	stream.linear.scatter [tilespmem:s29], [sflag:$0xF], $0x4000, $0x38;
	[tilespmem:$0x1C400] =	vst v63  }
0xbd: {  	s7 =	sadd.s32 s14, s11  }
0xbe: {  	[tilespmem:s4], [sflag:$0x1] =	stream.linear.gather [hbm4b:s7+s4], $0x80, $0x38;
	[tilespmem:$0x1C400] =	vst v63  }
0xbf: {  	_ =	swait.ge [sflag:s23], $0x4000  }
0xc0: {  	[sflag:s23] =	ssyncset.done $0x0  }
0xc1: {  	[sflag:s23] =	ssyncadd.s32 $0xFFFFC000  }
0xc2: {  	_ =	swait.ge [sflag:s28], $0x80  }
0xc3: {  	[sflag:s28] =	ssyncset.done $0x0  }
0xc4: {  	s8 =	simm.s32 $0x280;
	s11 =	simm.s32 $0x14400;
	[sflag:s28] =	ssyncadd.s32 $0xFFFFFF80  }
0xc5: {  	[tilespmem:s11], [sflag:$0xD] =	stream.indirect.gather [hbm4b:s2+s18], $0x80, s8, s18, $0xb8;
	[tilespmem:$0x1C400] =	vst v63  }
0xc6: {  	_ =	swait.ge [sflag:s6], $0x4000  }
0xc7: {  	s14 =	rddreg [dreg:$0x5]  }
0xc8: {  	s28 =	simm.s32 $0x380;
	s8 =	sadd.s32 $0x0, s14  }
0xc9: {  	s7 =	sand.u32 $0x380, s28;
	[sflag:s6] =	ssyncset.done $0x0;
	s8 =	sand.u32 $0x7FFFFC00, s8  }
0xca: {  	s11 =	rddreg [dreg:$0x4];
	[sflag:s6] =	ssyncadd.s32 $0xFFFFC000;
	s14 =	sor.u32 s7, s8  }
0xcb: {  	s8 =	sadd.s32 s0, s11;
	s0 =	simm.s32 $0x4400;
	s7 =	sshrl.u32 s14, $0x3  }
0xcc: {  	[hbm4b:s8+s4] =	stream.linear.scatter [tilespmem:s0], [sflag:$0x10], $0x4000, $0x38;
	[tilespmem:$0x1C400] =	vst v63  }
0xcd: {  	s11 =	sadd.s32 s5, s7  }
0xce: {  	[tilespmem:s18], [sflag:$0x2] =	stream.linear.gather [hbm4b:s11+s4], $0x80, $0x38;
	[tilespmem:$0x1C400] =	vst v63  }
0xcf: {  	_ =	swait.ge [sflag:s25], $0x4000  }
0xd0: {  	[sflag:s25] =	ssyncset.done $0x0  }
0xd1: {  	[sflag:s25] =	ssyncadd.s32 $0xFFFFC000  }
0xd2: {  	_ =	swait.ge [sflag:s9], $0x80  }
0xd3: {  	s30 =	simm.s32 $0x300;
	[sflag:s9] =	ssyncset.done $0x0  }
0xd4: {  	s14 =	simm.s32 $0x18400;
	s11 =	simm.s32 $0x100;
	[sflag:s9] =	ssyncadd.s32 $0xFFFFFF80  }
0xd5: {  	[tilespmem:s14], [sflag:$0xE] =	stream.indirect.gather [hbm4b:s2+s18], $0x80, s30, s18, $0xb8;
	[tilespmem:$0x1C400] =	vst v63  }
0xd6: {  	s7 =	sadd.s32 $0x800, s8;
	s11 =	sand.u32 $0x70, s11;
	_ =	swait.ge [sflag:s3], $0x4000  }
0xd7: {  	s11 =	sadd.s32 s5, s11;
	s9 =	sadd.s32 $0xFFFFFFC0, s1;
	[sflag:s3] =	ssyncset.done $0x0  }
0xd8: {  	s14 =	sand.u32 $0xFFFFF80, s9;
	[sflag:s3] =	ssyncadd.s32 $0xFFFFC000;
	s3 =	simm.s32 $0x8400  }
0xd9: {  	[hbm4b:s7+s4] =	stream.linear.scatter [tilespmem:s3], [sflag:$0x11], $0x4000, $0x38;
	[tilespmem:$0x1C400] =	vst v63  }
0xda: {  	s30 =	simm.s32 $0x100;
	s11 =	sadd.s32 s14, s11  }
0xdb: {  	[tilespmem:s30], [sflag:$0x3] =	stream.linear.gather [hbm4b:s11+s4], $0x80, $0x38;
	[tilespmem:$0x1C400] =	vst v63  }
0xdc: {  	_ =	swait.ge [sflag:s10], $0x4000  }
0xdd: {  	[sflag:s10] =	ssyncset.done $0x0  }
0xde: {  	[sflag:s10] =	ssyncadd.s32 $0xFFFFC000  }
0xdf: {  	_ =	swait.ge [sflag:s15], $0x80  }
0xe0: {  	[sflag:s15] =	ssyncset.done $0x0  }
0xe1: {  	s7 =	simm.s32 $0x110;
	[sflag:s15] =	ssyncadd.s32 $0xFFFFFF80  }
0xe2: {  	[tilespmem:s29], [sflag:$0x8] =	stream.indirect.gather [hbm4b:s2+s18], $0x80, s4, s18, $0xb8;
	[tilespmem:$0x1C400] =	vst v63  }
0xe3: {  	s9 =	simm.s32 $0xC400;
	s11 =	sand.u32 $0x70, s7;
	_ =	swait.ge [sflag:s12], $0x4000  }
0xe4: {  	s11 =	sadd.s32 s5, s11;
	s15 =	sadd.s32 $0xFFFFFFD0, s1;
	[sflag:s12] =	ssyncset.done $0x0  }
0xe5: {  	s10 =	sadd.s32 $0x1000, s8;
	s14 =	sand.u32 $0xFFFFF80, s15;
	[sflag:s12] =	ssyncadd.s32 $0xFFFFC000  }
0xe6: {  	[hbm4b:s10+s4] =	stream.linear.scatter [tilespmem:s9], [sflag:$0x12], $0x4000, $0x38;
	[tilespmem:$0x1C400] =	vst v63  }
0xe7: {  	s7 =	simm.s32 $0x180;
	s11 =	sadd.s32 s14, s11  }
0xe8: {  	[tilespmem:s7], [sflag:$0x4] =	stream.linear.gather [hbm4b:s11+s4], $0x80, $0x38;
	[tilespmem:$0x1C400] =	vst v63  }
0xe9: {  	_ =	swait.ge [sflag:s13], $0x4000  }
0xea: {  	[sflag:s13] =	ssyncset.done $0x0  }
0xeb: {  	[sflag:s13] =	ssyncadd.s32 $0xFFFFC000  }
0xec: {  	_ =	swait.ge [sflag:s16], $0x80  }
0xed: {  	[sflag:s16] =	ssyncset.done $0x0  }
0xee: {  	s29 =	simm.s32 $0x120;
	[sflag:s16] =	ssyncadd.s32 $0xFFFFFF80  }
0xef: {  	[tilespmem:s0], [sflag:$0x9] =	stream.indirect.gather [hbm4b:s2+s18], $0x80, s18, s18, $0xb8;
	[tilespmem:$0x1C400] =	vst v63  }
0xf0: {  	s12 =	simm.s32 $0x10400;
	s10 =	sadd.s32 $0x1800, s8;
	_ =	swait.ge [sflag:s17], $0x4000  }
0xf1: {  	s11 =	sand.u32 $0x70, s29;
	s13 =	sadd.s32 $0xFFFFFFE0, s1;
	[sflag:s17] =	ssyncset.done $0x0  }
0xf2: {  	s11 =	sadd.s32 s5, s11;
	s14 =	sand.u32 $0xFFFFF80, s13;
	[sflag:s17] =	ssyncadd.s32 $0xFFFFC000  }
0xf3: {  	[hbm4b:s10+s4] =	stream.linear.scatter [tilespmem:s12], [sflag:$0x13], $0x4000, $0x38;
	[tilespmem:$0x1C400] =	vst v63  }
0xf4: {  	s11 =	sadd.s32 s14, s11;
	s14 =	simm.s32 $0x200  }
0xf5: {  	[tilespmem:s14], [sflag:$0x5] =	stream.linear.gather [hbm4b:s11+s4], $0x80, $0x38;
	[tilespmem:$0x1C400] =	vst v63  }
0xf6: {  	_ =	swait.ge [sflag:s26], $0x4000  }
0xf7: {  	[sflag:s26] =	ssyncset.done $0x0  }
0xf8: {  	[sflag:s26] =	ssyncadd.s32 $0xFFFFC000  }
0xf9: {  	_ =	swait.ge [sflag:s24], $0x80  }
0xfa: {  	[sflag:s24] =	ssyncset.done $0x0  }
0xfb: {  	s15 =	simm.s32 $0x130;
	[sflag:s24] =	ssyncadd.s32 $0xFFFFFF80  }
0xfc: {  	[tilespmem:s3], [sflag:$0xA] =	stream.indirect.gather [hbm4b:s2+s18], $0x80, s30, s18, $0xb8;
	[tilespmem:$0x1C400] =	vst v63  }
0xfd: {  	s16 =	sadd.s32 $0x2000, s8;
	s17 =	simm.s32 $0x14400;
	_ =	swait.ge [sflag:s19], $0x4000  }
0xfe: {  	s11 =	sand.u32 $0x70, s15;
	s24 =	sadd.s32 $0xFFFFFFF0, s1;
	[sflag:s19] =	ssyncset.done $0x0  }
0xff: {  	s11 =	sadd.s32 s5, s11;
	s14 =	sand.u32 $0xFFFFF80, s24;
	[sflag:s19] =	ssyncadd.s32 $0xFFFFC000  }
0x100: {  	[hbm4b:s16+s4] =	stream.linear.scatter [tilespmem:s17], [sflag:$0x14], $0x4000, $0x38;
	[tilespmem:$0x1C400] =	vst v63  }
0x101: {  	s26 =	simm.s32 $0x280;
	s11 =	sadd.s32 s14, s11  }
0x102: {  	[tilespmem:s26], [sflag:$0x6] =	stream.linear.gather [hbm4b:s11+s4], $0x80, $0x38;
	[tilespmem:$0x1C400] =	vst v63  }
0x103: {  	_ =	swait.ge [sflag:s20], $0x4000  }
0x104: {  	[sflag:s20] =	ssyncset.done $0x0  }
0x105: {  	[sflag:s20] =	ssyncadd.s32 $0xFFFFC000  }
0x106: {  	_ =	swait.ge [sflag:s31], $0x80  }
0x107: {  	[sflag:s31] =	ssyncset.done $0x0  }
0x108: {  	[sflag:s31] =	ssyncadd.s32 $0xFFFFFF80  }
0x109: {  	[tilespmem:s9], [sflag:$0xB] =	stream.indirect.gather [hbm4b:s2+s18], $0x80, s7, s18, $0xb8;
	[tilespmem:$0x1C400] =	vst v63  }
0x10a: {  	s6 =	simm.s32 $0x18400;
	s29 =	simm.s32 $0x140;
	_ =	swait.ge [sflag:s21], $0x4000  }
0x10b: {  	s8 =	sadd.s32 $0x2800, s8;
	s11 =	sand.u32 $0x70, s29;
	[sflag:s21] =	ssyncset.done $0x0  }
0x10c: {  	s1 =	sand.u32 $0xFFFFF80, s1;
	s31 =	sadd.s32 s5, s11;
	[sflag:s21] =	ssyncadd.s32 $0xFFFFC000  }
0x10d: {  	[hbm4b:s8+s4] =	stream.linear.scatter [tilespmem:s6], [sflag:$0x15], $0x4000, $0x38;
	[tilespmem:$0x1C400] =	vst v63  }
0x10e: {  	s30 =	simm.s32 $0x1B0;
	s11 =	sadd.s32 s1, s31;
	s1 =	rddreg [dreg:$0x2]  }
.LBB2_2:
0x10f: {  	s15 =	simm.s32 $0x300  }
0x110: {  	[tilespmem:s15], [sflag:$0x7] =	stream.linear.gather [hbm4b:s11+s4], $0x80, $0x38;
	[tilespmem:$0x1C400] =	vst v63  }
0x111: {  	_ =	swait.ge [sflag:s22], $0x4000  }
0x112: {  	[sflag:s22] =	ssyncset.done $0x0  }
0x113: {  	s0 =	simm.s32 $0x5;
	[sflag:s22] =	ssyncadd.s32 $0xFFFFC000  }
0x114: {  	_ =	swait.ge [sflag:s0], $0x80  }
0x115: {  	s8 =	smov.u32 s30;
	s12 =	simm.s32 $0x200;
	[sflag:s0] =	ssyncset.done $0x0  }
0x116: {  	s7 =	simm.s32 $0x10400;
	s3 =	simm.s32 $0x8;
	[sflag:s0] =	ssyncadd.s32 $0xFFFFFF80  }
0x117: {  	[tilespmem:s7], [sflag:$0xC] =	stream.indirect.gather [hbm4b:s2+s18], $0x80, s12, s18, $0xb8;
	[tilespmem:$0x1C400] =	vst v63  }
0x118: {  	s1 =	sadd.s32 $0x3800, s1;
	s14 =	sadd.s32 $0xFFFFFFA0, s8;
	_ =	swait.ge [sflag:s3], $0x4000  }
0x119: {  	s16 =	simm.s32 $0x400;
	s14 =	sand.u32 $0x70, s14;
	s6 =	rddreg [dreg:$0x6]  }
0x11a: {  	[sflag:s3] =	ssyncset.done $0x0;
	s24 =	rddreg [dreg:$0x7];
	s11 =	sadd.s32 s8, s6  }
0x11b: {  	[sflag:s3] =	ssyncadd.s32 $0xFFFFC000;
	s24 =	sadd.s32 s1, s24;
	s26 =	sadd.s32 $0xFFFFFFA0, s11  }
0x11c: {  	[hbm4b:s24+s4] =	stream.linear.scatter [tilespmem:s16], [sflag:$0xF], $0x4000, $0x38;
	[tilespmem:$0x1C400] =	vst v63  }
0x11d: {  	s14 =	sadd.s32 s5, s14;
	s26 =	sand.u32 $0xFFFFF80, s26  }
0x11e: {  	s14 =	sadd.s32 s26, s14  }
0x11f: {  	[tilespmem:s4], [sflag:$0x1] =	stream.linear.gather [hbm4b:s14+s4], $0x80, $0x38;
	[tilespmem:$0x1C400] =	vst v63  }
0x120: {  	_ =	swait.ge [sflag:s23], $0x4000  }
0x121: {  	[sflag:s23] =	ssyncset.done $0x0  }
0x122: {  	s17 =	simm.s32 $0x6;
	[sflag:s23] =	ssyncadd.s32 $0xFFFFC000  }
0x123: {  	s13 =	sadd.s32 $0xFFFFFFF0, s11;
	_ =	swait.ge [sflag:s17], $0x80  }
0x124: {  	s6 =	simm.s32 $0x14400;
	s24 =	sand.u32 $0xFFFFF80, s13;
	[sflag:s17] =	ssyncset.done $0x0  }
0x125: {  	s13 =	simm.s32 $0x280;
	[sflag:s17] =	ssyncadd.s32 $0xFFFFFF80;
	s17 =	simm.s32 $0x9  }
0x126: {  	[tilespmem:s6], [sflag:$0xD] =	stream.indirect.gather [hbm4b:s2+s18], $0x80, s13, s18, $0xb8;
	[tilespmem:$0x1C400] =	vst v63  }
0x127: {  	s29 =	sadd.s32 $0xFFFFFFC0, s11;
	s9 =	sadd.s32 $0xFFFFFFD0, s11;
	_ =	swait.ge [sflag:s17], $0x4000  }
0x128: {  	s10 =	sadd.s32 $0xFFFFFFE0, s11;
	s31 =	sand.u32 $0xFFFFF80, s29;
	s0 =	rddreg [dreg:$0x5]  }
0x129: {  	s29 =	sand.u32 $0xFFFFF80, s9;
	s26 =	sand.u32 $0xFFFFF80, s10;
	s3 =	rddreg [dreg:$0x4]  }
0x12a: {  	[sflag:s17] =	ssyncset.done $0x0;
	s14 =	sadd.s32 s28, s0;
	s28 =	sadd.s32 $0x380, s28  }
0x12b: {  	[sflag:s17] =	ssyncadd.s32 $0xFFFFC000;
	s9 =	sand.u32 $0x7FFFFC00, s14;
	s10 =	sand.u32 $0x380, s28  }
0x12c: {  	s17 =	simm.s32 $0x4400;
	s14 =	sadd.s32 s1, s3;
	s3 =	sor.u32 s10, s9  }
0x12d: {  	[hbm4b:s14+s4] =	stream.linear.scatter [tilespmem:s17], [sflag:$0x10], $0x4000, $0x38;
	[tilespmem:$0x1C400] =	vst v63  }
0x12e: {  	s0 =	sshrl.u32 s3, $0x3  }
0x12f: {  	s0 =	sadd.s32 s5, s0  }
0x130: {  	[tilespmem:s18], [sflag:$0x2] =	stream.linear.gather [hbm4b:s0+s4], $0x80, $0x38;
	[tilespmem:$0x1C400] =	vst v63  }
0x131: {  	_ =	swait.ge [sflag:s25], $0x4000  }
0x132: {  	[sflag:s25] =	ssyncset.done $0x0  }
0x133: {  	s9 =	simm.s32 $0x7;
	[sflag:s25] =	ssyncadd.s32 $0xFFFFC000  }
0x134: {  	_ =	swait.ge [sflag:s9], $0x80  }
0x135: {  	[sflag:s9] =	ssyncset.done $0x0  }
0x136: {  	s3 =	simm.s32 $0x18400;
	[sflag:s9] =	ssyncadd.s32 $0xFFFFFF80  }
0x137: {  	[tilespmem:s3], [sflag:$0xE] =	stream.indirect.gather [hbm4b:s2+s18], $0x80, s15, s18, $0xb8;
	[tilespmem:$0x1C400] =	vst v63  }
0x138: {  	s10 =	sadd.s32 $0xFFFFFFC0, s8;
	s15 =	simm.s32 $0xA  }
0x139: {  	s0 =	sand.u32 $0x70, s10;
	_ =	swait.ge [sflag:s15], $0x4000  }
0x13a: {  	s0 =	sadd.s32 s5, s0;
	[sflag:s15] =	ssyncset.done $0x0  }
0x13b: {  	s9 =	sadd.s32 $0x800, s14;
	[sflag:s15] =	ssyncadd.s32 $0xFFFFC000;
	s15 =	simm.s32 $0x8400  }
0x13c: {  	[hbm4b:s9+s4] =	stream.linear.scatter [tilespmem:s15], [sflag:$0x11], $0x4000, $0x38;
	[tilespmem:$0x1C400] =	vst v63  }
0x13d: {  	s10 =	simm.s32 $0x100;
	s0 =	sadd.s32 s31, s0;
	s31 =	simm.s32 $0xF  }
0x13e: {  	[tilespmem:s10], [sflag:$0x3] =	stream.linear.gather [hbm4b:s0+s4], $0x80, $0x38;
	[tilespmem:$0x1C400] =	vst v63  }
0x13f: {  	_ =	swait.ge [sflag:s31], $0x4000  }
0x140: {  	[sflag:s31] =	ssyncset.done $0x0  }
0x141: {  	s9 =	simm.s32 $0x1;
	[sflag:s31] =	ssyncadd.s32 $0xFFFFC000  }
0x142: {  	_ =	swait.ge [sflag:s9], $0x80  }
0x143: {  	[sflag:s9] =	ssyncset.done $0x0  }
0x144: {  	[sflag:s9] =	ssyncadd.s32 $0xFFFFFF80;
	s9 =	simm.s32 $0xB  }
0x145: {  	[tilespmem:s16], [sflag:$0x8] =	stream.indirect.gather [hbm4b:s2+s18], $0x80, s4, s18, $0xb8;
	[tilespmem:$0x1C400] =	vst v63  }
0x146: {  	s31 =	sadd.s32 $0xFFFFFFD0, s8;
	_ =	swait.ge [sflag:s9], $0x4000  }
0x147: {  	s0 =	sand.u32 $0x70, s31;
	s31 =	sadd.s32 $0x1000, s14;
	[sflag:s9] =	ssyncset.done $0x0  }
0x148: {  	s0 =	sadd.s32 s5, s0;
	s16 =	simm.s32 $0xC400;
	[sflag:s9] =	ssyncadd.s32 $0xFFFFC000  }
0x149: {  	[hbm4b:s31+s4] =	stream.linear.scatter [tilespmem:s16], [sflag:$0x12], $0x4000, $0x38;
	[tilespmem:$0x1C400] =	vst v63  }
0x14a: {  	s0 =	sadd.s32 s29, s0;
	s29 =	simm.s32 $0x180;
	s31 =	simm.s32 $0x10  }
0x14b: {  	[tilespmem:s29], [sflag:$0x4] =	stream.linear.gather [hbm4b:s0+s4], $0x80, $0x38;
	[tilespmem:$0x1C400] =	vst v63  }
0x14c: {  	_ =	swait.ge [sflag:s31], $0x4000  }
0x14d: {  	[sflag:s31] =	ssyncset.done $0x0  }
0x14e: {  	s9 =	simm.s32 $0x2;
	[sflag:s31] =	ssyncadd.s32 $0xFFFFC000  }
0x14f: {  	_ =	swait.ge [sflag:s9], $0x80  }
0x150: {  	[sflag:s9] =	ssyncset.done $0x0  }
0x151: {  	[sflag:s9] =	ssyncadd.s32 $0xFFFFFF80;
	s9 =	simm.s32 $0xC  }
0x152: {  	[tilespmem:s17], [sflag:$0x9] =	stream.indirect.gather [hbm4b:s2+s18], $0x80, s18, s18, $0xb8;
	[tilespmem:$0x1C400] =	vst v63  }
0x153: {  	s31 =	sadd.s32 $0xFFFFFFE0, s8;
	_ =	swait.ge [sflag:s9], $0x4000  }
0x154: {  	s0 =	sand.u32 $0x70, s31;
	[sflag:s9] =	ssyncset.done $0x0  }
0x155: {  	s31 =	sadd.s32 $0x1800, s14;
	s0 =	sadd.s32 s5, s0;
	[sflag:s9] =	ssyncadd.s32 $0xFFFFC000  }
0x156: {  	[hbm4b:s31+s4] =	stream.linear.scatter [tilespmem:s7], [sflag:$0x13], $0x4000, $0x38;
	[tilespmem:$0x1C400] =	vst v63  }
0x157: {  	s0 =	sadd.s32 s26, s0;
	s7 =	simm.s32 $0x11  }
0x158: {  	[tilespmem:s12], [sflag:$0x5] =	stream.linear.gather [hbm4b:s0+s4], $0x80, $0x38;
	[tilespmem:$0x1C400] =	vst v63  }
0x159: {  	_ =	swait.ge [sflag:s7], $0x4000  }
0x15a: {  	[sflag:s7] =	ssyncset.done $0x0  }
0x15b: {  	s9 =	simm.s32 $0x3;
	[sflag:s7] =	ssyncadd.s32 $0xFFFFC000  }
0x15c: {  	_ =	swait.ge [sflag:s9], $0x80  }
0x15d: {  	[sflag:s9] =	ssyncset.done $0x0  }
0x15e: {  	[sflag:s9] =	ssyncadd.s32 $0xFFFFFF80  }
0x15f: {  	[tilespmem:s15], [sflag:$0xA] =	stream.indirect.gather [hbm4b:s2+s18], $0x80, s10, s18, $0xb8;
	[tilespmem:$0x1C400] =	vst v63  }
0x160: {  	s12 =	sadd.s32 $0xFFFFFFF0, s8;
	_ =	swait.ge [sflag:s19], $0x4000  }
0x161: {  	s0 =	sand.u32 $0x70, s12;
	[sflag:s19] =	ssyncset.done $0x0  }
0x162: {  	s17 =	sadd.s32 $0x2000, s14;
	s0 =	sadd.s32 s5, s0;
	[sflag:s19] =	ssyncadd.s32 $0xFFFFC000  }
0x163: {  	[hbm4b:s17+s4] =	stream.linear.scatter [tilespmem:s6], [sflag:$0x14], $0x4000, $0x38;
	[tilespmem:$0x1C400] =	vst v63  }
0x164: {  	s0 =	sadd.s32 s24, s0  }
0x165: {  	[tilespmem:s13], [sflag:$0x6] =	stream.linear.gather [hbm4b:s0+s4], $0x80, $0x38;
	[tilespmem:$0x1C400] =	vst v63  }
0x166: {  	_ =	swait.ge [sflag:s20], $0x4000  }
0x167: {  	[sflag:s20] =	ssyncset.done $0x0  }
0x168: {  	s24 =	simm.s32 $0x4;
	[sflag:s20] =	ssyncadd.s32 $0xFFFFC000  }
0x169: {  	_ =	swait.ge [sflag:s24], $0x80  }
0x16a: {  	[sflag:s24] =	ssyncset.done $0x0  }
0x16b: {  	p0 =	sne.s32 s30, $0xC30;
	[sflag:s24] =	ssyncadd.s32 $0xFFFFFF80  }
0x16c: {  	[tilespmem:s16], [sflag:$0xB] =	stream.indirect.gather [hbm4b:s2+s18], $0x80, s29, s18, $0xb8;
	[tilespmem:$0x1C400] =	vst v63  }
.Ltmp0:
0x16d: {  	s30 =	sadd.s32 $0x70, s30;
	s11 =	sand.u32 $0xFFFFF80, s11;
	(pc) =	sbr.rel @p0 .LBB2_2-.Ltmp0, $4  }
0x16e: {  	s26 =	simm.s32 $0x200;
	s29 =	sand.u32 $0x70, s8;
	_ =	swait.ge [sflag:s21], $0x4000  }
0x16f: {  	s31 =	sadd.s32 $0x2800, s14;
	s0 =	sadd.s32 s5, s29;
	[sflag:s21] =	ssyncset.done $0x0  }
0x170: {  	s9 =	simm.s32 $0x280;
	s11 =	sadd.s32 s11, s0;
	[sflag:s21] =	ssyncadd.s32 $0xFFFFC000  }
0x171: {  	[hbm4b:s31+s4] =	stream.linear.scatter [tilespmem:s3], [sflag:$0x15], $0x4000, $0x38;
	[tilespmem:$0x1C400] =	vst v63  }
0x172: {  	s1 =	simm.s32 $0x300  }
0x173: {  	[tilespmem:s1], [sflag:$0x7] =	stream.linear.gather [hbm4b:s11+s4], $0x80, $0x38;
	[tilespmem:$0x1C400] =	vst v63  }
0x174: {  	_ =	swait.ge [sflag:s22], $0x4000  }
0x175: {  	[sflag:s22] =	ssyncset.done $0x0  }
0x176: {  	s0 =	simm.s32 $0x5;
	[sflag:s22] =	ssyncadd.s32 $0xFFFFC000  }
0x177: {  	_ =	swait.ge [sflag:s0], $0x80  }
0x178: {  	[sflag:s0] =	ssyncset.done $0x0  }
0x179: {  	s7 =	simm.s32 $0x10400;
	s13 =	simm.s32 $0x8;
	[sflag:s0] =	ssyncadd.s32 $0xFFFFFF80  }
0x17a: {  	[tilespmem:s7], [sflag:$0xC] =	stream.indirect.gather [hbm4b:s2+s18], $0x80, s26, s18, $0xb8;
	[tilespmem:$0x1C400] =	vst v63  }
0x17b: {  	_ =	swait.ge [sflag:s13], $0x4000  }
0x17c: {  	[sflag:s13] =	ssyncset.done $0x0  }
0x17d: {  	s10 =	simm.s32 $0x400;
	s15 =	rddreg [dreg:$0x10];
	[sflag:s13] =	ssyncadd.s32 $0xFFFFC000  }
0x17e: {  	[hbm4b:s15+s4] =	stream.linear.scatter [tilespmem:s10], [sflag:$0xF], $0x4000, $0x38;
	[tilespmem:$0x1C400] =	vst v63  }
0x17f: {  	s16 =	rddreg [dreg:$0x11]  }
0x180: {  	[tilespmem:s4], [sflag:$0x1] =	stream.linear.gather [hbm4b:s16+s4], $0x80, $0x38;
	[tilespmem:$0x1C400] =	vst v63  }
0x181: {  	_ =	swait.ge [sflag:s23], $0x4000  }
0x182: {  	[sflag:s23] =	ssyncset.done $0x0  }
0x183: {  	s17 =	simm.s32 $0x6;
	[sflag:s23] =	ssyncadd.s32 $0xFFFFC000  }
0x184: {  	_ =	swait.ge [sflag:s17], $0x80  }
0x185: {  	[sflag:s17] =	ssyncset.done $0x0  }
0x186: {  	s6 =	simm.s32 $0x14400;
	s14 =	simm.s32 $0x9;
	[sflag:s17] =	ssyncadd.s32 $0xFFFFFF80  }
0x187: {  	[tilespmem:s6], [sflag:$0xD] =	stream.indirect.gather [hbm4b:s2+s18], $0x80, s9, s18, $0xb8;
	[tilespmem:$0x1C400] =	vst v63  }
0x188: {  	_ =	swait.ge [sflag:s14], $0x4000  }
0x189: {  	[sflag:s14] =	ssyncset.done $0x0  }
0x18a: {  	s9 =	simm.s32 $0x4400;
	s24 =	rddreg [dreg:$0x12];
	[sflag:s14] =	ssyncadd.s32 $0xFFFFC000  }
0x18b: {  	[hbm4b:s24+s4] =	stream.linear.scatter [tilespmem:s9], [sflag:$0x10], $0x4000, $0x38;
	[tilespmem:$0x1C400] =	vst v63  }
0x18c: {  	s26 =	rddreg [dreg:$0x13]  }
0x18d: {  	[tilespmem:s18], [sflag:$0x2] =	stream.linear.gather [hbm4b:s26+s4], $0x80, $0x38;
	[tilespmem:$0x1C400] =	vst v63  }
0x18e: {  	_ =	swait.ge [sflag:s25], $0x4000  }
0x18f: {  	[sflag:s25] =	ssyncset.done $0x0  }
0x190: {  	s28 =	simm.s32 $0x7;
	[sflag:s25] =	ssyncadd.s32 $0xFFFFC000  }
0x191: {  	_ =	swait.ge [sflag:s28], $0x80  }
0x192: {  	[sflag:s28] =	ssyncset.done $0x0  }
0x193: {  	s3 =	simm.s32 $0x18400;
	s15 =	simm.s32 $0xA;
	[sflag:s28] =	ssyncadd.s32 $0xFFFFFF80  }
0x194: {  	[tilespmem:s3], [sflag:$0xE] =	stream.indirect.gather [hbm4b:s2+s18], $0x80, s1, s18, $0xb8;
	[tilespmem:$0x1C400] =	vst v63  }
0x195: {  	_ =	swait.ge [sflag:s15], $0x4000  }
0x196: {  	[sflag:s15] =	ssyncset.done $0x0  }
0x197: {  	s11 =	simm.s32 $0x8400;
	s29 =	rddreg [dreg:$0x16];
	[sflag:s15] =	ssyncadd.s32 $0xFFFFC000  }
0x198: {  	[hbm4b:s29+s4] =	stream.linear.scatter [tilespmem:s11], [sflag:$0x11], $0x4000, $0x38;
	[tilespmem:$0x1C400] =	vst v63  }
0x199: {  	s16 =	simm.s32 $0xF;
	s1 =	simm.s32 $0x100;
	s30 =	rddreg [dreg:$0x14]  }
0x19a: {  	[tilespmem:s1], [sflag:$0x3] =	stream.linear.gather [hbm4b:s30+s4], $0x80, $0x38;
	[tilespmem:$0x1C400] =	vst v63  }
0x19b: {  	_ =	swait.ge [sflag:s16], $0x4000  }
0x19c: {  	[sflag:s16] =	ssyncset.done $0x0  }
0x19d: {  	s31 =	simm.s32 $0x1;
	[sflag:s16] =	ssyncadd.s32 $0xFFFFC000  }
0x19e: {  	_ =	swait.ge [sflag:s31], $0x80  }
0x19f: {  	[sflag:s31] =	ssyncset.done $0x0  }
0x1a0: {  	s17 =	simm.s32 $0xB;
	[sflag:s31] =	ssyncadd.s32 $0xFFFFFF80  }
0x1a1: {  	[tilespmem:s10], [sflag:$0x8] =	stream.indirect.gather [hbm4b:s2+s18], $0x80, s4, s18, $0xb8;
	[tilespmem:$0x1C400] =	vst v63  }
0x1a2: {  	_ =	swait.ge [sflag:s17], $0x4000  }
0x1a3: {  	[sflag:s17] =	ssyncset.done $0x0  }
0x1a4: {  	s12 =	simm.s32 $0xC400;
	s8 =	rddreg [dreg:$0x17];
	[sflag:s17] =	ssyncadd.s32 $0xFFFFC000  }
0x1a5: {  	[hbm4b:s8+s4] =	stream.linear.scatter [tilespmem:s12], [sflag:$0x12], $0x4000, $0x38;
	[tilespmem:$0x1C400] =	vst v63  }
0x1a6: {  	s24 =	rddreg [dreg:$0x15];
	s8 =	simm.s32 $0x180  }
0x1a7: {  	[tilespmem:s8], [sflag:$0x4] =	stream.linear.gather [hbm4b:s24+s4], $0x80, $0x38;
	[tilespmem:$0x1C400] =	vst v63  }
0x1a8: {  	s24 =	simm.s32 $0x10  }
0x1a9: {  	_ =	swait.ge [sflag:s24], $0x4000  }
0x1aa: {  	[sflag:s24] =	ssyncset.done $0x0  }
0x1ab: {  	s26 =	simm.s32 $0x2;
	[sflag:s24] =	ssyncadd.s32 $0xFFFFC000  }
0x1ac: {  	_ =	swait.ge [sflag:s26], $0x80  }
0x1ad: {  	[sflag:s26] =	ssyncset.done $0x0  }
0x1ae: {  	s28 =	simm.s32 $0xC;
	[sflag:s26] =	ssyncadd.s32 $0xFFFFFF80  }
0x1af: {  	[tilespmem:s9], [sflag:$0x9] =	stream.indirect.gather [hbm4b:s2+s18], $0x80, s18, s18, $0xb8;
	[tilespmem:$0x1C400] =	vst v63  }
0x1b0: {  	_ =	swait.ge [sflag:s28], $0x4000  }
0x1b1: {  	[sflag:s28] =	ssyncset.done $0x0  }
0x1b2: {  	s30 =	simm.s32 $0x11;
	s29 =	rddreg [dreg:$0x18];
	[sflag:s28] =	ssyncadd.s32 $0xFFFFC000  }
0x1b3: {  	[hbm4b:s29+s4] =	stream.linear.scatter [tilespmem:s7], [sflag:$0x13], $0x4000, $0x38;
	[tilespmem:$0x1C400] =	vst v63  }
0x1b4: {  	_ =	swait.ge [sflag:s30], $0x4000  }
0x1b5: {  	[sflag:s30] =	ssyncset.done $0x0  }
0x1b6: {  	s31 =	simm.s32 $0x3;
	[sflag:s30] =	ssyncadd.s32 $0xFFFFC000  }
0x1b7: {  	_ =	swait.ge [sflag:s31], $0x80  }
0x1b8: {  	[sflag:s31] =	ssyncset.done $0x0  }
0x1b9: {  	[sflag:s31] =	ssyncadd.s32 $0xFFFFFF80  }
0x1ba: {  	[tilespmem:s11], [sflag:$0xA] =	stream.indirect.gather [hbm4b:s2+s18], $0x80, s1, s18, $0xb8;
	[tilespmem:$0x1C400] =	vst v63  }
0x1bb: {  	_ =	swait.ge [sflag:s19], $0x4000  }
0x1bc: {  	[sflag:s19] =	ssyncset.done $0x0  }
0x1bd: {  	s1 =	rddreg [dreg:$0x19];
	[sflag:s19] =	ssyncadd.s32 $0xFFFFC000  }
0x1be: {  	[hbm4b:s1+s4] =	stream.linear.scatter [tilespmem:s6], [sflag:$0x14], $0x4000, $0x38;
	[tilespmem:$0x1C400] =	vst v63  }
0x1bf: {  	_ =	swait.ge [sflag:s20], $0x4000  }
0x1c0: {  	[sflag:s20] =	ssyncset.done $0x0  }
0x1c1: {  	s6 =	simm.s32 $0x4;
	[sflag:s20] =	ssyncadd.s32 $0xFFFFC000  }
0x1c2: {  	_ =	swait.ge [sflag:s6], $0x80  }
0x1c3: {  	[sflag:s6] =	ssyncset.done $0x0  }
0x1c4: {  	[sflag:s6] =	ssyncadd.s32 $0xFFFFFF80  }
0x1c5: {  	[tilespmem:s12], [sflag:$0xB] =	stream.indirect.gather [hbm4b:s2+s18], $0x80, s8, s18, $0xb8;
	[tilespmem:$0x1C400] =	vst v63  }
0x1c6: {  	_ =	swait.ge [sflag:s21], $0x4000  }
0x1c7: {  	[sflag:s21] =	ssyncset.done $0x0  }
0x1c8: {  	s8 =	rddreg [dreg:$0x1a];
	[sflag:s21] =	ssyncadd.s32 $0xFFFFC000  }
0x1c9: {  	[hbm4b:s8+s4] =	stream.linear.scatter [tilespmem:s3], [sflag:$0x15], $0x4000, $0x38;
	[tilespmem:$0x1C400] =	vst v63  }
0x1ca: {  	_ =	swait.ge [sflag:s13], $0x4000  }
0x1cb: {  	[sflag:s13] =	ssyncset.done $0x0  }
0x1cc: {  	[sflag:s13] =	ssyncadd.s32 $0xFFFFC000;
	s13 =	rddreg [dreg:$0x1b]  }
0x1cd: {  	[hbm4b:s13+s4] =	stream.linear.scatter [tilespmem:s10], [sflag:$0xF], $0x4000, $0x38;
	[tilespmem:$0x1C400] =	vst v63  }
0x1ce: {  	_ =	swait.ge [sflag:s14], $0x4000  }
0x1cf: {  	[sflag:s14] =	ssyncset.done $0x0  }
0x1d0: {  	s26 =	rddreg [dreg:$0x1c];
	[sflag:s14] =	ssyncadd.s32 $0xFFFFC000  }
0x1d1: {  	[hbm4b:s26+s4] =	stream.linear.scatter [tilespmem:s9], [sflag:$0x10], $0x4000, $0x38;
	[tilespmem:$0x1C400] =	vst v63  }
0x1d2: {  	_ =	swait.ge [sflag:s15], $0x4000  }
0x1d3: {  	[sflag:s15] =	ssyncset.done $0x0  }
0x1d4: {  	s28 =	rddreg [dreg:$0x1d];
	[sflag:s15] =	ssyncadd.s32 $0xFFFFC000  }
0x1d5: {  	[hbm4b:s28+s4] =	stream.linear.scatter [tilespmem:s11], [sflag:$0x11], $0x4000, $0x38;
	[tilespmem:$0x1C400] =	vst v63  }
0x1d6: {  	_ =	swait.ge [sflag:s17], $0x4000  }
0x1d7: {  	[sflag:s17] =	ssyncset.done $0x0  }
0x1d8: {  	s29 =	rddreg [dreg:$0x1e];
	[sflag:s17] =	ssyncadd.s32 $0xFFFFC000  }
0x1d9: {  	[hbm4b:s29+s4] =	stream.linear.scatter [tilespmem:s12], [sflag:$0x12], $0x4000, $0x38;
	[tilespmem:$0x1C400] =	vst v63  }
0x1da: {  	_ =	swait.ge [sflag:s22], $0x4000  }
0x1db: {  	[sflag:s22] =	ssyncset.done $0x0  }
0x1dc: {  	[sflag:s22] =	ssyncadd.s32 $0xFFFFC000  }
0x1dd: {  	_ =	swait.ge [sflag:s23], $0x4000  }
0x1de: {  	[sflag:s23] =	ssyncset.done $0x0  }
0x1df: {  	[sflag:s23] =	ssyncadd.s32 $0xFFFFC000  }
0x1e0: {  	_ =	swait.ge [sflag:s25], $0x4000  }
0x1e1: {  	[sflag:s25] =	ssyncset.done $0x0  }
0x1e2: {  	[sflag:s25] =	ssyncadd.s32 $0xFFFFC000  }
0x1e3: {  	_ =	swait.ge [sflag:s16], $0x4000  }
0x1e4: {  	[sflag:s16] =	ssyncset.done $0x0  }
0x1e5: {  	[sflag:s16] =	ssyncadd.s32 $0xFFFFC000  }
0x1e6: {  	_ =	swait.ge [sflag:s24], $0x4000  }
0x1e7: {  	[sflag:s24] =	ssyncset.done $0x0  }
0x1e8: {  	[sflag:s24] =	ssyncadd.s32 $0xFFFFC000  }
0x1e9: {  	_ =	swait.ge [sflag:s30], $0x4000  }
0x1ea: {  	[sflag:s30] =	ssyncset.done $0x0  }
0x1eb: {  	[sflag:s30] =	ssyncadd.s32 $0xFFFFC000  }
0x1ec: {  	_ =	swait.ge [sflag:s20], $0x4000  }
0x1ed: {  	s30 =	sld [smem:$0x7F0];
	_ =	sdelay $0x2  }
0x1ee: {  	s31 =	rddreg [dreg:$0x1f];
	s1 =	sadd.s32 $0x1, s30  }
0x1ef: {  	p0 =	sne.s32 s1, s31  }
.Ltmp1:
0x1f0: {  	_ = 	snop;
	(pc) =	sbr.rel @p0 .LBB2_1-.Ltmp1, $3  }
0x1f1: {  	_ =	sdelay $0x1  }
0x1f2: {  	[sflag:s20] =	ssyncset.done $0x0  }
0x1f3: {  	[sflag:s20] =	ssyncadd.s32 $0xFFFFC000  }
0x1f4: {  	_ =	sfence.sel $0x180000  }
0x1f5: {  	[bflag:$0x0] =	sbarrier.arrive $0xFFFF  }
0x1f6: {  	_ =	strace $0x90000047  }
0x1f7: {  	s0 =	stileid.u32;
	[bflag:$0x2] =	sbarrier.arrive $0xFFFF  }
0x1f8: {  	p0 =	sne.s32 s0, $0x0;
	s0 =	rddreg [dreg:$0x3]  }
0x1f9: {  	s0 =	sadd.s32 @!p0 $0x100000, s0  }
0x1fa: {  	[sflag:s0] =	ssyncadd.tile.s32 @!p0 $0x1;
	_ =	shalt  }
.Lfunc_end2:
_tile_overlayer_lowered:
.L_overlay_start_2:
0x1fb: {  	(tag) =	ssettag $0x2  }
0x1fc: {  	s0 =	rddreg [dreg:$0x0];
	s2 =	stileid.u32  }
0x1fd: {  	s1 =	rddreg [dreg:$0x1];
	p0 =	sne.s32 s2, $0x0  }
0x1fe: {  	s3 =	rddreg [dreg:$0x2];
	[bflag:$0x3] =	sbarrier.arrive $0xFFFF;
	s2 =	simm.s32 @!p0 $0x1C16  }
0x1ff: {  	[timem:s3], [sflag:s2] =	dma.local @!p0 [hbm:s0], s1  }
0x200: {  	s0 =	simm.s32 @!p0 $0x16  }
0x201: {  	_ =	swait.ge @!p0 [sflag:s0], s1  }
0x202: {  	s1 =	ssub.s32 @!p0 $0x0, s1;
	[sflag:s0] =	ssyncset.done @!p0 $0x0  }
0x203: {  	[sflag:s0] =	ssyncadd.s32 @!p0 s1  }
0x204: {  	[bflag:$0x3] =	sbarrier.arrive $0xFFFF  }
0x205: {  	_ =	shalt  }

</sc_bundles>
